<compile_context>
chip_gen: v7x
topology: tpu7x:2x2x1
jax: 0.10.2.dev20260603
libtpu: 0.0.44.dev20260713+nightly
codegen_flags: <defaults>
</compile_context>

<pallas_src>
import functools

import jax
import jax.numpy as jnp
from jax import lax
from jax.experimental import pallas as pl
from jax.experimental.pallas import tpu as pltpu
from jax.experimental.pallas import tpu_sc as plsc

N = 10000
E = 320000
D = 128
DE = 16
EW = 24

NC = 2
NS = 16
NW = NC * NS
EP = E // NW
C = 80
NCHUNK = EP // C
NPAD = 10112
RPT = NPAD // NS
L = 16
NSLOT = 4


def _sc_body(h_hbm, ei_hbm, ea_hbm,
             aggh_hbm, agge_hbm,
             aggh_sh, agge_sh,
             ei_v, eat_v, ea_v, rows_v,
             idx_sem, gat_sem, sca_sem):
    c = lax.axis_index("c")
    s = lax.axis_index("s")
    wid = c * NS + s

    z16 = jnp.zeros((L,), jnp.float32)

    def _zrow(i, _):
        rows_v[0, i // 8, pl.ds((i % 8) * L, L)] = z16
        return 0
    lax.fori_loop(0, C * 8, _zrow, 0)

    def _zea(i, _):
        b = i // C
        r = i % C
        ea_v[b, r, pl.ds(0, L)] = z16
        ea_v[b, r, pl.ds(8, L)] = z16
        return 0
    lax.fori_loop(0, NSLOT * C, _zea, 0)

    for k in range(RPT // C):
        rws = pl.ds(s * RPT + k * C, C)
        pltpu.sync_copy(rows_v.at[0], aggh_sh.at[rws])
        pltpu.sync_copy(ea_v.at[0], agge_sh.at[rws])
    TAILR = RPT - (RPT // C) * C
    if TAILR:
        rws = pl.ds(s * RPT + (RPT // C) * C, TAILR)
        pltpu.sync_copy(rows_v.at[0, pl.ds(0, TAILR)], aggh_sh.at[rws])
        pltpu.sync_copy(ea_v.at[0, pl.ds(0, TAILR)], agge_sh.at[rws])

    lane = lax.iota(jnp.int32, L)
    o16 = jnp.ones((L,), jnp.float32)
    col_deg = jnp.full((L,), DE, jnp.int32)
    for b in range(NSLOT):
        for e0 in range(0, C, L):
            plsc.store_scatter(ea_v.at[b], [e0 + lane, col_deg], o16)

    plsc.subcore_barrier()

    ebase = wid * EP

    def _issue_idx(g, sb):
        off = ebase + g * C
        pltpu.async_copy(ei_hbm.at[:, pl.ds(off, C)], ei_v.at[sb],
                         idx_sem.at[sb])
        pltpu.async_copy(ea_hbm.at[:, pl.ds(off, C)], eat_v.at[sb],
                         idx_sem.at[sb])

    def _wait_idx(sb):
        pltpu.make_async_copy(ei_hbm.at[:, pl.ds(0, C)], ei_v.at[sb],
                              idx_sem.at[sb]).wait()
        pltpu.make_async_copy(ea_hbm.at[:, pl.ds(0, C)], eat_v.at[sb],
                              idx_sem.at[sb]).wait()

    def _issue_gather(rb, sb):
        pltpu.async_copy(h_hbm.at[ei_v.at[sb, 0]], rows_v.at[rb],
                         gat_sem.at[rb])

    def _wait_gather(rb, sb):
        pltpu.make_async_copy(h_hbm.at[ei_v.at[sb, 0]], rows_v.at[rb],
                              gat_sem.at[rb]).wait()

    def _issue_scatter(rb, sb):
        pltpu.async_copy(rows_v.at[rb], aggh_sh.at[ei_v.at[sb, 1]],
                         sca_sem.at[sb], add=True)
        pltpu.async_copy(ea_v.at[sb], agge_sh.at[ei_v.at[sb, 1]],
                         sca_sem.at[sb], add=True)

    def _drain_scatter(rb, sb):
        pltpu.make_async_copy(rows_v.at[rb], aggh_sh.at[ei_v.at[sb, 1]],
                              sca_sem.at[sb]).wait()
        pltpu.make_async_copy(ea_v.at[sb], agge_sh.at[ei_v.at[sb, 1]],
                              sca_sem.at[sb]).wait()

    def _transpose_ea(sb):
        for e0 in range(0, C, L):
            row_idx = e0 + lane
            for k in range(DE):
                v = eat_v[sb, k, pl.ds(e0, L)]
                plsc.store_scatter(ea_v.at[sb],
                                   [row_idx, jnp.full((L,), k, jnp.int32)],
                                   v)

    _issue_idx(0, 0)
    _issue_idx(1, 1)
    _wait_idx(0)
    _issue_gather(0, 0)

    def _chunk(g, _):
        rb = g % 2
        nrb = (g + 1) % 2
        sb = g % NSLOT

        @pl.when(g > 0)
        def _():
            _drain_scatter(nrb, (g - 1) % NSLOT)

        @pl.when(g + 1 < NCHUNK)
        def _():
            _wait_idx((g + 1) % NSLOT)
            _issue_gather(nrb, (g + 1) % NSLOT)

        _transpose_ea(sb)
        _wait_gather(rb, sb)
        _issue_scatter(rb, sb)

        @pl.when(g + 2 < NCHUNK)
        def _():
            _issue_idx(g + 2, (g + 2) % NSLOT)
        return 0
    lax.fori_loop(0, NCHUNK, _chunk, 0)

    _drain_scatter((NCHUNK - 1) % 2, (NCHUNK - 1) % NSLOT)
    plsc.subcore_barrier()

    rows = pl.ds(s * RPT, RPT)
    pltpu.sync_copy(aggh_sh.at[rows], aggh_hbm.at[c, rows])
    pltpu.sync_copy(agge_sh.at[rows], agge_hbm.at[c, rows])


def _sc_scatter(h, eiT, eaT):
    mesh = plsc.VectorSubcoreMesh(core_axis_name="c", subcore_axis_name="s")
    fn = functools.partial(
        pl.kernel, mesh=mesh,
        out_type=[
            jax.ShapeDtypeStruct((NC, NPAD, D), jnp.float32),
            jax.ShapeDtypeStruct((NC, NPAD, EW), jnp.float32),
        ],
        scratch_types=[
            pltpu.VMEM_SHARED((NPAD, D), jnp.float32),
            pltpu.VMEM_SHARED((NPAD, EW), jnp.float32),
            pltpu.VMEM((NSLOT, 2, C), jnp.int32),
            pltpu.VMEM((NSLOT, DE, C), jnp.float32),
            pltpu.VMEM((NSLOT, C, EW), jnp.float32),
            pltpu.VMEM((2, C, D), jnp.float32),
            pltpu.SemaphoreType.DMA((NSLOT,)),
            pltpu.SemaphoreType.DMA((2,)),
            pltpu.SemaphoreType.DMA((NSLOT,)),
        ],
        compiler_params=pltpu.CompilerParams(use_tc_tiling_on_sc=False,
                                             needs_layout_passes=False),
    )(_sc_body)
    return fn(h, eiT, eaT)


def _mlp_body(h_ref, ah_ref, ae_ref, wea_ref,
              w1_ref, b1_ref, w2_ref, b2_ref, o_ref):
    x = h_ref[...] + ah_ref[0] + ah_ref[1]
    e = ae_ref[0] + ae_ref[1]
    u = x + jnp.dot(e, wea_ref[...], preferred_element_type=jnp.float32)
    v = jnp.dot(u, w1_ref[...], preferred_element_type=jnp.float32) + b1_ref[...]
    v = 0.5 * v * (1.0 + lax.erf(v * 0.7071067811865476))
    o_ref[...] = jnp.dot(v, w2_ref[...], preferred_element_type=jnp.float32) + b2_ref[...]


def _tc_mlp(h, aggh, agge, We_aug, W1, b1, W2, b2):
    R = 1000
    grid = (N // R,)
    return pl.pallas_call(
        _mlp_body,
        grid=grid,
        in_specs=[
            pl.BlockSpec((R, D), lambda i: (i, 0)),
            pl.BlockSpec((NC, R, D), lambda i: (0, i, 0)),
            pl.BlockSpec((NC, R, EW), lambda i: (0, i, 0)),
            pl.BlockSpec((EW, D), lambda i: (0, 0)),
            pl.BlockSpec((D, D), lambda i: (0, 0)),
            pl.BlockSpec((1, D), lambda i: (0, 0)),
            pl.BlockSpec((D, D), lambda i: (0, 0)),
            pl.BlockSpec((1, D), lambda i: (0, 0)),
        ],
        out_specs=pl.BlockSpec((R, D), lambda i: (i, 0)),
        out_shape=jax.ShapeDtypeStruct((N, D), jnp.float32),
    )(h, aggh, agge, We_aug, W1, b1, W2, b2)


def kernel(h, edge_index, edge_attr, We, be, W1, b1, W2, b2):
    eiT = edge_index.T
    eaT = edge_attr.T
    aggh, agge = _sc_scatter(h, eiT, eaT)
    We_aug = jnp.concatenate(
        [We, be[None, :], jnp.zeros((EW - DE - 1, D), jnp.float32)], axis=0)
    return _tc_mlp(h, aggh, agge, We_aug, W1, b1.reshape(1, D),
                   W2, b2.reshape(1, D))

# --- scband reference (transcript-rebuilt; emitter-appended) ---
"""Pipeline reference for scband-pafdtabackbone-74053826117708 (READ-ONLY COPY).

The authoritative reference and input builder live on the scoring server;
editing this copy changes nothing except your own understanding.
"""

import jax, jax.numpy as jnp
import numpy as np

N = 10000
E = 320000
D = 128
DE = 16


def setup_inputs(seed: int = 0) -> dict:
    key = jax.random.key(seed)
    ks = jax.random.split(key, 10)
    h = jax.random.normal(ks[0], (N, D), dtype=jnp.float32)
    edge_index = jax.random.randint(ks[1], (E, 2), 0, N, dtype=jnp.int32)
    edge_attr = jax.random.normal(ks[2], (E, DE), dtype=jnp.float32)
    # edge_fc: Linear(edge_feat_dim=16, hidden_dim=128)
    We = jax.random.normal(ks[3], (DE, D), dtype=jnp.float32) * (1.0 / np.sqrt(DE))
    be = jnp.zeros((D,), dtype=jnp.float32)
    # mlp: Linear(128,128) -> GELU -> Linear(128,128)
    W1 = jax.random.normal(ks[4], (D, D), dtype=jnp.float32) * (1.0 / np.sqrt(D))
    b1 = jnp.zeros((D,), dtype=jnp.float32)
    W2 = jax.random.normal(ks[5], (D, D), dtype=jnp.float32) * (1.0 / np.sqrt(D))
    b2 = jnp.zeros((D,), dtype=jnp.float32)
    return {"h": h, "edge_index": edge_index, "edge_attr": edge_attr,
            "We": We, "be": be, "W1": W1, "b1": b1, "W2": W2, "b2": b2}


def reference(h, edge_index, edge_attr, We, be, W1, b1, W2, b2):
    # _SimpleGINLayer.forward
    src = edge_index[:, 0]
    dst = edge_index[:, 1]
    # message: h_u + W_e(e_{uv})
    msg = h[src] + (edge_attr @ We + be)
    # aggregate: scatter-add over destination nodes
    agg = jnp.zeros_like(h).at[dst].add(msg)
    # update: MLP(h_v + sum msg)
    out = h + agg
    out = out @ W1 + b1
    out = jax.nn.gelu(out, approximate=False)  # torch nn.GELU default (erf)
    out = out @ W2 + b2
    return out

if __name__ == "__main__":
    import jax
    _d = setup_inputs()
    print(jax.jit(kernel)(*tuple(_d.values())))

</pallas_src>

<mosaic_0001>
#map = affine_map<(d0, d1) -> (0, 0)>
#map1 = affine_map<(d0, d1) -> (0, 0, 0)>
module attributes {stable_mosaic.version = 14 : i64} {
  func.func @_sc_body(%arg0: i32, %arg1: i32, %arg2: memref<10000x128xf32, #tpu.memory_space<hbm>>, %arg3: memref<2x320000xi32, #tpu.memory_space<hbm>>, %arg4: memref<16x320000xf32, #tpu.memory_space<hbm>>, %arg5: memref<2x10112x128xf32, #tpu.memory_space<hbm>>, %arg6: memref<2x10112x24xf32, #tpu.memory_space<hbm>>, %arg7: memref<10112x128xf32, #tpu.memory_space<vmem_shared>>, %arg8: memref<10112x24xf32, #tpu.memory_space<vmem_shared>>, %arg9: memref<4x2x80xi32, #tpu.memory_space<vmem>>, %arg10: memref<4x16x80xf32, #tpu.memory_space<vmem>>, %arg11: memref<4x80x24xf32, #tpu.memory_space<vmem>>, %arg12: memref<2x80x128xf32, #tpu.memory_space<vmem>>, %arg13: memref<4x!tpu.dma_semaphore, #tpu.memory_space<semaphore_mem>>, %arg14: memref<2x!tpu.dma_semaphore, #tpu.memory_space<semaphore_mem>>, %arg15: memref<4x!tpu.dma_semaphore, #tpu.memory_space<semaphore_mem>>) attributes {dimension_semantics = [#tpu.dimension_semantics<core_parallel>, #tpu.dimension_semantics<subcore_parallel>], iteration_bounds = array<i64: 2, 16>, scalar_prefetch = 0 : i64, scratch_operands = 9 : i64, tpu.core_type = #tpu.core_type<sc_vector_subcore>, window_params = [{transform_indices = #map}, {transform_indices = #map}, {transform_indices = #map}, {transform_indices = #map1}, {transform_indices = #map1}]} {
    %mul3A = arith.constant 16 : i32
    %mul3A_0 = arith.muli %arg0, %mul3A : i32
    %add3A = arith.addi %mul3A_0, %arg1 : i32
    %broadcast_in_dim3A = arith.constant 0.000000e+00 : f32
    %broadcast_in_dim3A_1 = vector.broadcast %broadcast_in_dim3A : f32 to vector<16xf32>
    %scan3A = arith.constant 0 : i32
    %scan3A_2 = arith.constant 0 : i32
    %scan3A_3 = arith.constant 640 : i32
    %scan3A_4 = arith.addi %scan3A_2, %scan3A_3 : i32
    %scan3A_5 = arith.constant 1 : i32
    %scan3A_6 = scf.for %scan3A_387 = %scan3A_2 to %scan3A_4 step %scan3A_5 iter_args(%scan3A_388 = %scan3A) -> (i32)  : i32 {
      %jit3A = arith.constant 8 : i32
      %div3A = arith.divsi %scan3A_387, %jit3A : i32
      %sign3A = arith.constant 0 : i32
      %sign3A_389 = arith.cmpi sgt, %scan3A_387, %sign3A : i32
      %sign3A_390 = arith.extui %sign3A_389 : i1 to i32
      %sign3A_391 = arith.constant 0 : i32
      %sign3A_392 = arith.cmpi slt, %scan3A_387, %sign3A_391 : i32
      %sign3A_393 = arith.extui %sign3A_392 : i1 to i32
      %sign3A_394 = arith.subi %sign3A_390, %sign3A_393 : i32
      %sign3A_395 = arith.constant 0 : i32
      %sign3A_396 = arith.cmpi sgt, %jit3A, %sign3A_395 : i32
      %sign3A_397 = arith.extui %sign3A_396 : i1 to i32
      %sign3A_398 = arith.constant 0 : i32
      %sign3A_399 = arith.cmpi slt, %jit3A, %sign3A_398 : i32
      %sign3A_400 = arith.extui %sign3A_399 : i1 to i32
      %sign3A_401 = arith.subi %sign3A_397, %sign3A_400 : i32
      %ne3A = arith.cmpi ne, %sign3A_394, %sign3A_401 : i32
      %rem3A = arith.remsi %scan3A_387, %jit3A : i32
      %ne3A_402 = arith.constant 0 : i32
      %ne3A_403 = arith.cmpi ne, %rem3A, %ne3A_402 : i32
      %and3A = arith.andi %ne3A, %ne3A_403 : i1
      %sub3A = arith.constant 1 : i32
      %sub3A_404 = arith.subi %div3A, %sub3A : i32
      %select_n3A = arith.select %and3A, %sub3A_404, %div3A : i32
      %jit3A_405 = arith.constant 8 : i32
      %eq3A = arith.constant 0 : i32
      %eq3A_406 = arith.cmpi eq, %jit3A_405, %eq3A : i32
      %jit3A_407 = arith.constant 1 : i32
      %select_n3A_408 = arith.select %eq3A_406, %jit3A_407, %jit3A_405 : i32
      %rem3A_409 = arith.remsi %scan3A_387, %select_n3A_408 : i32
      %ne3A_410 = arith.constant 0 : i32
      %ne3A_411 = arith.cmpi ne, %rem3A_409, %ne3A_410 : i32
      %lt3A = arith.constant 0 : i32
      %lt3A_412 = arith.cmpi slt, %rem3A_409, %lt3A : i32
      %lt3A_413 = arith.constant 0 : i32
      %lt3A_414 = arith.cmpi slt, %select_n3A_408, %lt3A_413 : i32
      %ne3A_415 = arith.xori %lt3A_412, %lt3A_414 : i1
      %and3A_416 = arith.andi %ne3A_415, %ne3A_411 : i1
      %add3A_417 = arith.addi %rem3A_409, %select_n3A_408 : i32
      %select_n3A_418 = arith.select %and3A_416, %add3A_417, %rem3A_409 : i32
      %mul3A_419 = arith.constant 16 : i32
      %mul3A_420 = arith.muli %select_n3A_418, %mul3A_419 : i32
      %swap3A = arith.constant 0 : i32
      %swap3A_421 = arith.index_cast %swap3A : i32 to index
      %swap3A_422 = arith.index_cast %select_n3A : i32 to index
      %swap3A_423 = arith.index_cast %mul3A_420 : i32 to index
      %swap3A_424 = tpu.vector_load %arg12[%swap3A_421, %swap3A_422, %swap3A_423] {strides = array<i32>} : memref<2x80x128xf32, #tpu.memory_space<vmem>>, vector<16xf32>,
      tpu.vector_store %arg12[%swap3A_421, %swap3A_422, %swap3A_423], %broadcast_in_dim3A_1 {strides = array<i32>} : memref<2x80x128xf32, #tpu.memory_space<vmem>>, vector<16xf32>,
      %scan3A_425 = arith.constant 0 : i32
      scf.yield %scan3A_425 : i32
    }
    %scan3A_7 = arith.constant 640 : i32
    %scan3A_8 = arith.constant 0 : i32
    %scan3A_9 = arith.constant 0 : i32
    %scan3A_10 = arith.constant 320 : i32
    %scan3A_11 = arith.addi %scan3A_9, %scan3A_10 : i32
    %scan3A_12 = arith.constant 1 : i32
    %scan3A_13 = scf.for %scan3A_387 = %scan3A_9 to %scan3A_11 step %scan3A_12 iter_args(%scan3A_388 = %scan3A_8) -> (i32)  : i32 {
      %jit3A = arith.constant 80 : i32
      %div3A = arith.divsi %scan3A_387, %jit3A : i32
      %sign3A = arith.constant 0 : i32
      %sign3A_389 = arith.cmpi sgt, %scan3A_387, %sign3A : i32
      %sign3A_390 = arith.extui %sign3A_389 : i1 to i32
      %sign3A_391 = arith.constant 0 : i32
      %sign3A_392 = arith.cmpi slt, %scan3A_387, %sign3A_391 : i32
      %sign3A_393 = arith.extui %sign3A_392 : i1 to i32
      %sign3A_394 = arith.subi %sign3A_390, %sign3A_393 : i32
      %sign3A_395 = arith.constant 0 : i32
      %sign3A_396 = arith.cmpi sgt, %jit3A, %sign3A_395 : i32
      %sign3A_397 = arith.extui %sign3A_396 : i1 to i32
      %sign3A_398 = arith.constant 0 : i32
      %sign3A_399 = arith.cmpi slt, %jit3A, %sign3A_398 : i32
      %sign3A_400 = arith.extui %sign3A_399 : i1 to i32
      %sign3A_401 = arith.subi %sign3A_397, %sign3A_400 : i32
      %ne3A = arith.cmpi ne, %sign3A_394, %sign3A_401 : i32
      %rem3A = arith.remsi %scan3A_387, %jit3A : i32
      %ne3A_402 = arith.constant 0 : i32
      %ne3A_403 = arith.cmpi ne, %rem3A, %ne3A_402 : i32
      %and3A = arith.andi %ne3A, %ne3A_403 : i1
      %sub3A = arith.constant 1 : i32
      %sub3A_404 = arith.subi %div3A, %sub3A : i32
      %select_n3A = arith.select %and3A, %sub3A_404, %div3A : i32
      %jit3A_405 = arith.constant 80 : i32
      %eq3A = arith.constant 0 : i32
      %eq3A_406 = arith.cmpi eq, %jit3A_405, %eq3A : i32
      %jit3A_407 = arith.constant 1 : i32
      %select_n3A_408 = arith.select %eq3A_406, %jit3A_407, %jit3A_405 : i32
      %rem3A_409 = arith.remsi %scan3A_387, %select_n3A_408 : i32
      %ne3A_410 = arith.constant 0 : i32
      %ne3A_411 = arith.cmpi ne, %rem3A_409, %ne3A_410 : i32
      %lt3A = arith.constant 0 : i32
      %lt3A_412 = arith.cmpi slt, %rem3A_409, %lt3A : i32
      %lt3A_413 = arith.constant 0 : i32
      %lt3A_414 = arith.cmpi slt, %select_n3A_408, %lt3A_413 : i32
      %ne3A_415 = arith.xori %lt3A_412, %lt3A_414 : i1
      %and3A_416 = arith.andi %ne3A_415, %ne3A_411 : i1
      %add3A_417 = arith.addi %rem3A_409, %select_n3A_408 : i32
      %select_n3A_418 = arith.select %and3A_416, %add3A_417, %rem3A_409 : i32
      %swap3A = arith.index_cast %select_n3A : i32 to index
      %swap3A_419 = arith.index_cast %select_n3A_418 : i32 to index
      %swap3A_420 = arith.constant 0 : index
      %swap3A_421 = tpu.vector_load %arg11[%swap3A, %swap3A_419, %swap3A_420] {strides = array<i32>} : memref<4x80x24xf32, #tpu.memory_space<vmem>>, vector<16xf32>,
      tpu.vector_store %arg11[%swap3A, %swap3A_419, %swap3A_420], %broadcast_in_dim3A_1 {strides = array<i32>} : memref<4x80x24xf32, #tpu.memory_space<vmem>>, vector<16xf32>,
      %swap3A_422 = arith.index_cast %select_n3A : i32 to index
      %swap3A_423 = arith.index_cast %select_n3A_418 : i32 to index
      %swap3A_424 = arith.constant 8 : index
      %swap3A_425 = tpu.vector_load %arg11[%swap3A_422, %swap3A_423, %swap3A_424] {strides = array<i32>} : memref<4x80x24xf32, #tpu.memory_space<vmem>>, vector<16xf32>,
      tpu.vector_store %arg11[%swap3A_422, %swap3A_423, %swap3A_424], %broadcast_in_dim3A_1 {strides = array<i32>} : memref<4x80x24xf32, #tpu.memory_space<vmem>>, vector<16xf32>,
      %scan3A_426 = arith.constant 0 : i32
      scf.yield %scan3A_426 : i32
    }
    %scan3A_14 = arith.constant 320 : i32
    %mul3A_15 = arith.constant 632 : i32
    %mul3A_16 = arith.muli %arg1, %mul3A_15 : i32
    %add3A_17 = arith.constant 0 : i32
    %add3A_18 = arith.addi %mul3A_16, %add3A_17 : i32
    %run_scoped3A = arith.constant 0 : i32
    "tpu.region"() ({
      %run_scoped3A_387 = tpu.sem_alloc : memref<!tpu.dma_semaphore, #tpu.memory_space<semaphore_mem>>
      %dma_start3A_388 = arith.constant 0 : i32
      %dma_start3A_389 = arith.constant 0 : i32
      %dma_start3A_390 = tpu.memref_slice %arg12[%run_scoped3A, %dma_start3A_388, %dma_start3A_389] : memref<2x80x128xf32, #tpu.memory_space<vmem>> -> memref<1x80x128xf32, #tpu.memory_space<vmem>>
      %dma_start3A_391 = tpu.memref_squeeze %dma_start3A_390 : memref<1x80x128xf32, #tpu.memory_space<vmem>> -> memref<80x128xf32, #tpu.memory_space<vmem>>
      %dma_start3A_392 = arith.constant 0 : i32
      %dma_start3A_393 = tpu.memref_slice %arg7[%add3A_18, %dma_start3A_392] : memref<10112x128xf32, #tpu.memory_space<vmem_shared>> -> memref<80x128xf32, #tpu.memory_space<vmem_shared>>
      %dma_start3A_394 = arith.constant 0 : i32
      %dma_start3A_395 = tpu.memref_slice %arg7[%add3A_18, %dma_start3A_394] : memref<10112x128xf32, #tpu.memory_space<vmem_shared>> -> memref<80x128xf32, #tpu.memory_space<vmem_shared>>
      %dma_start3A_396 = arith.constant 0 : i32
      %dma_start3A_397 = arith.constant 0 : i32
      %dma_start3A_398 = tpu.memref_slice %arg12[%run_scoped3A, %dma_start3A_396, %dma_start3A_397] : memref<2x80x128xf32, #tpu.memory_space<vmem>> -> memref<1x80x128xf32, #tpu.memory_space<vmem>>
      %dma_start3A_399 = tpu.memref_squeeze %dma_start3A_398 : memref<1x80x128xf32, #tpu.memory_space<vmem>> -> memref<80x128xf32, #tpu.memory_space<vmem>>
      tpu.enqueue_dma source(%dma_start3A_399 : memref<80x128xf32, #tpu.memory_space<vmem>>) target(%dma_start3A_395 : memref<80x128xf32, #tpu.memory_space<vmem_shared>>) target_semaphore(%run_scoped3A_387 : memref<!tpu.dma_semaphore, #tpu.memory_space<semaphore_mem>>)
      %dma_wait3A_400 = arith.constant 0 : i32
      %dma_wait3A_401 = arith.constant 0 : i32
      %dma_wait3A_402 = tpu.memref_slice %arg12[%run_scoped3A, %dma_wait3A_400, %dma_wait3A_401] : memref<2x80x128xf32, #tpu.memory_space<vmem>> -> memref<1x80x128xf32, #tpu.memory_space<vmem>>
      %dma_wait3A_403 = tpu.memref_squeeze %dma_wait3A_402 : memref<1x80x128xf32, #tpu.memory_space<vmem>> -> memref<80x128xf32, #tpu.memory_space<vmem>>
      %dma_wait3A_404 = arith.constant 0 : i32
      %dma_wait3A_405 = tpu.memref_slice %arg7[%add3A_18, %dma_wait3A_404] : memref<10112x128xf32, #tpu.memory_space<vmem_shared>> -> memref<80x128xf32, #tpu.memory_space<vmem_shared>>
      %dma_wait3A_406 = arith.constant 0 : i32
      %dma_wait3A_407 = tpu.memref_slice %arg7[%add3A_18, %dma_wait3A_406] : memref<10112x128xf32, #tpu.memory_space<vmem_shared>> -> memref<80x128xf32, #tpu.memory_space<vmem_shared>>
      %dma_wait3A_408 = arith.constant 0 : i32
      %dma_wait3A_409 = arith.constant 0 : i32
      %dma_wait3A_410 = tpu.memref_slice %arg12[%run_scoped3A, %dma_wait3A_408, %dma_wait3A_409] : memref<2x80x128xf32, #tpu.memory_space<vmem>> -> memref<1x80x128xf32, #tpu.memory_space<vmem>>
      %dma_wait3A_411 = tpu.memref_squeeze %dma_wait3A_410 : memref<1x80x128xf32, #tpu.memory_space<vmem>> -> memref<80x128xf32, #tpu.memory_space<vmem>>
      tpu.wait_dma2 semaphore(%run_scoped3A_387 : memref<!tpu.dma_semaphore, #tpu.memory_space<semaphore_mem>>) src(%dma_wait3A_411 : memref<80x128xf32, #tpu.memory_space<vmem>>) dst(%dma_wait3A_407 : memref<80x128xf32, #tpu.memory_space<vmem_shared>>)
      tpu.yield
    }) : () -> ()
    %run_scoped3A_19 = arith.constant 0 : i32
    "tpu.region"() ({
      %run_scoped3A_387 = tpu.sem_alloc : memref<!tpu.dma_semaphore, #tpu.memory_space<semaphore_mem>>
      %dma_start3A_388 = arith.constant 0 : i32
      %dma_start3A_389 = arith.constant 0 : i32
      %dma_start3A_390 = tpu.memref_slice %arg11[%run_scoped3A_19, %dma_start3A_388, %dma_start3A_389] : memref<4x80x24xf32, #tpu.memory_space<vmem>> -> memref<1x80x24xf32, #tpu.memory_space<vmem>>
      %dma_start3A_391 = tpu.memref_squeeze %dma_start3A_390 : memref<1x80x24xf32, #tpu.memory_space<vmem>> -> memref<80x24xf32, #tpu.memory_space<vmem>>
      %dma_start3A_392 = arith.constant 0 : i32
      %dma_start3A_393 = tpu.memref_slice %arg8[%add3A_18, %dma_start3A_392] : memref<10112x24xf32, #tpu.memory_space<vmem_shared>> -> memref<80x24xf32, #tpu.memory_space<vmem_shared>>
      %dma_start3A_394 = arith.constant 0 : i32
      %dma_start3A_395 = tpu.memref_slice %arg8[%add3A_18, %dma_start3A_394] : memref<10112x24xf32, #tpu.memory_space<vmem_shared>> -> memref<80x24xf32, #tpu.memory_space<vmem_shared>>
      %dma_start3A_396 = arith.constant 0 : i32
      %dma_start3A_397 = arith.constant 0 : i32
      %dma_start3A_398 = tpu.memref_slice %arg11[%run_scoped3A_19, %dma_start3A_396, %dma_start3A_397] : memref<4x80x24xf32, #tpu.memory_space<vmem>> -> memref<1x80x24xf32, #tpu.memory_space<vmem>>
      %dma_start3A_399 = tpu.memref_squeeze %dma_start3A_398 : memref<1x80x24xf32, #tpu.memory_space<vmem>> -> memref<80x24xf32, #tpu.memory_space<vmem>>
      tpu.enqueue_dma source(%dma_start3A_399 : memref<80x24xf32, #tpu.memory_space<vmem>>) target(%dma_start3A_395 : memref<80x24xf32, #tpu.memory_space<vmem_shared>>) target_semaphore(%run_scoped3A_387 : memref<!tpu.dma_semaphore, #tpu.memory_space<semaphore_mem>>)
      %dma_wait3A_400 = arith.constant 0 : i32
      %dma_wait3A_401 = arith.constant 0 : i32
      %dma_wait3A_402 = tpu.memref_slice %arg11[%run_scoped3A_19, %dma_wait3A_400, %dma_wait3A_401] : memref<4x80x24xf32, #tpu.memory_space<vmem>> -> memref<1x80x24xf32, #tpu.memory_space<vmem>>
      %dma_wait3A_403 = tpu.memref_squeeze %dma_wait3A_402 : memref<1x80x24xf32, #tpu.memory_space<vmem>> -> memref<80x24xf32, #tpu.memory_space<vmem>>
      %dma_wait3A_404 = arith.constant 0 : i32
      %dma_wait3A_405 = tpu.memref_slice %arg8[%add3A_18, %dma_wait3A_404] : memref<10112x24xf32, #tpu.memory_space<vmem_shared>> -> memref<80x24xf32, #tpu.memory_space<vmem_shared>>
      %dma_wait3A_406 = arith.constant 0 : i32
      %dma_wait3A_407 = tpu.memref_slice %arg8[%add3A_18, %dma_wait3A_406] : memref<10112x24xf32, #tpu.memory_space<vmem_shared>> -> memref<80x24xf32, #tpu.memory_space<vmem_shared>>
      %dma_wait3A_408 = arith.constant 0 : i32
      %dma_wait3A_409 = arith.constant 0 : i32
      %dma_wait3A_410 = tpu.memref_slice %arg11[%run_scoped3A_19, %dma_wait3A_408, %dma_wait3A_409] : memref<4x80x24xf32, #tpu.memory_space<vmem>> -> memref<1x80x24xf32, #tpu.memory_space<vmem>>
      %dma_wait3A_411 = tpu.memref_squeeze %dma_wait3A_410 : memref<1x80x24xf32, #tpu.memory_space<vmem>> -> memref<80x24xf32, #tpu.memory_space<vmem>>
      tpu.wait_dma2 semaphore(%run_scoped3A_387 : memref<!tpu.dma_semaphore, #tpu.memory_space<semaphore_mem>>) src(%dma_wait3A_411 : memref<80x24xf32, #tpu.memory_space<vmem>>) dst(%dma_wait3A_407 : memref<80x24xf32, #tpu.memory_space<vmem_shared>>)
      tpu.yield
    }) : () -> ()
    %mul3A_20 = arith.constant 632 : i32
    %mul3A_21 = arith.muli %arg1, %mul3A_20 : i32
    %add3A_22 = arith.constant 80 : i32
    %add3A_23 = arith.addi %mul3A_21, %add3A_22 : i32
    %run_scoped3A_24 = arith.constant 0 : i32
    "tpu.region"() ({
      %run_scoped3A_387 = tpu.sem_alloc : memref<!tpu.dma_semaphore, #tpu.memory_space<semaphore_mem>>
      %dma_start3A_388 = arith.constant 0 : i32
      %dma_start3A_389 = arith.constant 0 : i32
      %dma_start3A_390 = tpu.memref_slice %arg12[%run_scoped3A_24, %dma_start3A_388, %dma_start3A_389] : memref<2x80x128xf32, #tpu.memory_space<vmem>> -> memref<1x80x128xf32, #tpu.memory_space<vmem>>
      %dma_start3A_391 = tpu.memref_squeeze %dma_start3A_390 : memref<1x80x128xf32, #tpu.memory_space<vmem>> -> memref<80x128xf32, #tpu.memory_space<vmem>>
      %dma_start3A_392 = arith.constant 0 : i32
      %dma_start3A_393 = tpu.memref_slice %arg7[%add3A_23, %dma_start3A_392] : memref<10112x128xf32, #tpu.memory_space<vmem_shared>> -> memref<80x128xf32, #tpu.memory_space<vmem_shared>>
      %dma_start3A_394 = arith.constant 0 : i32
      %dma_start3A_395 = tpu.memref_slice %arg7[%add3A_23, %dma_start3A_394] : memref<10112x128xf32, #tpu.memory_space<vmem_shared>> -> memref<80x128xf32, #tpu.memory_space<vmem_shared>>
      %dma_start3A_396 = arith.constant 0 : i32
      %dma_start3A_397 = arith.constant 0 : i32
      %dma_start3A_398 = tpu.memref_slice %arg12[%run_scoped3A_24, %dma_start3A_396, %dma_start3A_397] : memref<2x80x128xf32, #tpu.memory_space<vmem>> -> memref<1x80x128xf32, #tpu.memory_space<vmem>>
      %dma_start3A_399 = tpu.memref_squeeze %dma_start3A_398 : memref<1x80x128xf32, #tpu.memory_space<vmem>> -> memref<80x128xf32, #tpu.memory_space<vmem>>
      tpu.enqueue_dma source(%dma_start3A_399 : memref<80x128xf32, #tpu.memory_space<vmem>>) target(%dma_start3A_395 : memref<80x128xf32, #tpu.memory_space<vmem_shared>>) target_semaphore(%run_scoped3A_387 : memref<!tpu.dma_semaphore, #tpu.memory_space<semaphore_mem>>)
      %dma_wait3A_400 = arith.constant 0 : i32
      %dma_wait3A_401 = arith.constant 0 : i32
      %dma_wait3A_402 = tpu.memref_slice %arg12[%run_scoped3A_24, %dma_wait3A_400, %dma_wait3A_401] : memref<2x80x128xf32, #tpu.memory_space<vmem>> -> memref<1x80x128xf32, #tpu.memory_space<vmem>>
      %dma_wait3A_403 = tpu.memref_squeeze %dma_wait3A_402 : memref<1x80x128xf32, #tpu.memory_space<vmem>> -> memref<80x128xf32, #tpu.memory_space<vmem>>
      %dma_wait3A_404 = arith.constant 0 : i32
      %dma_wait3A_405 = tpu.memref_slice %arg7[%add3A_23, %dma_wait3A_404] : memref<10112x128xf32, #tpu.memory_space<vmem_shared>> -> memref<80x128xf32, #tpu.memory_space<vmem_shared>>
      %dma_wait3A_406 = arith.constant 0 : i32
      %dma_wait3A_407 = tpu.memref_slice %arg7[%add3A_23, %dma_wait3A_406] : memref<10112x128xf32, #tpu.memory_space<vmem_shared>> -> memref<80x128xf32, #tpu.memory_space<vmem_shared>>
      %dma_wait3A_408 = arith.constant 0 : i32
      %dma_wait3A_409 = arith.constant 0 : i32
      %dma_wait3A_410 = tpu.memref_slice %arg12[%run_scoped3A_24, %dma_wait3A_408, %dma_wait3A_409] : memref<2x80x128xf32, #tpu.memory_space<vmem>> -> memref<1x80x128xf32, #tpu.memory_space<vmem>>
      %dma_wait3A_411 = tpu.memref_squeeze %dma_wait3A_410 : memref<1x80x128xf32, #tpu.memory_space<vmem>> -> memref<80x128xf32, #tpu.memory_space<vmem>>
      tpu.wait_dma2 semaphore(%run_scoped3A_387 : memref<!tpu.dma_semaphore, #tpu.memory_space<semaphore_mem>>) src(%dma_wait3A_411 : memref<80x128xf32, #tpu.memory_space<vmem>>) dst(%dma_wait3A_407 : memref<80x128xf32, #tpu.memory_space<vmem_shared>>)
      tpu.yield
    }) : () -> ()
    %run_scoped3A_25 = arith.constant 0 : i32
    "tpu.region"() ({
      %run_scoped3A_387 = tpu.sem_alloc : memref<!tpu.dma_semaphore, #tpu.memory_space<semaphore_mem>>
      %dma_start3A_388 = arith.constant 0 : i32
      %dma_start3A_389 = arith.constant 0 : i32
      %dma_start3A_390 = tpu.memref_slice %arg11[%run_scoped3A_25, %dma_start3A_388, %dma_start3A_389] : memref<4x80x24xf32, #tpu.memory_space<vmem>> -> memref<1x80x24xf32, #tpu.memory_space<vmem>>
      %dma_start3A_391 = tpu.memref_squeeze %dma_start3A_390 : memref<1x80x24xf32, #tpu.memory_space<vmem>> -> memref<80x24xf32, #tpu.memory_space<vmem>>
      %dma_start3A_392 = arith.constant 0 : i32
      %dma_start3A_393 = tpu.memref_slice %arg8[%add3A_23, %dma_start3A_392] : memref<10112x24xf32, #tpu.memory_space<vmem_shared>> -> memref<80x24xf32, #tpu.memory_space<vmem_shared>>
      %dma_start3A_394 = arith.constant 0 : i32
      %dma_start3A_395 = tpu.memref_slice %arg8[%add3A_23, %dma_start3A_394] : memref<10112x24xf32, #tpu.memory_space<vmem_shared>> -> memref<80x24xf32, #tpu.memory_space<vmem_shared>>
      %dma_start3A_396 = arith.constant 0 : i32
      %dma_start3A_397 = arith.constant 0 : i32
      %dma_start3A_398 = tpu.memref_slice %arg11[%run_scoped3A_25, %dma_start3A_396, %dma_start3A_397] : memref<4x80x24xf32, #tpu.memory_space<vmem>> -> memref<1x80x24xf32, #tpu.memory_space<vmem>>
      %dma_start3A_399 = tpu.memref_squeeze %dma_start3A_398 : memref<1x80x24xf32, #tpu.memory_space<vmem>> -> memref<80x24xf32, #tpu.memory_space<vmem>>
      tpu.enqueue_dma source(%dma_start3A_399 : memref<80x24xf32, #tpu.memory_space<vmem>>) target(%dma_start3A_395 : memref<80x24xf32, #tpu.memory_space<vmem_shared>>) target_semaphore(%run_scoped3A_387 : memref<!tpu.dma_semaphore, #tpu.memory_space<semaphore_mem>>)
      %dma_wait3A_400 = arith.constant 0 : i32
      %dma_wait3A_401 = arith.constant 0 : i32
      %dma_wait3A_402 = tpu.memref_slice %arg11[%run_scoped3A_25, %dma_wait3A_400, %dma_wait3A_401] : memref<4x80x24xf32, #tpu.memory_space<vmem>> -> memref<1x80x24xf32, #tpu.memory_space<vmem>>
      %dma_wait3A_403 = tpu.memref_squeeze %dma_wait3A_402 : memref<1x80x24xf32, #tpu.memory_space<vmem>> -> memref<80x24xf32, #tpu.memory_space<vmem>>
      %dma_wait3A_404 = arith.constant 0 : i32
      %dma_wait3A_405 = tpu.memref_slice %arg8[%add3A_23, %dma_wait3A_404] : memref<10112x24xf32, #tpu.memory_space<vmem_shared>> -> memref<80x24xf32, #tpu.memory_space<vmem_shared>>
      %dma_wait3A_406 = arith.constant 0 : i32
      %dma_wait3A_407 = tpu.memref_slice %arg8[%add3A_23, %dma_wait3A_406] : memref<10112x24xf32, #tpu.memory_space<vmem_shared>> -> memref<80x24xf32, #tpu.memory_space<vmem_shared>>
      %dma_wait3A_408 = arith.constant 0 : i32
      %dma_wait3A_409 = arith.constant 0 : i32
      %dma_wait3A_410 = tpu.memref_slice %arg11[%run_scoped3A_25, %dma_wait3A_408, %dma_wait3A_409] : memref<4x80x24xf32, #tpu.memory_space<vmem>> -> memref<1x80x24xf32, #tpu.memory_space<vmem>>
      %dma_wait3A_411 = tpu.memref_squeeze %dma_wait3A_410 : memref<1x80x24xf32, #tpu.memory_space<vmem>> -> memref<80x24xf32, #tpu.memory_space<vmem>>
      tpu.wait_dma2 semaphore(%run_scoped3A_387 : memref<!tpu.dma_semaphore, #tpu.memory_space<semaphore_mem>>) src(%dma_wait3A_411 : memref<80x24xf32, #tpu.memory_space<vmem>>) dst(%dma_wait3A_407 : memref<80x24xf32, #tpu.memory_space<vmem_shared>>)
      tpu.yield
    }) : () -> ()
    %mul3A_26 = arith.constant 632 : i32
    %mul3A_27 = arith.muli %arg1, %mul3A_26 : i32
    %add3A_28 = arith.constant 160 : i32
    %add3A_29 = arith.addi %mul3A_27, %add3A_28 : i32
    %run_scoped3A_30 = arith.constant 0 : i32
    "tpu.region"() ({
      %run_scoped3A_387 = tpu.sem_alloc : memref<!tpu.dma_semaphore, #tpu.memory_space<semaphore_mem>>
      %dma_start3A_388 = arith.constant 0 : i32
      %dma_start3A_389 = arith.constant 0 : i32
      %dma_start3A_390 = tpu.memref_slice %arg12[%run_scoped3A_30, %dma_start3A_388, %dma_start3A_389] : memref<2x80x128xf32, #tpu.memory_space<vmem>> -> memref<1x80x128xf32, #tpu.memory_space<vmem>>
      %dma_start3A_391 = tpu.memref_squeeze %dma_start3A_390 : memref<1x80x128xf32, #tpu.memory_space<vmem>> -> memref<80x128xf32, #tpu.memory_space<vmem>>
      %dma_start3A_392 = arith.constant 0 : i32
      %dma_start3A_393 = tpu.memref_slice %arg7[%add3A_29, %dma_start3A_392] : memref<10112x128xf32, #tpu.memory_space<vmem_shared>> -> memref<80x128xf32, #tpu.memory_space<vmem_shared>>
      %dma_start3A_394 = arith.constant 0 : i32
      %dma_start3A_395 = tpu.memref_slice %arg7[%add3A_29, %dma_start3A_394] : memref<10112x128xf32, #tpu.memory_space<vmem_shared>> -> memref<80x128xf32, #tpu.memory_space<vmem_shared>>
      %dma_start3A_396 = arith.constant 0 : i32
      %dma_start3A_397 = arith.constant 0 : i32
      %dma_start3A_398 = tpu.memref_slice %arg12[%run_scoped3A_30, %dma_start3A_396, %dma_start3A_397] : memref<2x80x128xf32, #tpu.memory_space<vmem>> -> memref<1x80x128xf32, #tpu.memory_space<vmem>>
      %dma_start3A_399 = tpu.memref_squeeze %dma_start3A_398 : memref<1x80x128xf32, #tpu.memory_space<vmem>> -> memref<80x128xf32, #tpu.memory_space<vmem>>
      tpu.enqueue_dma source(%dma_start3A_399 : memref<80x128xf32, #tpu.memory_space<vmem>>) target(%dma_start3A_395 : memref<80x128xf32, #tpu.memory_space<vmem_shared>>) target_semaphore(%run_scoped3A_387 : memref<!tpu.dma_semaphore, #tpu.memory_space<semaphore_mem>>)
      %dma_wait3A_400 = arith.constant 0 : i32
      %dma_wait3A_401 = arith.constant 0 : i32
      %dma_wait3A_402 = tpu.memref_slice %arg12[%run_scoped3A_30, %dma_wait3A_400, %dma_wait3A_401] : memref<2x80x128xf32, #tpu.memory_space<vmem>> -> memref<1x80x128xf32, #tpu.memory_space<vmem>>
      %dma_wait3A_403 = tpu.memref_squeeze %dma_wait3A_402 : memref<1x80x128xf32, #tpu.memory_space<vmem>> -> memref<80x128xf32, #tpu.memory_space<vmem>>
      %dma_wait3A_404 = arith.constant 0 : i32
      %dma_wait3A_405 = tpu.memref_slice %arg7[%add3A_29, %dma_wait3A_404] : memref<10112x128xf32, #tpu.memory_space<vmem_shared>> -> memref<80x128xf32, #tpu.memory_space<vmem_shared>>
      %dma_wait3A_406 = arith.constant 0 : i32
      %dma_wait3A_407 = tpu.memref_slice %arg7[%add3A_29, %dma_wait3A_406] : memref<10112x128xf32, #tpu.memory_space<vmem_shared>> -> memref<80x128xf32, #tpu.memory_space<vmem_shared>>
      %dma_wait3A_408 = arith.constant 0 : i32
      %dma_wait3A_409 = arith.constant 0 : i32
      %dma_wait3A_410 = tpu.memref_slice %arg12[%run_scoped3A_30, %dma_wait3A_408, %dma_wait3A_409] : memref<2x80x128xf32, #tpu.memory_space<vmem>> -> memref<1x80x128xf32, #tpu.memory_space<vmem>>
      %dma_wait3A_411 = tpu.memref_squeeze %dma_wait3A_410 : memref<1x80x128xf32, #tpu.memory_space<vmem>> -> memref<80x128xf32, #tpu.memory_space<vmem>>
      tpu.wait_dma2 semaphore(%run_scoped3A_387 : memref<!tpu.dma_semaphore, #tpu.memory_space<semaphore_mem>>) src(%dma_wait3A_411 : memref<80x128xf32, #tpu.memory_space<vmem>>) dst(%dma_wait3A_407 : memref<80x128xf32, #tpu.memory_space<vmem_shared>>)
      tpu.yield
    }) : () -> ()
    %run_scoped3A_31 = arith.constant 0 : i32
    "tpu.region"() ({
      %run_scoped3A_387 = tpu.sem_alloc : memref<!tpu.dma_semaphore, #tpu.memory_space<semaphore_mem>>
      %dma_start3A_388 = arith.constant 0 : i32
      %dma_start3A_389 = arith.constant 0 : i32
      %dma_start3A_390 = tpu.memref_slice %arg11[%run_scoped3A_31, %dma_start3A_388, %dma_start3A_389] : memref<4x80x24xf32, #tpu.memory_space<vmem>> -> memref<1x80x24xf32, #tpu.memory_space<vmem>>
      %dma_start3A_391 = tpu.memref_squeeze %dma_start3A_390 : memref<1x80x24xf32, #tpu.memory_space<vmem>> -> memref<80x24xf32, #tpu.memory_space<vmem>>
      %dma_start3A_392 = arith.constant 0 : i32
      %dma_start3A_393 = tpu.memref_slice %arg8[%add3A_29, %dma_start3A_392] : memref<10112x24xf32, #tpu.memory_space<vmem_shared>> -> memref<80x24xf32, #tpu.memory_space<vmem_shared>>
      %dma_start3A_394 = arith.constant 0 : i32
      %dma_start3A_395 = tpu.memref_slice %arg8[%add3A_29, %dma_start3A_394] : memref<10112x24xf32, #tpu.memory_space<vmem_shared>> -> memref<80x24xf32, #tpu.memory_space<vmem_shared>>
      %dma_start3A_396 = arith.constant 0 : i32
      %dma_start3A_397 = arith.constant 0 : i32
      %dma_start3A_398 = tpu.memref_slice %arg11[%run_scoped3A_31, %dma_start3A_396, %dma_start3A_397] : memref<4x80x24xf32, #tpu.memory_space<vmem>> -> memref<1x80x24xf32, #tpu.memory_space<vmem>>
      %dma_start3A_399 = tpu.memref_squeeze %dma_start3A_398 : memref<1x80x24xf32, #tpu.memory_space<vmem>> -> memref<80x24xf32, #tpu.memory_space<vmem>>
      tpu.enqueue_dma source(%dma_start3A_399 : memref<80x24xf32, #tpu.memory_space<vmem>>) target(%dma_start3A_395 : memref<80x24xf32, #tpu.memory_space<vmem_shared>>) target_semaphore(%run_scoped3A_387 : memref<!tpu.dma_semaphore, #tpu.memory_space<semaphore_mem>>)
      %dma_wait3A_400 = arith.constant 0 : i32
      %dma_wait3A_401 = arith.constant 0 : i32
      %dma_wait3A_402 = tpu.memref_slice %arg11[%run_scoped3A_31, %dma_wait3A_400, %dma_wait3A_401] : memref<4x80x24xf32, #tpu.memory_space<vmem>> -> memref<1x80x24xf32, #tpu.memory_space<vmem>>
      %dma_wait3A_403 = tpu.memref_squeeze %dma_wait3A_402 : memref<1x80x24xf32, #tpu.memory_space<vmem>> -> memref<80x24xf32, #tpu.memory_space<vmem>>
      %dma_wait3A_404 = arith.constant 0 : i32
      %dma_wait3A_405 = tpu.memref_slice %arg8[%add3A_29, %dma_wait3A_404] : memref<10112x24xf32, #tpu.memory_space<vmem_shared>> -> memref<80x24xf32, #tpu.memory_space<vmem_shared>>
      %dma_wait3A_406 = arith.constant 0 : i32
      %dma_wait3A_407 = tpu.memref_slice %arg8[%add3A_29, %dma_wait3A_406] : memref<10112x24xf32, #tpu.memory_space<vmem_shared>> -> memref<80x24xf32, #tpu.memory_space<vmem_shared>>
      %dma_wait3A_408 = arith.constant 0 : i32
      %dma_wait3A_409 = arith.constant 0 : i32
      %dma_wait3A_410 = tpu.memref_slice %arg11[%run_scoped3A_31, %dma_wait3A_408, %dma_wait3A_409] : memref<4x80x24xf32, #tpu.memory_space<vmem>> -> memref<1x80x24xf32, #tpu.memory_space<vmem>>
      %dma_wait3A_411 = tpu.memref_squeeze %dma_wait3A_410 : memref<1x80x24xf32, #tpu.memory_space<vmem>> -> memref<80x24xf32, #tpu.memory_space<vmem>>
      tpu.wait_dma2 semaphore(%run_scoped3A_387 : memref<!tpu.dma_semaphore, #tpu.memory_space<semaphore_mem>>) src(%dma_wait3A_411 : memref<80x24xf32, #tpu.memory_space<vmem>>) dst(%dma_wait3A_407 : memref<80x24xf32, #tpu.memory_space<vmem_shared>>)
      tpu.yield
    }) : () -> ()
    %mul3A_32 = arith.constant 632 : i32
    %mul3A_33 = arith.muli %arg1, %mul3A_32 : i32
    %add3A_34 = arith.constant 240 : i32
    %add3A_35 = arith.addi %mul3A_33, %add3A_34 : i32
    %run_scoped3A_36 = arith.constant 0 : i32
    "tpu.region"() ({
      %run_scoped3A_387 = tpu.sem_alloc : memref<!tpu.dma_semaphore, #tpu.memory_space<semaphore_mem>>
      %dma_start3A_388 = arith.constant 0 : i32
      %dma_start3A_389 = arith.constant 0 : i32
      %dma_start3A_390 = tpu.memref_slice %arg12[%run_scoped3A_36, %dma_start3A_388, %dma_start3A_389] : memref<2x80x128xf32, #tpu.memory_space<vmem>> -> memref<1x80x128xf32, #tpu.memory_space<vmem>>
      %dma_start3A_391 = tpu.memref_squeeze %dma_start3A_390 : memref<1x80x128xf32, #tpu.memory_space<vmem>> -> memref<80x128xf32, #tpu.memory_space<vmem>>
      %dma_start3A_392 = arith.constant 0 : i32
      %dma_start3A_393 = tpu.memref_slice %arg7[%add3A_35, %dma_start3A_392] : memref<10112x128xf32, #tpu.memory_space<vmem_shared>> -> memref<80x128xf32, #tpu.memory_space<vmem_shared>>
      %dma_start3A_394 = arith.constant 0 : i32
      %dma_start3A_395 = tpu.memref_slice %arg7[%add3A_35, %dma_start3A_394] : memref<10112x128xf32, #tpu.memory_space<vmem_shared>> -> memref<80x128xf32, #tpu.memory_space<vmem_shared>>
      %dma_start3A_396 = arith.constant 0 : i32
      %dma_start3A_397 = arith.constant 0 : i32
      %dma_start3A_398 = tpu.memref_slice %arg12[%run_scoped3A_36, %dma_start3A_396, %dma_start3A_397] : memref<2x80x128xf32, #tpu.memory_space<vmem>> -> memref<1x80x128xf32, #tpu.memory_space<vmem>>
      %dma_start3A_399 = tpu.memref_squeeze %dma_start3A_398 : memref<1x80x128xf32, #tpu.memory_space<vmem>> -> memref<80x128xf32, #tpu.memory_space<vmem>>
      tpu.enqueue_dma source(%dma_start3A_399 : memref<80x128xf32, #tpu.memory_space<vmem>>) target(%dma_start3A_395 : memref<80x128xf32, #tpu.memory_space<vmem_shared>>) target_semaphore(%run_scoped3A_387 : memref<!tpu.dma_semaphore, #tpu.memory_space<semaphore_mem>>)
      %dma_wait3A_400 = arith.constant 0 : i32
      %dma_wait3A_401 = arith.constant 0 : i32
      %dma_wait3A_402 = tpu.memref_slice %arg12[%run_scoped3A_36, %dma_wait3A_400, %dma_wait3A_401] : memref<2x80x128xf32, #tpu.memory_space<vmem>> -> memref<1x80x128xf32, #tpu.memory_space<vmem>>
      %dma_wait3A_403 = tpu.memref_squeeze %dma_wait3A_402 : memref<1x80x128xf32, #tpu.memory_space<vmem>> -> memref<80x128xf32, #tpu.memory_space<vmem>>
      %dma_wait3A_404 = arith.constant 0 : i32
      %dma_wait3A_405 = tpu.memref_slice %arg7[%add3A_35, %dma_wait3A_404] : memref<10112x128xf32, #tpu.memory_space<vmem_shared>> -> memref<80x128xf32, #tpu.memory_space<vmem_shared>>
      %dma_wait3A_406 = arith.constant 0 : i32
      %dma_wait3A_407 = tpu.memref_slice %arg7[%add3A_35, %dma_wait3A_406] : memref<10112x128xf32, #tpu.memory_space<vmem_shared>> -> memref<80x128xf32, #tpu.memory_space<vmem_shared>>
      %dma_wait3A_408 = arith.constant 0 : i32
      %dma_wait3A_409 = arith.constant 0 : i32
      %dma_wait3A_410 = tpu.memref_slice %arg12[%run_scoped3A_36, %dma_wait3A_408, %dma_wait3A_409] : memref<2x80x128xf32, #tpu.memory_space<vmem>> -> memref<1x80x128xf32, #tpu.memory_space<vmem>>
      %dma_wait3A_411 = tpu.memref_squeeze %dma_wait3A_410 : memref<1x80x128xf32, #tpu.memory_space<vmem>> -> memref<80x128xf32, #tpu.memory_space<vmem>>
      tpu.wait_dma2 semaphore(%run_scoped3A_387 : memref<!tpu.dma_semaphore, #tpu.memory_space<semaphore_mem>>) src(%dma_wait3A_411 : memref<80x128xf32, #tpu.memory_space<vmem>>) dst(%dma_wait3A_407 : memref<80x128xf32, #tpu.memory_space<vmem_shared>>)
      tpu.yield
    }) : () -> ()
    %run_scoped3A_37 = arith.constant 0 : i32
    "tpu.region"() ({
      %run_scoped3A_387 = tpu.sem_alloc : memref<!tpu.dma_semaphore, #tpu.memory_space<semaphore_mem>>
      %dma_start3A_388 = arith.constant 0 : i32
      %dma_start3A_389 = arith.constant 0 : i32
      %dma_start3A_390 = tpu.memref_slice %arg11[%run_scoped3A_37, %dma_start3A_388, %dma_start3A_389] : memref<4x80x24xf32, #tpu.memory_space<vmem>> -> memref<1x80x24xf32, #tpu.memory_space<vmem>>
      %dma_start3A_391 = tpu.memref_squeeze %dma_start3A_390 : memref<1x80x24xf32, #tpu.memory_space<vmem>> -> memref<80x24xf32, #tpu.memory_space<vmem>>
      %dma_start3A_392 = arith.constant 0 : i32
      %dma_start3A_393 = tpu.memref_slice %arg8[%add3A_35, %dma_start3A_392] : memref<10112x24xf32, #tpu.memory_space<vmem_shared>> -> memref<80x24xf32, #tpu.memory_space<vmem_shared>>
      %dma_start3A_394 = arith.constant 0 : i32
      %dma_start3A_395 = tpu.memref_slice %arg8[%add3A_35, %dma_start3A_394] : memref<10112x24xf32, #tpu.memory_space<vmem_shared>> -> memref<80x24xf32, #tpu.memory_space<vmem_shared>>
      %dma_start3A_396 = arith.constant 0 : i32
      %dma_start3A_397 = arith.constant 0 : i32
      %dma_start3A_398 = tpu.memref_slice %arg11[%run_scoped3A_37, %dma_start3A_396, %dma_start3A_397] : memref<4x80x24xf32, #tpu.memory_space<vmem>> -> memref<1x80x24xf32, #tpu.memory_space<vmem>>
      %dma_start3A_399 = tpu.memref_squeeze %dma_start3A_398 : memref<1x80x24xf32, #tpu.memory_space<vmem>> -> memref<80x24xf32, #tpu.memory_space<vmem>>
      tpu.enqueue_dma source(%dma_start3A_399 : memref<80x24xf32, #tpu.memory_space<vmem>>) target(%dma_start3A_395 : memref<80x24xf32, #tpu.memory_space<vmem_shared>>) target_semaphore(%run_scoped3A_387 : memref<!tpu.dma_semaphore, #tpu.memory_space<semaphore_mem>>)
      %dma_wait3A_400 = arith.constant 0 : i32
      %dma_wait3A_401 = arith.constant 0 : i32
      %dma_wait3A_402 = tpu.memref_slice %arg11[%run_scoped3A_37, %dma_wait3A_400, %dma_wait3A_401] : memref<4x80x24xf32, #tpu.memory_space<vmem>> -> memref<1x80x24xf32, #tpu.memory_space<vmem>>
      %dma_wait3A_403 = tpu.memref_squeeze %dma_wait3A_402 : memref<1x80x24xf32, #tpu.memory_space<vmem>> -> memref<80x24xf32, #tpu.memory_space<vmem>>
      %dma_wait3A_404 = arith.constant 0 : i32
      %dma_wait3A_405 = tpu.memref_slice %arg8[%add3A_35, %dma_wait3A_404] : memref<10112x24xf32, #tpu.memory_space<vmem_shared>> -> memref<80x24xf32, #tpu.memory_space<vmem_shared>>
      %dma_wait3A_406 = arith.constant 0 : i32
      %dma_wait3A_407 = tpu.memref_slice %arg8[%add3A_35, %dma_wait3A_406] : memref<10112x24xf32, #tpu.memory_space<vmem_shared>> -> memref<80x24xf32, #tpu.memory_space<vmem_shared>>
      %dma_wait3A_408 = arith.constant 0 : i32
      %dma_wait3A_409 = arith.constant 0 : i32
      %dma_wait3A_410 = tpu.memref_slice %arg11[%run_scoped3A_37, %dma_wait3A_408, %dma_wait3A_409] : memref<4x80x24xf32, #tpu.memory_space<vmem>> -> memref<1x80x24xf32, #tpu.memory_space<vmem>>
      %dma_wait3A_411 = tpu.memref_squeeze %dma_wait3A_410 : memref<1x80x24xf32, #tpu.memory_space<vmem>> -> memref<80x24xf32, #tpu.memory_space<vmem>>
      tpu.wait_dma2 semaphore(%run_scoped3A_387 : memref<!tpu.dma_semaphore, #tpu.memory_space<semaphore_mem>>) src(%dma_wait3A_411 : memref<80x24xf32, #tpu.memory_space<vmem>>) dst(%dma_wait3A_407 : memref<80x24xf32, #tpu.memory_space<vmem_shared>>)
      tpu.yield
    }) : () -> ()
    %mul3A_38 = arith.constant 632 : i32
    %mul3A_39 = arith.muli %arg1, %mul3A_38 : i32
    %add3A_40 = arith.constant 320 : i32
    %add3A_41 = arith.addi %mul3A_39, %add3A_40 : i32
    %run_scoped3A_42 = arith.constant 0 : i32
    "tpu.region"() ({
      %run_scoped3A_387 = tpu.sem_alloc : memref<!tpu.dma_semaphore, #tpu.memory_space<semaphore_mem>>
      %dma_start3A_388 = arith.constant 0 : i32
      %dma_start3A_389 = arith.constant 0 : i32
      %dma_start3A_390 = tpu.memref_slice %arg12[%run_scoped3A_42, %dma_start3A_388, %dma_start3A_389] : memref<2x80x128xf32, #tpu.memory_space<vmem>> -> memref<1x80x128xf32, #tpu.memory_space<vmem>>
      %dma_start3A_391 = tpu.memref_squeeze %dma_start3A_390 : memref<1x80x128xf32, #tpu.memory_space<vmem>> -> memref<80x128xf32, #tpu.memory_space<vmem>>
      %dma_start3A_392 = arith.constant 0 : i32
      %dma_start3A_393 = tpu.memref_slice %arg7[%add3A_41, %dma_start3A_392] : memref<10112x128xf32, #tpu.memory_space<vmem_shared>> -> memref<80x128xf32, #tpu.memory_space<vmem_shared>>
      %dma_start3A_394 = arith.constant 0 : i32
      %dma_start3A_395 = tpu.memref_slice %arg7[%add3A_41, %dma_start3A_394] : memref<10112x128xf32, #tpu.memory_space<vmem_shared>> -> memref<80x128xf32, #tpu.memory_space<vmem_shared>>
      %dma_start3A_396 = arith.constant 0 : i32
      %dma_start3A_397 = arith.constant 0 : i32
      %dma_start3A_398 = tpu.memref_slice %arg12[%run_scoped3A_42, %dma_start3A_396, %dma_start3A_397] : memref<2x80x128xf32, #tpu.memory_space<vmem>> -> memref<1x80x128xf32, #tpu.memory_space<vmem>>
      %dma_start3A_399 = tpu.memref_squeeze %dma_start3A_398 : memref<1x80x128xf32, #tpu.memory_space<vmem>> -> memref<80x128xf32, #tpu.memory_space<vmem>>
      tpu.enqueue_dma source(%dma_start3A_399 : memref<80x128xf32, #tpu.memory_space<vmem>>) target(%dma_start3A_395 : memref<80x128xf32, #tpu.memory_space<vmem_shared>>) target_semaphore(%run_scoped3A_387 : memref<!tpu.dma_semaphore, #tpu.memory_space<semaphore_mem>>)
      %dma_wait3A_400 = arith.constant 0 : i32
      %dma_wait3A_401 = arith.constant 0 : i32
      %dma_wait3A_402 = tpu.memref_slice %arg12[%run_scoped3A_42, %dma_wait3A_400, %dma_wait3A_401] : memref<2x80x128xf32, #tpu.memory_space<vmem>> -> memref<1x80x128xf32, #tpu.memory_space<vmem>>
      %dma_wait3A_403 = tpu.memref_squeeze %dma_wait3A_402 : memref<1x80x128xf32, #tpu.memory_space<vmem>> -> memref<80x128xf32, #tpu.memory_space<vmem>>
      %dma_wait3A_404 = arith.constant 0 : i32
      %dma_wait3A_405 = tpu.memref_slice %arg7[%add3A_41, %dma_wait3A_404] : memref<10112x128xf32, #tpu.memory_space<vmem_shared>> -> memref<80x128xf32, #tpu.memory_space<vmem_shared>>
      %dma_wait3A_406 = arith.constant 0 : i32
      %dma_wait3A_407 = tpu.memref_slice %arg7[%add3A_41, %dma_wait3A_406] : memref<10112x128xf32, #tpu.memory_space<vmem_shared>> -> memref<80x128xf32, #tpu.memory_space<vmem_shared>>
      %dma_wait3A_408 = arith.constant 0 : i32
      %dma_wait3A_409 = arith.constant 0 : i32
      %dma_wait3A_410 = tpu.memref_slice %arg12[%run_scoped3A_42, %dma_wait3A_408, %dma_wait3A_409] : memref<2x80x128xf32, #tpu.memory_space<vmem>> -> memref<1x80x128xf32, #tpu.memory_space<vmem>>
      %dma_wait3A_411 = tpu.memref_squeeze %dma_wait3A_410 : memref<1x80x128xf32, #tpu.memory_space<vmem>> -> memref<80x128xf32, #tpu.memory_space<vmem>>
      tpu.wait_dma2 semaphore(%run_scoped3A_387 : memref<!tpu.dma_semaphore, #tpu.memory_space<semaphore_mem>>) src(%dma_wait3A_411 : memref<80x128xf32, #tpu.memory_space<vmem>>) dst(%dma_wait3A_407 : memref<80x128xf32, #tpu.memory_space<vmem_shared>>)
      tpu.yield
    }) : () -> ()
    %run_scoped3A_43 = arith.constant 0 : i32
    "tpu.region"() ({
      %run_scoped3A_387 = tpu.sem_alloc : memref<!tpu.dma_semaphore, #tpu.memory_space<semaphore_mem>>
      %dma_start3A_388 = arith.constant 0 : i32
      %dma_start3A_389 = arith.constant 0 : i32
      %dma_start3A_390 = tpu.memref_slice %arg11[%run_scoped3A_43, %dma_start3A_388, %dma_start3A_389] : memref<4x80x24xf32, #tpu.memory_space<vmem>> -> memref<1x80x24xf32, #tpu.memory_space<vmem>>
      %dma_start3A_391 = tpu.memref_squeeze %dma_start3A_390 : memref<1x80x24xf32, #tpu.memory_space<vmem>> -> memref<80x24xf32, #tpu.memory_space<vmem>>
      %dma_start3A_392 = arith.constant 0 : i32
      %dma_start3A_393 = tpu.memref_slice %arg8[%add3A_41, %dma_start3A_392] : memref<10112x24xf32, #tpu.memory_space<vmem_shared>> -> memref<80x24xf32, #tpu.memory_space<vmem_shared>>
      %dma_start3A_394 = arith.constant 0 : i32
      %dma_start3A_395 = tpu.memref_slice %arg8[%add3A_41, %dma_start3A_394] : memref<10112x24xf32, #tpu.memory_space<vmem_shared>> -> memref<80x24xf32, #tpu.memory_space<vmem_shared>>
      %dma_start3A_396 = arith.constant 0 : i32
      %dma_start3A_397 = arith.constant 0 : i32
      %dma_start3A_398 = tpu.memref_slice %arg11[%run_scoped3A_43, %dma_start3A_396, %dma_start3A_397] : memref<4x80x24xf32, #tpu.memory_space<vmem>> -> memref<1x80x24xf32, #tpu.memory_space<vmem>>
      %dma_start3A_399 = tpu.memref_squeeze %dma_start3A_398 : memref<1x80x24xf32, #tpu.memory_space<vmem>> -> memref<80x24xf32, #tpu.memory_space<vmem>>
      tpu.enqueue_dma source(%dma_start3A_399 : memref<80x24xf32, #tpu.memory_space<vmem>>) target(%dma_start3A_395 : memref<80x24xf32, #tpu.memory_space<vmem_shared>>) target_semaphore(%run_scoped3A_387 : memref<!tpu.dma_semaphore, #tpu.memory_space<semaphore_mem>>)
      %dma_wait3A_400 = arith.constant 0 : i32
      %dma_wait3A_401 = arith.constant 0 : i32
      %dma_wait3A_402 = tpu.memref_slice %arg11[%run_scoped3A_43, %dma_wait3A_400, %dma_wait3A_401] : memref<4x80x24xf32, #tpu.memory_space<vmem>> -> memref<1x80x24xf32, #tpu.memory_space<vmem>>
      %dma_wait3A_403 = tpu.memref_squeeze %dma_wait3A_402 : memref<1x80x24xf32, #tpu.memory_space<vmem>> -> memref<80x24xf32, #tpu.memory_space<vmem>>
      %dma_wait3A_404 = arith.constant 0 : i32
      %dma_wait3A_405 = tpu.memref_slice %arg8[%add3A_41, %dma_wait3A_404] : memref<10112x24xf32, #tpu.memory_space<vmem_shared>> -> memref<80x24xf32, #tpu.memory_space<vmem_shared>>
      %dma_wait3A_406 = arith.constant 0 : i32
      %dma_wait3A_407 = tpu.memref_slice %arg8[%add3A_41, %dma_wait3A_406] : memref<10112x24xf32, #tpu.memory_space<vmem_shared>> -> memref<80x24xf32, #tpu.memory_space<vmem_shared>>
      %dma_wait3A_408 = arith.constant 0 : i32
      %dma_wait3A_409 = arith.constant 0 : i32
      %dma_wait3A_410 = tpu.memref_slice %arg11[%run_scoped3A_43, %dma_wait3A_408, %dma_wait3A_409] : memref<4x80x24xf32, #tpu.memory_space<vmem>> -> memref<1x80x24xf32, #tpu.memory_space<vmem>>
      %dma_wait3A_411 = tpu.memref_squeeze %dma_wait3A_410 : memref<1x80x24xf32, #tpu.memory_space<vmem>> -> memref<80x24xf32, #tpu.memory_space<vmem>>
      tpu.wait_dma2 semaphore(%run_scoped3A_387 : memref<!tpu.dma_semaphore, #tpu.memory_space<semaphore_mem>>) src(%dma_wait3A_411 : memref<80x24xf32, #tpu.memory_space<vmem>>) dst(%dma_wait3A_407 : memref<80x24xf32, #tpu.memory_space<vmem_shared>>)
      tpu.yield
    }) : () -> ()
    %mul3A_44 = arith.constant 632 : i32
    %mul3A_45 = arith.muli %arg1, %mul3A_44 : i32
    %add3A_46 = arith.constant 400 : i32
    %add3A_47 = arith.addi %mul3A_45, %add3A_46 : i32
    %run_scoped3A_48 = arith.constant 0 : i32
    "tpu.region"() ({
      %run_scoped3A_387 = tpu.sem_alloc : memref<!tpu.dma_semaphore, #tpu.memory_space<semaphore_mem>>
      %dma_start3A_388 = arith.constant 0 : i32
      %dma_start3A_389 = arith.constant 0 : i32
      %dma_start3A_390 = tpu.memref_slice %arg12[%run_scoped3A_48, %dma_start3A_388, %dma_start3A_389] : memref<2x80x128xf32, #tpu.memory_space<vmem>> -> memref<1x80x128xf32, #tpu.memory_space<vmem>>
      %dma_start3A_391 = tpu.memref_squeeze %dma_start3A_390 : memref<1x80x128xf32, #tpu.memory_space<vmem>> -> memref<80x128xf32, #tpu.memory_space<vmem>>
      %dma_start3A_392 = arith.constant 0 : i32
      %dma_start3A_393 = tpu.memref_slice %arg7[%add3A_47, %dma_start3A_392] : memref<10112x128xf32, #tpu.memory_space<vmem_shared>> -> memref<80x128xf32, #tpu.memory_space<vmem_shared>>
      %dma_start3A_394 = arith.constant 0 : i32
      %dma_start3A_395 = tpu.memref_slice %arg7[%add3A_47, %dma_start3A_394] : memref<10112x128xf32, #tpu.memory_space<vmem_shared>> -> memref<80x128xf32, #tpu.memory_space<vmem_shared>>
      %dma_start3A_396 = arith.constant 0 : i32
      %dma_start3A_397 = arith.constant 0 : i32
      %dma_start3A_398 = tpu.memref_slice %arg12[%run_scoped3A_48, %dma_start3A_396, %dma_start3A_397] : memref<2x80x128xf32, #tpu.memory_space<vmem>> -> memref<1x80x128xf32, #tpu.memory_space<vmem>>
      %dma_start3A_399 = tpu.memref_squeeze %dma_start3A_398 : memref<1x80x128xf32, #tpu.memory_space<vmem>> -> memref<80x128xf32, #tpu.memory_space<vmem>>
      tpu.enqueue_dma source(%dma_start3A_399 : memref<80x128xf32, #tpu.memory_space<vmem>>) target(%dma_start3A_395 : memref<80x128xf32, #tpu.memory_space<vmem_shared>>) target_semaphore(%run_scoped3A_387 : memref<!tpu.dma_semaphore, #tpu.memory_space<semaphore_mem>>)
      %dma_wait3A_400 = arith.constant 0 : i32
      %dma_wait3A_401 = arith.constant 0 : i32
      %dma_wait3A_402 = tpu.memref_slice %arg12[%run_scoped3A_48, %dma_wait3A_400, %dma_wait3A_401] : memref<2x80x128xf32, #tpu.memory_space<vmem>> -> memref<1x80x128xf32, #tpu.memory_space<vmem>>
      %dma_wait3A_403 = tpu.memref_squeeze %dma_wait3A_402 : memref<1x80x128xf32, #tpu.memory_space<vmem>> -> memref<80x128xf32, #tpu.memory_space<vmem>>
      %dma_wait3A_404 = arith.constant 0 : i32
      %dma_wait3A_405 = tpu.memref_slice %arg7[%add3A_47, %dma_wait3A_404] : memref<10112x128xf32, #tpu.memory_space<vmem_shared>> -> memref<80x128xf32, #tpu.memory_space<vmem_shared>>
      %dma_wait3A_406 = arith.constant 0 : i32
      %dma_wait3A_407 = tpu.memref_slice %arg7[%add3A_47, %dma_wait3A_406] : memref<10112x128xf32, #tpu.memory_space<vmem_shared>> -> memref<80x128xf32, #tpu.memory_space<vmem_shared>>
      %dma_wait3A_408 = arith.constant 0 : i32
      %dma_wait3A_409 = arith.constant 0 : i32
      %dma_wait3A_410 = tpu.memref_slice %arg12[%run_scoped3A_48, %dma_wait3A_408, %dma_wait3A_409] : memref<2x80x128xf32, #tpu.memory_space<vmem>> -> memref<1x80x128xf32, #tpu.memory_space<vmem>>
      %dma_wait3A_411 = tpu.memref_squeeze %dma_wait3A_410 : memref<1x80x128xf32, #tpu.memory_space<vmem>> -> memref<80x128xf32, #tpu.memory_space<vmem>>
      tpu.wait_dma2 semaphore(%run_scoped3A_387 : memref<!tpu.dma_semaphore, #tpu.memory_space<semaphore_mem>>) src(%dma_wait3A_411 : memref<80x128xf32, #tpu.memory_space<vmem>>) dst(%dma_wait3A_407 : memref<80x128xf32, #tpu.memory_space<vmem_shared>>)
      tpu.yield
    }) : () -> ()
    %run_scoped3A_49 = arith.constant 0 : i32
    "tpu.region"() ({
      %run_scoped3A_387 = tpu.sem_alloc : memref<!tpu.dma_semaphore, #tpu.memory_space<semaphore_mem>>
      %dma_start3A_388 = arith.constant 0 : i32
      %dma_start3A_389 = arith.constant 0 : i32
      %dma_start3A_390 = tpu.memref_slice %arg11[%run_scoped3A_49, %dma_start3A_388, %dma_start3A_389] : memref<4x80x24xf32, #tpu.memory_space<vmem>> -> memref<1x80x24xf32, #tpu.memory_space<vmem>>
      %dma_start3A_391 = tpu.memref_squeeze %dma_start3A_390 : memref<1x80x24xf32, #tpu.memory_space<vmem>> -> memref<80x24xf32, #tpu.memory_space<vmem>>
      %dma_start3A_392 = arith.constant 0 : i32
      %dma_start3A_393 = tpu.memref_slice %arg8[%add3A_47, %dma_start3A_392] : memref<10112x24xf32, #tpu.memory_space<vmem_shared>> -> memref<80x24xf32, #tpu.memory_space<vmem_shared>>
      %dma_start3A_394 = arith.constant 0 : i32
      %dma_start3A_395 = tpu.memref_slice %arg8[%add3A_47, %dma_start3A_394] : memref<10112x24xf32, #tpu.memory_space<vmem_shared>> -> memref<80x24xf32, #tpu.memory_space<vmem_shared>>
      %dma_start3A_396 = arith.constant 0 : i32
      %dma_start3A_397 = arith.constant 0 : i32
      %dma_start3A_398 = tpu.memref_slice %arg11[%run_scoped3A_49, %dma_start3A_396, %dma_start3A_397] : memref<4x80x24xf32, #tpu.memory_space<vmem>> -> memref<1x80x24xf32, #tpu.memory_space<vmem>>
      %dma_start3A_399 = tpu.memref_squeeze %dma_start3A_398 : memref<1x80x24xf32, #tpu.memory_space<vmem>> -> memref<80x24xf32, #tpu.memory_space<vmem>>
      tpu.enqueue_dma source(%dma_start3A_399 : memref<80x24xf32, #tpu.memory_space<vmem>>) target(%dma_start3A_395 : memref<80x24xf32, #tpu.memory_space<vmem_shared>>) target_semaphore(%run_scoped3A_387 : memref<!tpu.dma_semaphore, #tpu.memory_space<semaphore_mem>>)
      %dma_wait3A_400 = arith.constant 0 : i32
      %dma_wait3A_401 = arith.constant 0 : i32
      %dma_wait3A_402 = tpu.memref_slice %arg11[%run_scoped3A_49, %dma_wait3A_400, %dma_wait3A_401] : memref<4x80x24xf32, #tpu.memory_space<vmem>> -> memref<1x80x24xf32, #tpu.memory_space<vmem>>
      %dma_wait3A_403 = tpu.memref_squeeze %dma_wait3A_402 : memref<1x80x24xf32, #tpu.memory_space<vmem>> -> memref<80x24xf32, #tpu.memory_space<vmem>>
      %dma_wait3A_404 = arith.constant 0 : i32
      %dma_wait3A_405 = tpu.memref_slice %arg8[%add3A_47, %dma_wait3A_404] : memref<10112x24xf32, #tpu.memory_space<vmem_shared>> -> memref<80x24xf32, #tpu.memory_space<vmem_shared>>
      %dma_wait3A_406 = arith.constant 0 : i32
      %dma_wait3A_407 = tpu.memref_slice %arg8[%add3A_47, %dma_wait3A_406] : memref<10112x24xf32, #tpu.memory_space<vmem_shared>> -> memref<80x24xf32, #tpu.memory_space<vmem_shared>>
      %dma_wait3A_408 = arith.constant 0 : i32
      %dma_wait3A_409 = arith.constant 0 : i32
      %dma_wait3A_410 = tpu.memref_slice %arg11[%run_scoped3A_49, %dma_wait3A_408, %dma_wait3A_409] : memref<4x80x24xf32, #tpu.memory_space<vmem>> -> memref<1x80x24xf32, #tpu.memory_space<vmem>>
      %dma_wait3A_411 = tpu.memref_squeeze %dma_wait3A_410 : memref<1x80x24xf32, #tpu.memory_space<vmem>> -> memref<80x24xf32, #tpu.memory_space<vmem>>
      tpu.wait_dma2 semaphore(%run_scoped3A_387 : memref<!tpu.dma_semaphore, #tpu.memory_space<semaphore_mem>>) src(%dma_wait3A_411 : memref<80x24xf32, #tpu.memory_space<vmem>>) dst(%dma_wait3A_407 : memref<80x24xf32, #tpu.memory_space<vmem_shared>>)
      tpu.yield
    }) : () -> ()
    %mul3A_50 = arith.constant 632 : i32
    %mul3A_51 = arith.muli %arg1, %mul3A_50 : i32
    %add3A_52 = arith.constant 480 : i32
    %add3A_53 = arith.addi %mul3A_51, %add3A_52 : i32
    %run_scoped3A_54 = arith.constant 0 : i32
    "tpu.region"() ({
      %run_scoped3A_387 = tpu.sem_alloc : memref<!tpu.dma_semaphore, #tpu.memory_space<semaphore_mem>>
      %dma_start3A_388 = arith.constant 0 : i32
      %dma_start3A_389 = arith.constant 0 : i32
      %dma_start3A_390 = tpu.memref_slice %arg12[%run_scoped3A_54, %dma_start3A_388, %dma_start3A_389] : memref<2x80x128xf32, #tpu.memory_space<vmem>> -> memref<1x80x128xf32, #tpu.memory_space<vmem>>
      %dma_start3A_391 = tpu.memref_squeeze %dma_start3A_390 : memref<1x80x128xf32, #tpu.memory_space<vmem>> -> memref<80x128xf32, #tpu.memory_space<vmem>>
      %dma_start3A_392 = arith.constant 0 : i32
      %dma_start3A_393 = tpu.memref_slice %arg7[%add3A_53, %dma_start3A_392] : memref<10112x128xf32, #tpu.memory_space<vmem_shared>> -> memref<80x128xf32, #tpu.memory_space<vmem_shared>>
      %dma_start3A_394 = arith.constant 0 : i32
      %dma_start3A_395 = tpu.memref_slice %arg7[%add3A_53, %dma_start3A_394] : memref<10112x128xf32, #tpu.memory_space<vmem_shared>> -> memref<80x128xf32, #tpu.memory_space<vmem_shared>>
      %dma_start3A_396 = arith.constant 0 : i32
      %dma_start3A_397 = arith.constant 0 : i32
      %dma_start3A_398 = tpu.memref_slice %arg12[%run_scoped3A_54, %dma_start3A_396, %dma_start3A_397] : memref<2x80x128xf32, #tpu.memory_space<vmem>> -> memref<1x80x128xf32, #tpu.memory_space<vmem>>
      %dma_start3A_399 = tpu.memref_squeeze %dma_start3A_398 : memref<1x80x128xf32, #tpu.memory_space<vmem>> -> memref<80x128xf32, #tpu.memory_space<vmem>>
      tpu.enqueue_dma source(%dma_start3A_399 : memref<80x128xf32, #tpu.memory_space<vmem>>) target(%dma_start3A_395 : memref<80x128xf32, #tpu.memory_space<vmem_shared>>) target_semaphore(%run_scoped3A_387 : memref<!tpu.dma_semaphore, #tpu.memory_space<semaphore_mem>>)
      %dma_wait3A_400 = arith.constant 0 : i32
      %dma_wait3A_401 = arith.constant 0 : i32
      %dma_wait3A_402 = tpu.memref_slice %arg12[%run_scoped3A_54, %dma_wait3A_400, %dma_wait3A_401] : memref<2x80x128xf32, #tpu.memory_space<vmem>> -> memref<1x80x128xf32, #tpu.memory_space<vmem>>
      %dma_wait3A_403 = tpu.memref_squeeze %dma_wait3A_402 : memref<1x80x128xf32, #tpu.memory_space<vmem>> -> memref<80x128xf32, #tpu.memory_space<vmem>>
      %dma_wait3A_404 = arith.constant 0 : i32
      %dma_wait3A_405 = tpu.memref_slice %arg7[%add3A_53, %dma_wait3A_404] : memref<10112x128xf32, #tpu.memory_space<vmem_shared>> -> memref<80x128xf32, #tpu.memory_space<vmem_shared>>
      %dma_wait3A_406 = arith.constant 0 : i32
      %dma_wait3A_407 = tpu.memref_slice %arg7[%add3A_53, %dma_wait3A_406] : memref<10112x128xf32, #tpu.memory_space<vmem_shared>> -> memref<80x128xf32, #tpu.memory_space<vmem_shared>>
      %dma_wait3A_408 = arith.constant 0 : i32
      %dma_wait3A_409 = arith.constant 0 : i32
      %dma_wait3A_410 = tpu.memref_slice %arg12[%run_scoped3A_54, %dma_wait3A_408, %dma_wait3A_409] : memref<2x80x128xf32, #tpu.memory_space<vmem>> -> memref<1x80x128xf32, #tpu.memory_space<vmem>>
      %dma_wait3A_411 = tpu.memref_squeeze %dma_wait3A_410 : memref<1x80x128xf32, #tpu.memory_space<vmem>> -> memref<80x128xf32, #tpu.memory_space<vmem>>
      tpu.wait_dma2 semaphore(%run_scoped3A_387 : memref<!tpu.dma_semaphore, #tpu.memory_space<semaphore_mem>>) src(%dma_wait3A_411 : memref<80x128xf32, #tpu.memory_space<vmem>>) dst(%dma_wait3A_407 : memref<80x128xf32, #tpu.memory_space<vmem_shared>>)
      tpu.yield
    }) : () -> ()
    %run_scoped3A_55 = arith.constant 0 : i32
    "tpu.region"() ({
      %run_scoped3A_387 = tpu.sem_alloc : memref<!tpu.dma_semaphore, #tpu.memory_space<semaphore_mem>>
      %dma_start3A_388 = arith.constant 0 : i32
      %dma_start3A_389 = arith.constant 0 : i32
      %dma_start3A_390 = tpu.memref_slice %arg11[%run_scoped3A_55, %dma_start3A_388, %dma_start3A_389] : memref<4x80x24xf32, #tpu.memory_space<vmem>> -> memref<1x80x24xf32, #tpu.memory_space<vmem>>
      %dma_start3A_391 = tpu.memref_squeeze %dma_start3A_390 : memref<1x80x24xf32, #tpu.memory_space<vmem>> -> memref<80x24xf32, #tpu.memory_space<vmem>>
      %dma_start3A_392 = arith.constant 0 : i32
      %dma_start3A_393 = tpu.memref_slice %arg8[%add3A_53, %dma_start3A_392] : memref<10112x24xf32, #tpu.memory_space<vmem_shared>> -> memref<80x24xf32, #tpu.memory_space<vmem_shared>>
      %dma_start3A_394 = arith.constant 0 : i32
      %dma_start3A_395 = tpu.memref_slice %arg8[%add3A_53, %dma_start3A_394] : memref<10112x24xf32, #tpu.memory_space<vmem_shared>> -> memref<80x24xf32, #tpu.memory_space<vmem_shared>>
      %dma_start3A_396 = arith.constant 0 : i32
      %dma_start3A_397 = arith.constant 0 : i32
      %dma_start3A_398 = tpu.memref_slice %arg11[%run_scoped3A_55, %dma_start3A_396, %dma_start3A_397] : memref<4x80x24xf32, #tpu.memory_space<vmem>> -> memref<1x80x24xf32, #tpu.memory_space<vmem>>
      %dma_start3A_399 = tpu.memref_squeeze %dma_start3A_398 : memref<1x80x24xf32, #tpu.memory_space<vmem>> -> memref<80x24xf32, #tpu.memory_space<vmem>>
      tpu.enqueue_dma source(%dma_start3A_399 : memref<80x24xf32, #tpu.memory_space<vmem>>) target(%dma_start3A_395 : memref<80x24xf32, #tpu.memory_space<vmem_shared>>) target_semaphore(%run_scoped3A_387 : memref<!tpu.dma_semaphore, #tpu.memory_space<semaphore_mem>>)
      %dma_wait3A_400 = arith.constant 0 : i32
      %dma_wait3A_401 = arith.constant 0 : i32
      %dma_wait3A_402 = tpu.memref_slice %arg11[%run_scoped3A_55, %dma_wait3A_400, %dma_wait3A_401] : memref<4x80x24xf32, #tpu.memory_space<vmem>> -> memref<1x80x24xf32, #tpu.memory_space<vmem>>
      %dma_wait3A_403 = tpu.memref_squeeze %dma_wait3A_402 : memref<1x80x24xf32, #tpu.memory_space<vmem>> -> memref<80x24xf32, #tpu.memory_space<vmem>>
      %dma_wait3A_404 = arith.constant 0 : i32
      %dma_wait3A_405 = tpu.memref_slice %arg8[%add3A_53, %dma_wait3A_404] : memref<10112x24xf32, #tpu.memory_space<vmem_shared>> -> memref<80x24xf32, #tpu.memory_space<vmem_shared>>
      %dma_wait3A_406 = arith.constant 0 : i32
      %dma_wait3A_407 = tpu.memref_slice %arg8[%add3A_53, %dma_wait3A_406] : memref<10112x24xf32, #tpu.memory_space<vmem_shared>> -> memref<80x24xf32, #tpu.memory_space<vmem_shared>>
      %dma_wait3A_408 = arith.constant 0 : i32
      %dma_wait3A_409 = arith.constant 0 : i32
      %dma_wait3A_410 = tpu.memref_slice %arg11[%run_scoped3A_55, %dma_wait3A_408, %dma_wait3A_409] : memref<4x80x24xf32, #tpu.memory_space<vmem>> -> memref<1x80x24xf32, #tpu.memory_space<vmem>>
      %dma_wait3A_411 = tpu.memref_squeeze %dma_wait3A_410 : memref<1x80x24xf32, #tpu.memory_space<vmem>> -> memref<80x24xf32, #tpu.memory_space<vmem>>
      tpu.wait_dma2 semaphore(%run_scoped3A_387 : memref<!tpu.dma_semaphore, #tpu.memory_space<semaphore_mem>>) src(%dma_wait3A_411 : memref<80x24xf32, #tpu.memory_space<vmem>>) dst(%dma_wait3A_407 : memref<80x24xf32, #tpu.memory_space<vmem_shared>>)
      tpu.yield
    }) : () -> ()
    %mul3A_56 = arith.constant 632 : i32
    %mul3A_57 = arith.muli %arg1, %mul3A_56 : i32
    %add3A_58 = arith.constant 560 : i32
    %add3A_59 = arith.addi %mul3A_57, %add3A_58 : i32
    %run_scoped3A_60 = arith.constant 0 : i32
    "tpu.region"() ({
      %run_scoped3A_387 = tpu.sem_alloc : memref<!tpu.dma_semaphore, #tpu.memory_space<semaphore_mem>>
      %dma_start3A_388 = arith.constant 0 : i32
      %dma_start3A_389 = arith.constant 0 : i32
      %dma_start3A_390 = tpu.memref_slice %arg12[%run_scoped3A_60, %dma_start3A_388, %dma_start3A_389] : memref<2x80x128xf32, #tpu.memory_space<vmem>> -> memref<1x72x128xf32, #tpu.memory_space<vmem>>
      %dma_start3A_391 = tpu.memref_squeeze %dma_start3A_390 : memref<1x72x128xf32, #tpu.memory_space<vmem>> -> memref<72x128xf32, #tpu.memory_space<vmem>>
      %dma_start3A_392 = arith.constant 0 : i32
      %dma_start3A_393 = tpu.memref_slice %arg7[%add3A_59, %dma_start3A_392] : memref<10112x128xf32, #tpu.memory_space<vmem_shared>> -> memref<72x128xf32, #tpu.memory_space<vmem_shared>>
      %dma_start3A_394 = arith.constant 0 : i32
      %dma_start3A_395 = tpu.memref_slice %arg7[%add3A_59, %dma_start3A_394] : memref<10112x128xf32, #tpu.memory_space<vmem_shared>> -> memref<72x128xf32, #tpu.memory_space<vmem_shared>>
      %dma_start3A_396 = arith.constant 0 : i32
      %dma_start3A_397 = arith.constant 0 : i32
      %dma_start3A_398 = tpu.memref_slice %arg12[%run_scoped3A_60, %dma_start3A_396, %dma_start3A_397] : memref<2x80x128xf32, #tpu.memory_space<vmem>> -> memref<1x72x128xf32, #tpu.memory_space<vmem>>
      %dma_start3A_399 = tpu.memref_squeeze %dma_start3A_398 : memref<1x72x128xf32, #tpu.memory_space<vmem>> -> memref<72x128xf32, #tpu.memory_space<vmem>>
      tpu.enqueue_dma source(%dma_start3A_399 : memref<72x128xf32, #tpu.memory_space<vmem>>) target(%dma_start3A_395 : memref<72x128xf32, #tpu.memory_space<vmem_shared>>) target_semaphore(%run_scoped3A_387 : memref<!tpu.dma_semaphore, #tpu.memory_space<semaphore_mem>>)
      %dma_wait3A_400 = arith.constant 0 : i32
      %dma_wait3A_401 = arith.constant 0 : i32
      %dma_wait3A_402 = tpu.memref_slice %arg12[%run_scoped3A_60, %dma_wait3A_400, %dma_wait3A_401] : memref<2x80x128xf32, #tpu.memory_space<vmem>> -> memref<1x72x128xf32, #tpu.memory_space<vmem>>
      %dma_wait3A_403 = tpu.memref_squeeze %dma_wait3A_402 : memref<1x72x128xf32, #tpu.memory_space<vmem>> -> memref<72x128xf32, #tpu.memory_space<vmem>>
      %dma_wait3A_404 = arith.constant 0 : i32
      %dma_wait3A_405 = tpu.memref_slice %arg7[%add3A_59, %dma_wait3A_404] : memref<10112x128xf32, #tpu.memory_space<vmem_shared>> -> memref<72x128xf32, #tpu.memory_space<vmem_shared>>
      %dma_wait3A_406 = arith.constant 0 : i32
      %dma_wait3A_407 = tpu.memref_slice %arg7[%add3A_59, %dma_wait3A_406] : memref<10112x128xf32, #tpu.memory_space<vmem_shared>> -> memref<72x128xf32, #tpu.memory_space<vmem_shared>>
      %dma_wait3A_408 = arith.constant 0 : i32
      %dma_wait3A_409 = arith.constant 0 : i32
      %dma_wait3A_410 = tpu.memref_slice %arg12[%run_scoped3A_60, %dma_wait3A_408, %dma_wait3A_409] : memref<2x80x128xf32, #tpu.memory_space<vmem>> -> memref<1x72x128xf32, #tpu.memory_space<vmem>>
      %dma_wait3A_411 = tpu.memref_squeeze %dma_wait3A_410 : memref<1x72x128xf32, #tpu.memory_space<vmem>> -> memref<72x128xf32, #tpu.memory_space<vmem>>
      tpu.wait_dma2 semaphore(%run_scoped3A_387 : memref<!tpu.dma_semaphore, #tpu.memory_space<semaphore_mem>>) src(%dma_wait3A_411 : memref<72x128xf32, #tpu.memory_space<vmem>>) dst(%dma_wait3A_407 : memref<72x128xf32, #tpu.memory_space<vmem_shared>>)
      tpu.yield
    }) : () -> ()
    %run_scoped3A_61 = arith.constant 0 : i32
    "tpu.region"() ({
      %run_scoped3A_387 = tpu.sem_alloc : memref<!tpu.dma_semaphore, #tpu.memory_space<semaphore_mem>>
      %dma_start3A_388 = arith.constant 0 : i32
      %dma_start3A_389 = arith.constant 0 : i32
      %dma_start3A_390 = tpu.memref_slice %arg11[%run_scoped3A_61, %dma_start3A_388, %dma_start3A_389] : memref<4x80x24xf32, #tpu.memory_space<vmem>> -> memref<1x72x24xf32, #tpu.memory_space<vmem>>
      %dma_start3A_391 = tpu.memref_squeeze %dma_start3A_390 : memref<1x72x24xf32, #tpu.memory_space<vmem>> -> memref<72x24xf32, #tpu.memory_space<vmem>>
      %dma_start3A_392 = arith.constant 0 : i32
      %dma_start3A_393 = tpu.memref_slice %arg8[%add3A_59, %dma_start3A_392] : memref<10112x24xf32, #tpu.memory_space<vmem_shared>> -> memref<72x24xf32, #tpu.memory_space<vmem_shared>>
      %dma_start3A_394 = arith.constant 0 : i32
      %dma_start3A_395 = tpu.memref_slice %arg8[%add3A_59, %dma_start3A_394] : memref<10112x24xf32, #tpu.memory_space<vmem_shared>> -> memref<72x24xf32, #tpu.memory_space<vmem_shared>>
      %dma_start3A_396 = arith.constant 0 : i32
      %dma_start3A_397 = arith.constant 0 : i32
      %dma_start3A_398 = tpu.memref_slice %arg11[%run_scoped3A_61, %dma_start3A_396, %dma_start3A_397] : memref<4x80x24xf32, #tpu.memory_space<vmem>> -> memref<1x72x24xf32, #tpu.memory_space<vmem>>
      %dma_start3A_399 = tpu.memref_squeeze %dma_start3A_398 : memref<1x72x24xf32, #tpu.memory_space<vmem>> -> memref<72x24xf32, #tpu.memory_space<vmem>>
      tpu.enqueue_dma source(%dma_start3A_399 : memref<72x24xf32, #tpu.memory_space<vmem>>) target(%dma_start3A_395 : memref<72x24xf32, #tpu.memory_space<vmem_shared>>) target_semaphore(%run_scoped3A_387 : memref<!tpu.dma_semaphore, #tpu.memory_space<semaphore_mem>>)
      %dma_wait3A_400 = arith.constant 0 : i32
      %dma_wait3A_401 = arith.constant 0 : i32
      %dma_wait3A_402 = tpu.memref_slice %arg11[%run_scoped3A_61, %dma_wait3A_400, %dma_wait3A_401] : memref<4x80x24xf32, #tpu.memory_space<vmem>> -> memref<1x72x24xf32, #tpu.memory_space<vmem>>
      %dma_wait3A_403 = tpu.memref_squeeze %dma_wait3A_402 : memref<1x72x24xf32, #tpu.memory_space<vmem>> -> memref<72x24xf32, #tpu.memory_space<vmem>>
      %dma_wait3A_404 = arith.constant 0 : i32
      %dma_wait3A_405 = tpu.memref_slice %arg8[%add3A_59, %dma_wait3A_404] : memref<10112x24xf32, #tpu.memory_space<vmem_shared>> -> memref<72x24xf32, #tpu.memory_space<vmem_shared>>
      %dma_wait3A_406 = arith.constant 0 : i32
      %dma_wait3A_407 = tpu.memref_slice %arg8[%add3A_59, %dma_wait3A_406] : memref<10112x24xf32, #tpu.memory_space<vmem_shared>> -> memref<72x24xf32, #tpu.memory_space<vmem_shared>>
      %dma_wait3A_408 = arith.constant 0 : i32
      %dma_wait3A_409 = arith.constant 0 : i32
      %dma_wait3A_410 = tpu.memref_slice %arg11[%run_scoped3A_61, %dma_wait3A_408, %dma_wait3A_409] : memref<4x80x24xf32, #tpu.memory_space<vmem>> -> memref<1x72x24xf32, #tpu.memory_space<vmem>>
      %dma_wait3A_411 = tpu.memref_squeeze %dma_wait3A_410 : memref<1x72x24xf32, #tpu.memory_space<vmem>> -> memref<72x24xf32, #tpu.memory_space<vmem>>
      tpu.wait_dma2 semaphore(%run_scoped3A_387 : memref<!tpu.dma_semaphore, #tpu.memory_space<semaphore_mem>>) src(%dma_wait3A_411 : memref<72x24xf32, #tpu.memory_space<vmem>>) dst(%dma_wait3A_407 : memref<72x24xf32, #tpu.memory_space<vmem_shared>>)
      tpu.yield
    }) : () -> ()
    %iota3A = tpu.iota {dimensions = array<i32: 0>} : vector<16xi32>
    %broadcast_in_dim3A_62 = arith.constant 1.000000e+00 : f32
    %broadcast_in_dim3A_63 = vector.broadcast %broadcast_in_dim3A_62 : f32 to vector<16xf32>
    %broadcast_in_dim3A_64 = arith.constant 16 : i32
    %broadcast_in_dim3A_65 = vector.broadcast %broadcast_in_dim3A_64 : i32 to vector<16xi32>
    %add3A_66 = arith.constant 0 : i32
    %add3A_67 = vector.broadcast %add3A_66 : i32 to vector<16xi32>
    %add3A_68 = arith.addi %add3A_67, %iota3A : vector<16xi32>
    %scatter3A = arith.constant 0 : i32
    %scatter3A_69 = arith.constant 0 : i32
    %scatter3A_70 = arith.constant 0 : i32
    %scatter3A_71 = tpu.memref_slice %arg11[%scatter3A, %scatter3A_69, %scatter3A_70] : memref<4x80x24xf32, #tpu.memory_space<vmem>> -> memref<1x80x24xf32, #tpu.memory_space<vmem>>
    %scatter3A_72 = tpu.memref_squeeze %scatter3A_71 : memref<1x80x24xf32, #tpu.memory_space<vmem>> -> memref<80x24xf32, #tpu.memory_space<vmem>>
    tpu.vector_store_idx %scatter3A_72[%add3A_68, %broadcast_in_dim3A_65], %broadcast_in_dim3A_63 : memref<80x24xf32, #tpu.memory_space<vmem>>[vector<16xi32>, vector<16xi32>], vector<16xf32>,
    %add3A_73 = arith.constant 16 : i32
    %add3A_74 = vector.broadcast %add3A_73 : i32 to vector<16xi32>
    %add3A_75 = arith.addi %add3A_74, %iota3A : vector<16xi32>
    %scatter3A_76 = arith.constant 0 : i32
    %scatter3A_77 = arith.constant 0 : i32
    %scatter3A_78 = arith.constant 0 : i32
    %scatter3A_79 = tpu.memref_slice %arg11[%scatter3A_76, %scatter3A_77, %scatter3A_78] : memref<4x80x24xf32, #tpu.memory_space<vmem>> -> memref<1x80x24xf32, #tpu.memory_space<vmem>>
    %scatter3A_80 = tpu.memref_squeeze %scatter3A_79 : memref<1x80x24xf32, #tpu.memory_space<vmem>> -> memref<80x24xf32, #tpu.memory_space<vmem>>
    tpu.vector_store_idx %scatter3A_80[%add3A_75, %broadcast_in_dim3A_65], %broadcast_in_dim3A_63 : memref<80x24xf32, #tpu.memory_space<vmem>>[vector<16xi32>, vector<16xi32>], vector<16xf32>,
    %add3A_81 = arith.constant 32 : i32
    %add3A_82 = vector.broadcast %add3A_81 : i32 to vector<16xi32>
    %add3A_83 = arith.addi %add3A_82, %iota3A : vector<16xi32>
    %scatter3A_84 = arith.constant 0 : i32
    %scatter3A_85 = arith.constant 0 : i32
    %scatter3A_86 = arith.constant 0 : i32
    %scatter3A_87 = tpu.memref_slice %arg11[%scatter3A_84, %scatter3A_85, %scatter3A_86] : memref<4x80x24xf32, #tpu.memory_space<vmem>> -> memref<1x80x24xf32, #tpu.memory_space<vmem>>
    %scatter3A_88 = tpu.memref_squeeze %scatter3A_87 : memref<1x80x24xf32, #tpu.memory_space<vmem>> -> memref<80x24xf32, #tpu.memory_space<vmem>>
    tpu.vector_store_idx %scatter3A_88[%add3A_83, %broadcast_in_dim3A_65], %broadcast_in_dim3A_63 : memref<80x24xf32, #tpu.memory_space<vmem>>[vector<16xi32>, vector<16xi32>], vector<16xf32>,
    %add3A_89 = arith.constant 48 : i32
    %add3A_90 = vector.broadcast %add3A_89 : i32 to vector<16xi32>
    %add3A_91 = arith.addi %add3A_90, %iota3A : vector<16xi32>
    %scatter3A_92 = arith.constant 0 : i32
    %scatter3A_93 = arith.constant 0 : i32
    %scatter3A_94 = arith.constant 0 : i32
    %scatter3A_95 = tpu.memref_slice %arg11[%scatter3A_92, %scatter3A_93, %scatter3A_94] : memref<4x80x24xf32, #tpu.memory_space<vmem>> -> memref<1x80x24xf32, #tpu.memory_space<vmem>>
    %scatter3A_96 = tpu.memref_squeeze %scatter3A_95 : memref<1x80x24xf32, #tpu.memory_space<vmem>> -> memref<80x24xf32, #tpu.memory_space<vmem>>
    tpu.vector_store_idx %scatter3A_96[%add3A_91, %broadcast_in_dim3A_65], %broadcast_in_dim3A_63 : memref<80x24xf32, #tpu.memory_space<vmem>>[vector<16xi32>, vector<16xi32>], vector<16xf32>,
    %add3A_97 = arith.constant 64 : i32
    %add3A_98 = vector.broadcast %add3A_97 : i32 to vector<16xi32>
    %add3A_99 = arith.addi %add3A_98, %iota3A : vector<16xi32>
    %scatter3A_100 = arith.constant 0 : i32
    %scatter3A_101 = arith.constant 0 : i32
    %scatter3A_102 = arith.constant 0 : i32
    %scatter3A_103 = tpu.memref_slice %arg11[%scatter3A_100, %scatter3A_101, %scatter3A_102] : memref<4x80x24xf32, #tpu.memory_space<vmem>> -> memref<1x80x24xf32, #tpu.memory_space<vmem>>
    %scatter3A_104 = tpu.memref_squeeze %scatter3A_103 : memref<1x80x24xf32, #tpu.memory_space<vmem>> -> memref<80x24xf32, #tpu.memory_space<vmem>>
    tpu.vector_store_idx %scatter3A_104[%add3A_99, %broadcast_in_dim3A_65], %broadcast_in_dim3A_63 : memref<80x24xf32, #tpu.memory_space<vmem>>[vector<16xi32>, vector<16xi32>], vector<16xf32>,
    %add3A_105 = arith.constant 0 : i32
    %add3A_106 = vector.broadcast %add3A_105 : i32 to vector<16xi32>
    %add3A_107 = arith.addi %add3A_106, %iota3A : vector<16xi32>
    %scatter3A_108 = arith.constant 1 : i32
    %scatter3A_109 = arith.constant 0 : i32
    %scatter3A_110 = arith.constant 0 : i32
    %scatter3A_111 = tpu.memref_slice %arg11[%scatter3A_108, %scatter3A_109, %scatter3A_110] : memref<4x80x24xf32, #tpu.memory_space<vmem>> -> memref<1x80x24xf32, #tpu.memory_space<vmem>>
    %scatter3A_112 = tpu.memref_squeeze %scatter3A_111 : memref<1x80x24xf32, #tpu.memory_space<vmem>> -> memref<80x24xf32, #tpu.memory_space<vmem>>
    tpu.vector_store_idx %scatter3A_112[%add3A_107, %broadcast_in_dim3A_65], %broadcast_in_dim3A_63 : memref<80x24xf32, #tpu.memory_space<vmem>>[vector<16xi32>, vector<16xi32>], vector<16xf32>,
    %add3A_113 = arith.constant 16 : i32
    %add3A_114 = vector.broadcast %add3A_113 : i32 to vector<16xi32>
    %add3A_115 = arith.addi %add3A_114, %iota3A : vector<16xi32>
    %scatter3A_116 = arith.constant 1 : i32
    %scatter3A_117 = arith.constant 0 : i32
    %scatter3A_118 = arith.constant 0 : i32
    %scatter3A_119 = tpu.memref_slice %arg11[%scatter3A_116, %scatter3A_117, %scatter3A_118] : memref<4x80x24xf32, #tpu.memory_space<vmem>> -> memref<1x80x24xf32, #tpu.memory_space<vmem>>
    %scatter3A_120 = tpu.memref_squeeze %scatter3A_119 : memref<1x80x24xf32, #tpu.memory_space<vmem>> -> memref<80x24xf32, #tpu.memory_space<vmem>>
    tpu.vector_store_idx %scatter3A_120[%add3A_115, %broadcast_in_dim3A_65], %broadcast_in_dim3A_63 : memref<80x24xf32, #tpu.memory_space<vmem>>[vector<16xi32>, vector<16xi32>], vector<16xf32>,
    %add3A_121 = arith.constant 32 : i32
    %add3A_122 = vector.broadcast %add3A_121 : i32 to vector<16xi32>
    %add3A_123 = arith.addi %add3A_122, %iota3A : vector<16xi32>
    %scatter3A_124 = arith.constant 1 : i32
    %scatter3A_125 = arith.constant 0 : i32
    %scatter3A_126 = arith.constant 0 : i32
    %scatter3A_127 = tpu.memref_slice %arg11[%scatter3A_124, %scatter3A_125, %scatter3A_126] : memref<4x80x24xf32, #tpu.memory_space<vmem>> -> memref<1x80x24xf32, #tpu.memory_space<vmem>>
    %scatter3A_128 = tpu.memref_squeeze %scatter3A_127 : memref<1x80x24xf32, #tpu.memory_space<vmem>> -> memref<80x24xf32, #tpu.memory_space<vmem>>
    tpu.vector_store_idx %scatter3A_128[%add3A_123, %broadcast_in_dim3A_65], %broadcast_in_dim3A_63 : memref<80x24xf32, #tpu.memory_space<vmem>>[vector<16xi32>, vector<16xi32>], vector<16xf32>,
    %add3A_129 = arith.constant 48 : i32
    %add3A_130 = vector.broadcast %add3A_129 : i32 to vector<16xi32>
    %add3A_131 = arith.addi %add3A_130, %iota3A : vector<16xi32>
    %scatter3A_132 = arith.constant 1 : i32
    %scatter3A_133 = arith.constant 0 : i32
    %scatter3A_134 = arith.constant 0 : i32
    %scatter3A_135 = tpu.memref_slice %arg11[%scatter3A_132, %scatter3A_133, %scatter3A_134] : memref<4x80x24xf32, #tpu.memory_space<vmem>> -> memref<1x80x24xf32, #tpu.memory_space<vmem>>
    %scatter3A_136 = tpu.memref_squeeze %scatter3A_135 : memref<1x80x24xf32, #tpu.memory_space<vmem>> -> memref<80x24xf32, #tpu.memory_space<vmem>>
    tpu.vector_store_idx %scatter3A_136[%add3A_131, %broadcast_in_dim3A_65], %broadcast_in_dim3A_63 : memref<80x24xf32, #tpu.memory_space<vmem>>[vector<16xi32>, vector<16xi32>], vector<16xf32>,
    %add3A_137 = arith.constant 64 : i32
    %add3A_138 = vector.broadcast %add3A_137 : i32 to vector<16xi32>
    %add3A_139 = arith.addi %add3A_138, %iota3A : vector<16xi32>
    %scatter3A_140 = arith.constant 1 : i32
    %scatter3A_141 = arith.constant 0 : i32
    %scatter3A_142 = arith.constant 0 : i32
    %scatter3A_143 = tpu.memref_slice %arg11[%scatter3A_140, %scatter3A_141, %scatter3A_142] : memref<4x80x24xf32, #tpu.memory_space<vmem>> -> memref<1x80x24xf32, #tpu.memory_space<vmem>>
    %scatter3A_144 = tpu.memref_squeeze %scatter3A_143 : memref<1x80x24xf32, #tpu.memory_space<vmem>> -> memref<80x24xf32, #tpu.memory_space<vmem>>
    tpu.vector_store_idx %scatter3A_144[%add3A_139, %broadcast_in_dim3A_65], %broadcast_in_dim3A_63 : memref<80x24xf32, #tpu.memory_space<vmem>>[vector<16xi32>, vector<16xi32>], vector<16xf32>,
    %add3A_145 = arith.constant 0 : i32
    %add3A_146 = vector.broadcast %add3A_145 : i32 to vector<16xi32>
    %add3A_147 = arith.addi %add3A_146, %iota3A : vector<16xi32>
    %scatter3A_148 = arith.constant 2 : i32
    %scatter3A_149 = arith.constant 0 : i32
    %scatter3A_150 = arith.constant 0 : i32
    %scatter3A_151 = tpu.memref_slice %arg11[%scatter3A_148, %scatter3A_149, %scatter3A_150] : memref<4x80x24xf32, #tpu.memory_space<vmem>> -> memref<1x80x24xf32, #tpu.memory_space<vmem>>
    %scatter3A_152 = tpu.memref_squeeze %scatter3A_151 : memref<1x80x24xf32, #tpu.memory_space<vmem>> -> memref<80x24xf32, #tpu.memory_space<vmem>>
    tpu.vector_store_idx %scatter3A_152[%add3A_147, %broadcast_in_dim3A_65], %broadcast_in_dim3A_63 : memref<80x24xf32, #tpu.memory_space<vmem>>[vector<16xi32>, vector<16xi32>], vector<16xf32>,
    %add3A_153 = arith.constant 16 : i32
    %add3A_154 = vector.broadcast %add3A_153 : i32 to vector<16xi32>
    %add3A_155 = arith.addi %add3A_154, %iota3A : vector<16xi32>
    %scatter3A_156 = arith.constant 2 : i32
    %scatter3A_157 = arith.constant 0 : i32
    %scatter3A_158 = arith.constant 0 : i32
    %scatter3A_159 = tpu.memref_slice %arg11[%scatter3A_156, %scatter3A_157, %scatter3A_158] : memref<4x80x24xf32, #tpu.memory_space<vmem>> -> memref<1x80x24xf32, #tpu.memory_space<vmem>>
    %scatter3A_160 = tpu.memref_squeeze %scatter3A_159 : memref<1x80x24xf32, #tpu.memory_space<vmem>> -> memref<80x24xf32, #tpu.memory_space<vmem>>
    tpu.vector_store_idx %scatter3A_160[%add3A_155, %broadcast_in_dim3A_65], %broadcast_in_dim3A_63 : memref<80x24xf32, #tpu.memory_space<vmem>>[vector<16xi32>, vector<16xi32>], vector<16xf32>,
    %add3A_161 = arith.constant 32 : i32
    %add3A_162 = vector.broadcast %add3A_161 : i32 to vector<16xi32>
    %add3A_163 = arith.addi %add3A_162, %iota3A : vector<16xi32>
    %scatter3A_164 = arith.constant 2 : i32
    %scatter3A_165 = arith.constant 0 : i32
    %scatter3A_166 = arith.constant 0 : i32
    %scatter3A_167 = tpu.memref_slice %arg11[%scatter3A_164, %scatter3A_165, %scatter3A_166] : memref<4x80x24xf32, #tpu.memory_space<vmem>> -> memref<1x80x24xf32, #tpu.memory_space<vmem>>
    %scatter3A_168 = tpu.memref_squeeze %scatter3A_167 : memref<1x80x24xf32, #tpu.memory_space<vmem>> -> memref<80x24xf32, #tpu.memory_space<vmem>>
    tpu.vector_store_idx %scatter3A_168[%add3A_163, %broadcast_in_dim3A_65], %broadcast_in_dim3A_63 : memref<80x24xf32, #tpu.memory_space<vmem>>[vector<16xi32>, vector<16xi32>], vector<16xf32>,
    %add3A_169 = arith.constant 48 : i32
    %add3A_170 = vector.broadcast %add3A_169 : i32 to vector<16xi32>
    %add3A_171 = arith.addi %add3A_170, %iota3A : vector<16xi32>
    %scatter3A_172 = arith.constant 2 : i32
    %scatter3A_173 = arith.constant 0 : i32
    %scatter3A_174 = arith.constant 0 : i32
    %scatter3A_175 = tpu.memref_slice %arg11[%scatter3A_172, %scatter3A_173, %scatter3A_174] : memref<4x80x24xf32, #tpu.memory_space<vmem>> -> memref<1x80x24xf32, #tpu.memory_space<vmem>>
    %scatter3A_176 = tpu.memref_squeeze %scatter3A_175 : memref<1x80x24xf32, #tpu.memory_space<vmem>> -> memref<80x24xf32, #tpu.memory_space<vmem>>
    tpu.vector_store_idx %scatter3A_176[%add3A_171, %broadcast_in_dim3A_65], %broadcast_in_dim3A_63 : memref<80x24xf32, #tpu.memory_space<vmem>>[vector<16xi32>, vector<16xi32>], vector<16xf32>,
    %add3A_177 = arith.constant 64 : i32
    %add3A_178 = vector.broadcast %add3A_177 : i32 to vector<16xi32>
    %add3A_179 = arith.addi %add3A_178, %iota3A : vector<16xi32>
    %scatter3A_180 = arith.constant 2 : i32
    %scatter3A_181 = arith.constant 0 : i32
    %scatter3A_182 = arith.constant 0 : i32
    %scatter3A_183 = tpu.memref_slice %arg11[%scatter3A_180, %scatter3A_181, %scatter3A_182] : memref<4x80x24xf32, #tpu.memory_space<vmem>> -> memref<1x80x24xf32, #tpu.memory_space<vmem>>
    %scatter3A_184 = tpu.memref_squeeze %scatter3A_183 : memref<1x80x24xf32, #tpu.memory_space<vmem>> -> memref<80x24xf32, #tpu.memory_space<vmem>>
    tpu.vector_store_idx %scatter3A_184[%add3A_179, %broadcast_in_dim3A_65], %broadcast_in_dim3A_63 : memref<80x24xf32, #tpu.memory_space<vmem>>[vector<16xi32>, vector<16xi32>], vector<16xf32>,
    %add3A_185 = arith.constant 0 : i32
    %add3A_186 = vector.broadcast %add3A_185 : i32 to vector<16xi32>
    %add3A_187 = arith.addi %add3A_186, %iota3A : vector<16xi32>
    %scatter3A_188 = arith.constant 3 : i32
    %scatter3A_189 = arith.constant 0 : i32
    %scatter3A_190 = arith.constant 0 : i32
    %scatter3A_191 = tpu.memref_slice %arg11[%scatter3A_188, %scatter3A_189, %scatter3A_190] : memref<4x80x24xf32, #tpu.memory_space<vmem>> -> memref<1x80x24xf32, #tpu.memory_space<vmem>>
    %scatter3A_192 = tpu.memref_squeeze %scatter3A_191 : memref<1x80x24xf32, #tpu.memory_space<vmem>> -> memref<80x24xf32, #tpu.memory_space<vmem>>
    tpu.vector_store_idx %scatter3A_192[%add3A_187, %broadcast_in_dim3A_65], %broadcast_in_dim3A_63 : memref<80x24xf32, #tpu.memory_space<vmem>>[vector<16xi32>, vector<16xi32>], vector<16xf32>,
    %add3A_193 = arith.constant 16 : i32
    %add3A_194 = vector.broadcast %add3A_193 : i32 to vector<16xi32>
    %add3A_195 = arith.addi %add3A_194, %iota3A : vector<16xi32>
    %scatter3A_196 = arith.constant 3 : i32
    %scatter3A_197 = arith.constant 0 : i32
    %scatter3A_198 = arith.constant 0 : i32
    %scatter3A_199 = tpu.memref_slice %arg11[%scatter3A_196, %scatter3A_197, %scatter3A_198] : memref<4x80x24xf32, #tpu.memory_space<vmem>> -> memref<1x80x24xf32, #tpu.memory_space<vmem>>
    %scatter3A_200 = tpu.memref_squeeze %scatter3A_199 : memref<1x80x24xf32, #tpu.memory_space<vmem>> -> memref<80x24xf32, #tpu.memory_space<vmem>>
    tpu.vector_store_idx %scatter3A_200[%add3A_195, %broadcast_in_dim3A_65], %broadcast_in_dim3A_63 : memref<80x24xf32, #tpu.memory_space<vmem>>[vector<16xi32>, vector<16xi32>], vector<16xf32>,
    %add3A_201 = arith.constant 32 : i32
    %add3A_202 = vector.broadcast %add3A_201 : i32 to vector<16xi32>
    %add3A_203 = arith.addi %add3A_202, %iota3A : vector<16xi32>
    %scatter3A_204 = arith.constant 3 : i32
    %scatter3A_205 = arith.constant 0 : i32
    %scatter3A_206 = arith.constant 0 : i32
    %scatter3A_207 = tpu.memref_slice %arg11[%scatter3A_204, %scatter3A_205, %scatter3A_206] : memref<4x80x24xf32, #tpu.memory_space<vmem>> -> memref<1x80x24xf32, #tpu.memory_space<vmem>>
    %scatter3A_208 = tpu.memref_squeeze %scatter3A_207 : memref<1x80x24xf32, #tpu.memory_space<vmem>> -> memref<80x24xf32, #tpu.memory_space<vmem>>
    tpu.vector_store_idx %scatter3A_208[%add3A_203, %broadcast_in_dim3A_65], %broadcast_in_dim3A_63 : memref<80x24xf32, #tpu.memory_space<vmem>>[vector<16xi32>, vector<16xi32>], vector<16xf32>,
    %add3A_209 = arith.constant 48 : i32
    %add3A_210 = vector.broadcast %add3A_209 : i32 to vector<16xi32>
    %add3A_211 = arith.addi %add3A_210, %iota3A : vector<16xi32>
    %scatter3A_212 = arith.constant 3 : i32
    %scatter3A_213 = arith.constant 0 : i32
    %scatter3A_214 = arith.constant 0 : i32
    %scatter3A_215 = tpu.memref_slice %arg11[%scatter3A_212, %scatter3A_213, %scatter3A_214] : memref<4x80x24xf32, #tpu.memory_space<vmem>> -> memref<1x80x24xf32, #tpu.memory_space<vmem>>
    %scatter3A_216 = tpu.memref_squeeze %scatter3A_215 : memref<1x80x24xf32, #tpu.memory_space<vmem>> -> memref<80x24xf32, #tpu.memory_space<vmem>>
    tpu.vector_store_idx %scatter3A_216[%add3A_211, %broadcast_in_dim3A_65], %broadcast_in_dim3A_63 : memref<80x24xf32, #tpu.memory_space<vmem>>[vector<16xi32>, vector<16xi32>], vector<16xf32>,
    %add3A_217 = arith.constant 64 : i32
    %add3A_218 = vector.broadcast %add3A_217 : i32 to vector<16xi32>
    %add3A_219 = arith.addi %add3A_218, %iota3A : vector<16xi32>
    %scatter3A_220 = arith.constant 3 : i32
    %scatter3A_221 = arith.constant 0 : i32
    %scatter3A_222 = arith.constant 0 : i32
    %scatter3A_223 = tpu.memref_slice %arg11[%scatter3A_220, %scatter3A_221, %scatter3A_222] : memref<4x80x24xf32, #tpu.memory_space<vmem>> -> memref<1x80x24xf32, #tpu.memory_space<vmem>>
    %scatter3A_224 = tpu.memref_squeeze %scatter3A_223 : memref<1x80x24xf32, #tpu.memory_space<vmem>> -> memref<80x24xf32, #tpu.memory_space<vmem>>
    tpu.vector_store_idx %scatter3A_224[%add3A_219, %broadcast_in_dim3A_65], %broadcast_in_dim3A_63 : memref<80x24xf32, #tpu.memory_space<vmem>>[vector<16xi32>, vector<16xi32>], vector<16xf32>,
    %barrier3A = arith.constant 0 : index
    tpu.barrier barrier_id(%barrier3A)
    %mul3A_225 = arith.constant 10000 : i32
    %mul3A_226 = arith.muli %add3A, %mul3A_225 : i32
    %add3A_227 = arith.constant 0 : i32
    %add3A_228 = arith.addi %mul3A_226, %add3A_227 : i32
    %dma_start3A = arith.constant 0 : i32
    %dma_start3A_229 = arith.constant 0 : i32
    %dma_start3A_230 = arith.constant 0 : i32
    %dma_start3A_231 = arith.constant 0 : i32
    %dma_start3A_232 = tpu.memref_slice %arg9[%dma_start3A, %dma_start3A_230, %dma_start3A_231] : memref<4x2x80xi32, #tpu.memory_space<vmem>> -> memref<1x2x80xi32, #tpu.memory_space<vmem>>
    %dma_start3A_233 = tpu.memref_squeeze %dma_start3A_232 : memref<1x2x80xi32, #tpu.memory_space<vmem>> -> memref<2x80xi32, #tpu.memory_space<vmem>>
    %dma_start3A_234 = arith.constant 0 : i32
    %dma_start3A_235 = tpu.memref_slice %arg3[%dma_start3A_234, %add3A_228] : memref<2x320000xi32, #tpu.memory_space<hbm>> -> memref<2x80xi32, #tpu.memory_space<hbm>>
    %dma_start3A_236 = tpu.memref_slice %arg13[%dma_start3A_229] : memref<4x!tpu.dma_semaphore, #tpu.memory_space<semaphore_mem>> -> memref<1x!tpu.dma_semaphore, #tpu.memory_space<semaphore_mem>>
    %dma_start3A_237 = tpu.memref_squeeze %dma_start3A_236 : memref<1x!tpu.dma_semaphore, #tpu.memory_space<semaphore_mem>> -> memref<!tpu.dma_semaphore, #tpu.memory_space<semaphore_mem>>
    %dma_start3A_238 = arith.constant 0 : i32
    %dma_start3A_239 = arith.constant 0 : i32
    %dma_start3A_240 = tpu.memref_slice %arg9[%dma_start3A, %dma_start3A_238, %dma_start3A_239] : memref<4x2x80xi32, #tpu.memory_space<vmem>> -> memref<1x2x80xi32, #tpu.memory_space<vmem>>
    %dma_start3A_241 = tpu.memref_squeeze %dma_start3A_240 : memref<1x2x80xi32, #tpu.memory_space<vmem>> -> memref<2x80xi32, #tpu.memory_space<vmem>>
    %dma_start3A_242 = arith.constant 0 : i32
    %dma_start3A_243 = tpu.memref_slice %arg3[%dma_start3A_242, %add3A_228] : memref<2x320000xi32, #tpu.memory_space<hbm>> -> memref<2x80xi32, #tpu.memory_space<hbm>>
    tpu.enqueue_dma source(%dma_start3A_243 : memref<2x80xi32, #tpu.memory_space<hbm>>) target(%dma_start3A_241 : memref<2x80xi32, #tpu.memory_space<vmem>>) target_semaphore(%dma_start3A_237 : memref<!tpu.dma_semaphore, #tpu.memory_space<semaphore_mem>>)
    %dma_start3A_244 = arith.constant 0 : i32
    %dma_start3A_245 = arith.constant 0 : i32
    %dma_start3A_246 = arith.constant 0 : i32
    %dma_start3A_247 = arith.constant 0 : i32
    %dma_start3A_248 = tpu.memref_slice %arg10[%dma_start3A_244, %dma_start3A_246, %dma_start3A_247] : memref<4x16x80xf32, #tpu.memory_space<vmem>> -> memref<1x16x80xf32, #tpu.memory_space<vmem>>
    %dma_start3A_249 = tpu.memref_squeeze %dma_start3A_248 : memref<1x16x80xf32, #tpu.memory_space<vmem>> -> memref<16x80xf32, #tpu.memory_space<vmem>>
    %dma_start3A_250 = arith.constant 0 : i32
    %dma_start3A_251 = tpu.memref_slice %arg4[%dma_start3A_250, %add3A_228] : memref<16x320000xf32, #tpu.memory_space<hbm>> -> memref<16x80xf32, #tpu.memory_space<hbm>>
    %dma_start3A_252 = tpu.memref_slice %arg13[%dma_start3A_245] : memref<4x!tpu.dma_semaphore, #tpu.memory_space<semaphore_mem>> -> memref<1x!tpu.dma_semaphore, #tpu.memory_space<semaphore_mem>>
    %dma_start3A_253 = tpu.memref_squeeze %dma_start3A_252 : memref<1x!tpu.dma_semaphore, #tpu.memory_space<semaphore_mem>> -> memref<!tpu.dma_semaphore, #tpu.memory_space<semaphore_mem>>
    %dma_start3A_254 = arith.constant 0 : i32
    %dma_start3A_255 = arith.constant 0 : i32
    %dma_start3A_256 = tpu.memref_slice %arg10[%dma_start3A_244, %dma_start3A_254, %dma_start3A_255] : memref<4x16x80xf32, #tpu.memory_space<vmem>> -> memref<1x16x80xf32, #tpu.memory_space<vmem>>
    %dma_start3A_257 = tpu.memref_squeeze %dma_start3A_256 : memref<1x16x80xf32, #tpu.memory_space<vmem>> -> memref<16x80xf32, #tpu.memory_space<vmem>>
    %dma_start3A_258 = arith.constant 0 : i32
    %dma_start3A_259 = tpu.memref_slice %arg4[%dma_start3A_258, %add3A_228] : memref<16x320000xf32, #tpu.memory_space<hbm>> -> memref<16x80xf32, #tpu.memory_space<hbm>>
    tpu.enqueue_dma source(%dma_start3A_259 : memref<16x80xf32, #tpu.memory_space<hbm>>) target(%dma_start3A_257 : memref<16x80xf32, #tpu.memory_space<vmem>>) target_semaphore(%dma_start3A_253 : memref<!tpu.dma_semaphore, #tpu.memory_space<semaphore_mem>>)
    %add3A_260 = arith.constant 80 : i32
    %add3A_261 = arith.addi %mul3A_226, %add3A_260 : i32
    %dma_start3A_262 = arith.constant 1 : i32
    %dma_start3A_263 = arith.constant 1 : i32
    %dma_start3A_264 = arith.constant 0 : i32
    %dma_start3A_265 = arith.constant 0 : i32
    %dma_start3A_266 = tpu.memref_slice %arg9[%dma_start3A_262, %dma_start3A_264, %dma_start3A_265] : memref<4x2x80xi32, #tpu.memory_space<vmem>> -> memref<1x2x80xi32, #tpu.memory_space<vmem>>
    %dma_start3A_267 = tpu.memref_squeeze %dma_start3A_266 : memref<1x2x80xi32, #tpu.memory_space<vmem>> -> memref<2x80xi32, #tpu.memory_space<vmem>>
    %dma_start3A_268 = arith.constant 0 : i32
    %dma_start3A_269 = tpu.memref_slice %arg3[%dma_start3A_268, %add3A_261] : memref<2x320000xi32, #tpu.memory_space<hbm>> -> memref<2x80xi32, #tpu.memory_space<hbm>>
    %dma_start3A_270 = tpu.memref_slice %arg13[%dma_start3A_263] : memref<4x!tpu.dma_semaphore, #tpu.memory_space<semaphore_mem>> -> memref<1x!tpu.dma_semaphore, #tpu.memory_space<semaphore_mem>>
    %dma_start3A_271 = tpu.memref_squeeze %dma_start3A_270 : memref<1x!tpu.dma_semaphore, #tpu.memory_space<semaphore_mem>> -> memref<!tpu.dma_semaphore, #tpu.memory_space<semaphore_mem>>
    %dma_start3A_272 = arith.constant 0 : i32
    %dma_start3A_273 = arith.constant 0 : i32
    %dma_start3A_274 = tpu.memref_slice %arg9[%dma_start3A_262, %dma_start3A_272, %dma_start3A_273] : memref<4x2x80xi32, #tpu.memory_space<vmem>> -> memref<1x2x80xi32, #tpu.memory_space<vmem>>
    %dma_start3A_275 = tpu.memref_squeeze %dma_start3A_274 : memref<1x2x80xi32, #tpu.memory_space<vmem>> -> memref<2x80xi32, #tpu.memory_space<vmem>>
    %dma_start3A_276 = arith.constant 0 : i32
    %dma_start3A_277 = tpu.memref_slice %arg3[%dma_start3A_276, %add3A_261] : memref<2x320000xi32, #tpu.memory_space<hbm>> -> memref<2x80xi32, #tpu.memory_space<hbm>>
    tpu.enqueue_dma source(%dma_start3A_277 : memref<2x80xi32, #tpu.memory_space<hbm>>) target(%dma_start3A_275 : memref<2x80xi32, #tpu.memory_space<vmem>>) target_semaphore(%dma_start3A_271 : memref<!tpu.dma_semaphore, #tpu.memory_space<semaphore_mem>>)
    %dma_start3A_278 = arith.constant 1 : i32
    %dma_start3A_279 = arith.constant 1 : i32
    %dma_start3A_280 = arith.constant 0 : i32
    %dma_start3A_281 = arith.constant 0 : i32
    %dma_start3A_282 = tpu.memref_slice %arg10[%dma_start3A_278, %dma_start3A_280, %dma_start3A_281] : memref<4x16x80xf32, #tpu.memory_space<vmem>> -> memref<1x16x80xf32, #tpu.memory_space<vmem>>
    %dma_start3A_283 = tpu.memref_squeeze %dma_start3A_282 : memref<1x16x80xf32, #tpu.memory_space<vmem>> -> memref<16x80xf32, #tpu.memory_space<vmem>>
    %dma_start3A_284 = arith.constant 0 : i32
    %dma_start3A_285 = tpu.memref_slice %arg4[%dma_start3A_284, %add3A_261] : memref<16x320000xf32, #tpu.memory_space<hbm>> -> memref<16x80xf32, #tpu.memory_space<hbm>>
    %dma_start3A_286 = tpu.memref_slice %arg13[%dma_start3A_279] : memref<4x!tpu.dma_semaphore, #tpu.memory_space<semaphore_mem>> -> memref<1x!tpu.dma_semaphore, #tpu.memory_space<semaphore_mem>>
    %dma_start3A_287 = tpu.memref_squeeze %dma_start3A_286 : memref<1x!tpu.dma_semaphore, #tpu.memory_space<semaphore_mem>> -> memref<!tpu.dma_semaphore, #tpu.memory_space<semaphore_mem>>
    %dma_start3A_288 = arith.constant 0 : i32
    %dma_start3A_289 = arith.constant 0 : i32
    %dma_start3A_290 = tpu.memref_slice %arg10[%dma_start3A_278, %dma_start3A_288, %dma_start3A_289] : memref<4x16x80xf32, #tpu.memory_space<vmem>> -> memref<1x16x80xf32, #tpu.memory_space<vmem>>
    %dma_start3A_291 = tpu.memref_squeeze %dma_start3A_290 : memref<1x16x80xf32, #tpu.memory_space<vmem>> -> memref<16x80xf32, #tpu.memory_space<vmem>>
    %dma_start3A_292 = arith.constant 0 : i32
    %dma_start3A_293 = tpu.memref_slice %arg4[%dma_start3A_292, %add3A_261] : memref<16x320000xf32, #tpu.memory_space<hbm>> -> memref<16x80xf32, #tpu.memory_space<hbm>>
    tpu.enqueue_dma source(%dma_start3A_293 : memref<16x80xf32, #tpu.memory_space<hbm>>) target(%dma_start3A_291 : memref<16x80xf32, #tpu.memory_space<vmem>>) target_semaphore(%dma_start3A_287 : memref<!tpu.dma_semaphore, #tpu.memory_space<semaphore_mem>>)
    %dma_wait3A = arith.constant 0 : i32
    %dma_wait3A_294 = arith.constant 0 : i32
    %dma_wait3A_295 = arith.constant 0 : i32
    %dma_wait3A_296 = arith.constant 0 : i32
    %dma_wait3A_297 = tpu.memref_slice %arg9[%dma_wait3A, %dma_wait3A_295, %dma_wait3A_296] : memref<4x2x80xi32, #tpu.memory_space<vmem>> -> memref<1x2x80xi32, #tpu.memory_space<vmem>>
    %dma_wait3A_298 = tpu.memref_squeeze %dma_wait3A_297 : memref<1x2x80xi32, #tpu.memory_space<vmem>> -> memref<2x80xi32, #tpu.memory_space<vmem>>
    %dma_wait3A_299 = arith.constant 0 : i32
    %dma_wait3A_300 = arith.constant 0 : i32
    %dma_wait3A_301 = tpu.memref_slice %arg3[%dma_wait3A_299, %dma_wait3A_300] : memref<2x320000xi32, #tpu.memory_space<hbm>> -> memref<2x80xi32, #tpu.memory_space<hbm>>
    %dma_wait3A_302 = tpu.memref_slice %arg13[%dma_wait3A_294] : memref<4x!tpu.dma_semaphore, #tpu.memory_space<semaphore_mem>> -> memref<1x!tpu.dma_semaphore, #tpu.memory_space<semaphore_mem>>
    %dma_wait3A_303 = tpu.memref_squeeze %dma_wait3A_302 : memref<1x!tpu.dma_semaphore, #tpu.memory_space<semaphore_mem>> -> memref<!tpu.dma_semaphore, #tpu.memory_space<semaphore_mem>>
    %dma_wait3A_304 = arith.constant 0 : i32
    %dma_wait3A_305 = arith.constant 0 : i32
    %dma_wait3A_306 = tpu.memref_slice %arg9[%dma_wait3A, %dma_wait3A_304, %dma_wait3A_305] : memref<4x2x80xi32, #tpu.memory_space<vmem>> -> memref<1x2x80xi32, #tpu.memory_space<vmem>>
    %dma_wait3A_307 = tpu.memref_squeeze %dma_wait3A_306 : memref<1x2x80xi32, #tpu.memory_space<vmem>> -> memref<2x80xi32, #tpu.memory_space<vmem>>
    %dma_wait3A_308 = arith.constant 0 : i32
    %dma_wait3A_309 = arith.constant 0 : i32
    %dma_wait3A_310 = tpu.memref_slice %arg3[%dma_wait3A_308, %dma_wait3A_309] : memref<2x320000xi32, #tpu.memory_space<hbm>> -> memref<2x80xi32, #tpu.memory_space<hbm>>
    tpu.wait_dma2 semaphore(%dma_wait3A_303 : memref<!tpu.dma_semaphore, #tpu.memory_space<semaphore_mem>>) src(%dma_wait3A_310 : memref<2x80xi32, #tpu.memory_space<hbm>>) dst(%dma_wait3A_307 : memref<2x80xi32, #tpu.memory_space<vmem>>)
    %dma_wait3A_311 = arith.constant 0 : i32
    %dma_wait3A_312 = arith.constant 0 : i32
    %dma_wait3A_313 = arith.constant 0 : i32
    %dma_wait3A_314 = arith.constant 0 : i32
    %dma_wait3A_315 = tpu.memref_slice %arg10[%dma_wait3A_311, %dma_wait3A_313, %dma_wait3A_314] : memref<4x16x80xf32, #tpu.memory_space<vmem>> -> memref<1x16x80xf32, #tpu.memory_space<vmem>>
    %dma_wait3A_316 = tpu.memref_squeeze %dma_wait3A_315 : memref<1x16x80xf32, #tpu.memory_space<vmem>> -> memref<16x80xf32, #tpu.memory_space<vmem>>
    %dma_wait3A_317 = arith.constant 0 : i32
    %dma_wait3A_318 = arith.constant 0 : i32
    %dma_wait3A_319 = tpu.memref_slice %arg4[%dma_wait3A_317, %dma_wait3A_318] : memref<16x320000xf32, #tpu.memory_space<hbm>> -> memref<16x80xf32, #tpu.memory_space<hbm>>
    %dma_wait3A_320 = tpu.memref_slice %arg13[%dma_wait3A_312] : memref<4x!tpu.dma_semaphore, #tpu.memory_space<semaphore_mem>> -> memref<1x!tpu.dma_semaphore, #tpu.memory_space<semaphore_mem>>
    %dma_wait3A_321 = tpu.memref_squeeze %dma_wait3A_320 : memref<1x!tpu.dma_semaphore, #tpu.memory_space<semaphore_mem>> -> memref<!tpu.dma_semaphore, #tpu.memory_space<semaphore_mem>>
    %dma_wait3A_322 = arith.constant 0 : i32
    %dma_wait3A_323 = arith.constant 0 : i32
    %dma_wait3A_324 = tpu.memref_slice %arg10[%dma_wait3A_311, %dma_wait3A_322, %dma_wait3A_323] : memref<4x16x80xf32, #tpu.memory_space<vmem>> -> memref<1x16x80xf32, #tpu.memory_space<vmem>>
    %dma_wait3A_325 = tpu.memref_squeeze %dma_wait3A_324 : memref<1x16x80xf32, #tpu.memory_space<vmem>> -> memref<16x80xf32, #tpu.memory_space<vmem>>
    %dma_wait3A_326 = arith.constant 0 : i32
    %dma_wait3A_327 = arith.constant 0 : i32
    %dma_wait3A_328 = tpu.memref_slice %arg4[%dma_wait3A_326, %dma_wait3A_327] : memref<16x320000xf32, #tpu.memory_space<hbm>> -> memref<16x80xf32, #tpu.memory_space<hbm>>
    tpu.wait_dma2 semaphore(%dma_wait3A_321 : memref<!tpu.dma_semaphore, #tpu.memory_space<semaphore_mem>>) src(%dma_wait3A_328 : memref<16x80xf32, #tpu.memory_space<hbm>>) dst(%dma_wait3A_325 : memref<16x80xf32, #tpu.memory_space<vmem>>)
    %dma_start3A_329 = arith.constant 0 : i32
    %dma_start3A_330 = arith.constant 0 : i32
    %dma_start3A_331 = arith.constant 0 : i32
    %dma_start3A_332 = arith.constant 0 : i32
    %dma_start3A_333 = arith.constant 0 : i32
    %dma_start3A_334 = arith.constant 0 : i32
    %dma_start3A_335 = tpu.memref_slice %arg12[%dma_start3A_331, %dma_start3A_333, %dma_start3A_334] : memref<2x80x128xf32, #tpu.memory_space<vmem>> -> memref<1x80x128xf32, #tpu.memory_space<vmem>>
    %dma_start3A_336 = tpu.memref_squeeze %dma_start3A_335 : memref<1x80x128xf32, #tpu.memory_space<vmem>> -> memref<80x128xf32, #tpu.memory_space<vmem>>
    %dma_start3A_337 = arith.constant 0 : i32
    %dma_start3A_338 = tpu.memref_slice %arg9[%dma_start3A_329, %dma_start3A_330, %dma_start3A_337] : memref<4x2x80xi32, #tpu.memory_space<vmem>> -> memref<1x1x80xi32, #tpu.memory_space<vmem>>
    %dma_start3A_339 = tpu.memref_squeeze %dma_start3A_338 : memref<1x1x80xi32, #tpu.memory_space<vmem>> -> memref<80xi32, #tpu.memory_space<vmem>>
    %dma_start3A_340 = arith.constant 0 : i32
    %dma_start3A_341 = arith.constant 0 : i32
    %dma_start3A_342 = tpu.memref_slice %arg2[%dma_start3A_340, %dma_start3A_341] : memref<10000x128xf32, #tpu.memory_space<hbm>> -> memref<10000x128xf32, #tpu.memory_space<hbm>>
    %dma_start3A_343 = tpu.memref_slice %arg14[%dma_start3A_332] : memref<2x!tpu.dma_semaphore, #tpu.memory_space<semaphore_mem>> -> memref<1x!tpu.dma_semaphore, #tpu.memory_space<semaphore_mem>>
    %dma_start3A_344 = tpu.memref_squeeze %dma_start3A_343 : memref<1x!tpu.dma_semaphore, #tpu.memory_space<semaphore_mem>> -> memref<!tpu.dma_semaphore, #tpu.memory_space<semaphore_mem>>
    tpu.enqueue_indirect_dma source(%dma_start3A_342 : memref<10000x128xf32, #tpu.memory_space<hbm>>) target(%dma_start3A_336 : memref<80x128xf32, #tpu.memory_space<vmem>>) offsets(%dma_start3A_339 : memref<80xi32, #tpu.memory_space<vmem>>) semaphore(%dma_start3A_344 : memref<!tpu.dma_semaphore, #tpu.memory_space<semaphore_mem>>)
    %scan3A_345 = arith.constant 0 : i32
    %scan3A_346 = arith.constant 0 : i32
    %scan3A_347 = arith.constant 125 : i32
    %scan3A_348 = arith.addi %scan3A_346, %scan3A_347 : i32
    %scan3A_349 = arith.constant 1 : i32
    %scan3A_350 = scf.for %scan3A_387 = %scan3A_346 to %scan3A_348 step %scan3A_349 iter_args(%scan3A_388 = %scan3A_345) -> (i32)  : i32 {
      %jit3A = arith.constant 2 : i32
      %eq3A = arith.constant 0 : i32
      %eq3A_389 = arith.cmpi eq, %jit3A, %eq3A : i32
      %jit3A_390 = arith.constant 1 : i32
      %select_n3A = arith.select %eq3A_389, %jit3A_390, %jit3A : i32
      %rem3A = arith.remsi %scan3A_387, %select_n3A : i32
      %ne3A = arith.constant 0 : i32
      %ne3A_391 = arith.cmpi ne, %rem3A, %ne3A : i32
      %lt3A = arith.constant 0 : i32
      %lt3A_392 = arith.cmpi slt, %rem3A, %lt3A : i32
      %lt3A_393 = arith.constant 0 : i32
      %lt3A_394 = arith.cmpi slt, %select_n3A, %lt3A_393 : i32
      %ne3A_395 = arith.xori %lt3A_392, %lt3A_394 : i1
      %and3A = arith.andi %ne3A_395, %ne3A_391 : i1
      %add3A_396 = arith.addi %rem3A, %select_n3A : i32
      %select_n3A_397 = arith.select %and3A, %add3A_396, %rem3A : i32
      %add3A_398 = arith.constant 1 : i32
      %add3A_399 = arith.addi %scan3A_387, %add3A_398 : i32
      %jit3A_400 = arith.constant 2 : i32
      %eq3A_401 = arith.constant 0 : i32
      %eq3A_402 = arith.cmpi eq, %jit3A_400, %eq3A_401 : i32
      %jit3A_403 = arith.constant 1 : i32
      %select_n3A_404 = arith.select %eq3A_402, %jit3A_403, %jit3A_400 : i32
      %rem3A_405 = arith.remsi %add3A_399, %select_n3A_404 : i32
      %ne3A_406 = arith.constant 0 : i32
      %ne3A_407 = arith.cmpi ne, %rem3A_405, %ne3A_406 : i32
      %lt3A_408 = arith.constant 0 : i32
      %lt3A_409 = arith.cmpi slt, %rem3A_405, %lt3A_408 : i32
      %lt3A_410 = arith.constant 0 : i32
      %lt3A_411 = arith.cmpi slt, %select_n3A_404, %lt3A_410 : i32
      %ne3A_412 = arith.xori %lt3A_409, %lt3A_411 : i1
      %and3A_413 = arith.andi %ne3A_412, %ne3A_407 : i1
      %add3A_414 = arith.addi %rem3A_405, %select_n3A_404 : i32
      %select_n3A_415 = arith.select %and3A_413, %add3A_414, %rem3A_405 : i32
      %jit3A_416 = arith.constant 4 : i32
      %eq3A_417 = arith.constant 0 : i32
      %eq3A_418 = arith.cmpi eq, %jit3A_416, %eq3A_417 : i32
      %jit3A_419 = arith.constant 1 : i32
      %select_n3A_420 = arith.select %eq3A_418, %jit3A_419, %jit3A_416 : i32
      %rem3A_421 = arith.remsi %scan3A_387, %select_n3A_420 : i32
      %ne3A_422 = arith.constant 0 : i32
      %ne3A_423 = arith.cmpi ne, %rem3A_421, %ne3A_422 : i32
      %lt3A_424 = arith.constant 0 : i32
      %lt3A_425 = arith.cmpi slt, %rem3A_421, %lt3A_424 : i32
      %lt3A_426 = arith.constant 0 : i32
      %lt3A_427 = arith.cmpi slt, %select_n3A_420, %lt3A_426 : i32
      %ne3A_428 = arith.xori %lt3A_425, %lt3A_427 : i1
      %and3A_429 = arith.andi %ne3A_428, %ne3A_423 : i1
      %add3A_430 = arith.addi %rem3A_421, %select_n3A_420 : i32
      %select_n3A_431 = arith.select %and3A_429, %add3A_430, %rem3A_421 : i32
      %gt3A = arith.constant 0 : i32
      %gt3A_432 = arith.cmpi sgt, %scan3A_387, %gt3A : i32
      %convert_element_type3A = arith.extui %gt3A_432 : i1 to i32
      %cond3A = arith.constant 0 : i32
      %cond3A_433 = arith.cmpi ne, %convert_element_type3A, %cond3A : i32
      scf.if %cond3A_433 {
        %sub3A = arith.constant 1 : i32
        %sub3A_1382 = arith.subi %scan3A_387, %sub3A : i32
        %jit3A_1383 = arith.constant 4 : i32
        %eq3A_1384 = arith.constant 0 : i32
        %eq3A_1385 = arith.cmpi eq, %jit3A_1383, %eq3A_1384 : i32
        %jit3A_1386 = arith.constant 1 : i32
        %select_n3A_1387 = arith.select %eq3A_1385, %jit3A_1386, %jit3A_1383 : i32
        %rem3A_1388 = arith.remsi %sub3A_1382, %select_n3A_1387 : i32
        %ne3A_1389 = arith.constant 0 : i32
        %ne3A_1390 = arith.cmpi ne, %rem3A_1388, %ne3A_1389 : i32
        %lt3A_1391 = arith.constant 0 : i32
        %lt3A_1392 = arith.cmpi slt, %rem3A_1388, %lt3A_1391 : i32
        %lt3A_1393 = arith.constant 0 : i32
        %lt3A_1394 = arith.cmpi slt, %select_n3A_1387, %lt3A_1393 : i32
        %ne3A_1395 = arith.xori %lt3A_1392, %lt3A_1394 : i1
        %and3A_1396 = arith.andi %ne3A_1395, %ne3A_1390 : i1
        %add3A_1397 = arith.addi %rem3A_1388, %select_n3A_1387 : i32
        %select_n3A_1398 = arith.select %and3A_1396, %add3A_1397, %rem3A_1388 : i32
        %dma_wait3A_1399 = arith.constant 1 : i32
        %dma_wait3A_1400 = arith.constant 0 : i32
        %dma_wait3A_1401 = arith.constant 0 : i32
        %dma_wait3A_1402 = tpu.memref_slice %arg12[%select_n3A_415, %dma_wait3A_1400, %dma_wait3A_1401] : memref<2x80x128xf32, #tpu.memory_space<vmem>> -> memref<1x80x128xf32, #tpu.memory_space<vmem>>
        %dma_wait3A_1403 = tpu.memref_squeeze %dma_wait3A_1402 : memref<1x80x128xf32, #tpu.memory_space<vmem>> -> memref<80x128xf32, #tpu.memory_space<vmem>>
        %dma_wait3A_1404 = arith.constant 0 : i32
        %dma_wait3A_1405 = tpu.memref_slice %arg9[%select_n3A_1398, %dma_wait3A_1399, %dma_wait3A_1404] : memref<4x2x80xi32, #tpu.memory_space<vmem>> -> memref<1x1x80xi32, #tpu.memory_space<vmem>>
        %dma_wait3A_1406 = tpu.memref_squeeze %dma_wait3A_1405 : memref<1x1x80xi32, #tpu.memory_space<vmem>> -> memref<80xi32, #tpu.memory_space<vmem>>
        %dma_wait3A_1407 = arith.constant 0 : i32
        %dma_wait3A_1408 = arith.constant 0 : i32
        %dma_wait3A_1409 = tpu.memref_slice %arg7[%dma_wait3A_1407, %dma_wait3A_1408] : memref<10112x128xf32, #tpu.memory_space<vmem_shared>> -> memref<10112x128xf32, #tpu.memory_space<vmem_shared>>
        %dma_wait3A_1410 = tpu.memref_slice %arg15[%select_n3A_1398] : memref<4x!tpu.dma_semaphore, #tpu.memory_space<semaphore_mem>> -> memref<1x!tpu.dma_semaphore, #tpu.memory_space<semaphore_mem>>
        %dma_wait3A_1411 = tpu.memref_squeeze %dma_wait3A_1410 : memref<1x!tpu.dma_semaphore, #tpu.memory_space<semaphore_mem>> -> memref<!tpu.dma_semaphore, #tpu.memory_space<semaphore_mem>>
        tpu.wait_indirect_dma semaphore(%dma_wait3A_1411 : memref<!tpu.dma_semaphore, #tpu.memory_space<semaphore_mem>>) src(%dma_wait3A_1403 : memref<80x128xf32, #tpu.memory_space<vmem>>) dst(%dma_wait3A_1409 : memref<10112x128xf32, #tpu.memory_space<vmem_shared>>)
        %dma_wait3A_1412 = arith.constant 1 : i32
        %dma_wait3A_1413 = arith.constant 0 : i32
        %dma_wait3A_1414 = arith.constant 0 : i32
        %dma_wait3A_1415 = tpu.memref_slice %arg11[%select_n3A_1398, %dma_wait3A_1413, %dma_wait3A_1414] : memref<4x80x24xf32, #tpu.memory_space<vmem>> -> memref<1x80x24xf32, #tpu.memory_space<vmem>>
        %dma_wait3A_1416 = tpu.memref_squeeze %dma_wait3A_1415 : memref<1x80x24xf32, #tpu.memory_space<vmem>> -> memref<80x24xf32, #tpu.memory_space<vmem>>
        %dma_wait3A_1417 = arith.constant 0 : i32
        %dma_wait3A_1418 = tpu.memref_slice %arg9[%select_n3A_1398, %dma_wait3A_1412, %dma_wait3A_1417] : memref<4x2x80xi32, #tpu.memory_space<vmem>> -> memref<1x1x80xi32, #tpu.memory_space<vmem>>
        %dma_wait3A_1419 = tpu.memref_squeeze %dma_wait3A_1418 : memref<1x1x80xi32, #tpu.memory_space<vmem>> -> memref<80xi32, #tpu.memory_space<vmem>>
        %dma_wait3A_1420 = arith.constant 0 : i32
        %dma_wait3A_1421 = arith.constant 0 : i32
        %dma_wait3A_1422 = tpu.memref_slice %arg8[%dma_wait3A_1420, %dma_wait3A_1421] : memref<10112x24xf32, #tpu.memory_space<vmem_shared>> -> memref<10112x24xf32, #tpu.memory_space<vmem_shared>>
        %dma_wait3A_1423 = tpu.memref_slice %arg15[%select_n3A_1398] : memref<4x!tpu.dma_semaphore, #tpu.memory_space<semaphore_mem>> -> memref<1x!tpu.dma_semaphore, #tpu.memory_space<semaphore_mem>>
        %dma_wait3A_1424 = tpu.memref_squeeze %dma_wait3A_1423 : memref<1x!tpu.dma_semaphore, #tpu.memory_space<semaphore_mem>> -> memref<!tpu.dma_semaphore, #tpu.memory_space<semaphore_mem>>
        tpu.wait_indirect_dma semaphore(%dma_wait3A_1424 : memref<!tpu.dma_semaphore, #tpu.memory_space<semaphore_mem>>) src(%dma_wait3A_1416 : memref<80x24xf32, #tpu.memory_space<vmem>>) dst(%dma_wait3A_1422 : memref<10112x24xf32, #tpu.memory_space<vmem_shared>>)
      } else {
      }
      %add3A_434 = arith.constant 1 : i32
      %add3A_435 = arith.addi %scan3A_387, %add3A_434 : i32
      %lt3A_436 = arith.constant 125 : i32
      %lt3A_437 = arith.cmpi slt, %add3A_435, %lt3A_436 : i32
      %convert_element_type3A_438 = arith.extui %lt3A_437 : i1 to i32
      %cond3A_439 = arith.constant 0 : i32
      %cond3A_440 = arith.cmpi ne, %convert_element_type3A_438, %cond3A_439 : i32
      scf.if %cond3A_440 {
        %add3A_1382 = arith.constant 1 : i32
        %add3A_1383 = arith.addi %scan3A_387, %add3A_1382 : i32
        %jit3A_1384 = arith.constant 4 : i32
        %eq3A_1385 = arith.constant 0 : i32
        %eq3A_1386 = arith.cmpi eq, %jit3A_1384, %eq3A_1385 : i32
        %jit3A_1387 = arith.constant 1 : i32
        %select_n3A_1388 = arith.select %eq3A_1386, %jit3A_1387, %jit3A_1384 : i32
        %rem3A_1389 = arith.remsi %add3A_1383, %select_n3A_1388 : i32
        %ne3A_1390 = arith.constant 0 : i32
        %ne3A_1391 = arith.cmpi ne, %rem3A_1389, %ne3A_1390 : i32
        %lt3A_1392 = arith.constant 0 : i32
        %lt3A_1393 = arith.cmpi slt, %rem3A_1389, %lt3A_1392 : i32
        %lt3A_1394 = arith.constant 0 : i32
        %lt3A_1395 = arith.cmpi slt, %select_n3A_1388, %lt3A_1394 : i32
        %ne3A_1396 = arith.xori %lt3A_1393, %lt3A_1395 : i1
        %and3A_1397 = arith.andi %ne3A_1396, %ne3A_1391 : i1
        %add3A_1398 = arith.addi %rem3A_1389, %select_n3A_1388 : i32
        %select_n3A_1399 = arith.select %and3A_1397, %add3A_1398, %rem3A_1389 : i32
        %dma_wait3A_1400 = arith.constant 0 : i32
        %dma_wait3A_1401 = arith.constant 0 : i32
        %dma_wait3A_1402 = tpu.memref_slice %arg9[%select_n3A_1399, %dma_wait3A_1400, %dma_wait3A_1401] : memref<4x2x80xi32, #tpu.memory_space<vmem>> -> memref<1x2x80xi32, #tpu.memory_space<vmem>>
        %dma_wait3A_1403 = tpu.memref_squeeze %dma_wait3A_1402 : memref<1x2x80xi32, #tpu.memory_space<vmem>> -> memref<2x80xi32, #tpu.memory_space<vmem>>
        %dma_wait3A_1404 = arith.constant 0 : i32
        %dma_wait3A_1405 = arith.constant 0 : i32
        %dma_wait3A_1406 = tpu.memref_slice %arg3[%dma_wait3A_1404, %dma_wait3A_1405] : memref<2x320000xi32, #tpu.memory_space<hbm>> -> memref<2x80xi32, #tpu.memory_space<hbm>>
        %dma_wait3A_1407 = tpu.memref_slice %arg13[%select_n3A_1399] : memref<4x!tpu.dma_semaphore, #tpu.memory_space<semaphore_mem>> -> memref<1x!tpu.dma_semaphore, #tpu.memory_space<semaphore_mem>>
        %dma_wait3A_1408 = tpu.memref_squeeze %dma_wait3A_1407 : memref<1x!tpu.dma_semaphore, #tpu.memory_space<semaphore_mem>> -> memref<!tpu.dma_semaphore, #tpu.memory_space<semaphore_mem>>
        %dma_wait3A_1409 = arith.constant 0 : i32
        %dma_wait3A_1410 = arith.constant 0 : i32
        %dma_wait3A_1411 = tpu.memref_slice %arg9[%select_n3A_1399, %dma_wait3A_1409, %dma_wait3A_1410] : memref<4x2x80xi32, #tpu.memory_space<vmem>> -> memref<1x2x80xi32, #tpu.memory_space<vmem>>
        %dma_wait3A_1412 = tpu.memref_squeeze %dma_wait3A_1411 : memref<1x2x80xi32, #tpu.memory_space<vmem>> -> memref<2x80xi32, #tpu.memory_space<vmem>>
        %dma_wait3A_1413 = arith.constant 0 : i32
        %dma_wait3A_1414 = arith.constant 0 : i32
        %dma_wait3A_1415 = tpu.memref_slice %arg3[%dma_wait3A_1413, %dma_wait3A_1414] : memref<2x320000xi32, #tpu.memory_space<hbm>> -> memref<2x80xi32, #tpu.memory_space<hbm>>
        tpu.wait_dma2 semaphore(%dma_wait3A_1408 : memref<!tpu.dma_semaphore, #tpu.memory_space<semaphore_mem>>) src(%dma_wait3A_1415 : memref<2x80xi32, #tpu.memory_space<hbm>>) dst(%dma_wait3A_1412 : memref<2x80xi32, #tpu.memory_space<vmem>>)
        %dma_wait3A_1416 = arith.constant 0 : i32
        %dma_wait3A_1417 = arith.constant 0 : i32
        %dma_wait3A_1418 = tpu.memref_slice %arg10[%select_n3A_1399, %dma_wait3A_1416, %dma_wait3A_1417] : memref<4x16x80xf32, #tpu.memory_space<vmem>> -> memref<1x16x80xf32, #tpu.memory_space<vmem>>
        %dma_wait3A_1419 = tpu.memref_squeeze %dma_wait3A_1418 : memref<1x16x80xf32, #tpu.memory_space<vmem>> -> memref<16x80xf32, #tpu.memory_space<vmem>>
        %dma_wait3A_1420 = arith.constant 0 : i32
        %dma_wait3A_1421 = arith.constant 0 : i32
        %dma_wait3A_1422 = tpu.memref_slice %arg4[%dma_wait3A_1420, %dma_wait3A_1421] : memref<16x320000xf32, #tpu.memory_space<hbm>> -> memref<16x80xf32, #tpu.memory_space<hbm>>
        %dma_wait3A_1423 = tpu.memref_slice %arg13[%select_n3A_1399] : memref<4x!tpu.dma_semaphore, #tpu.memory_space<semaphore_mem>> -> memref<1x!tpu.dma_semaphore, #tpu.memory_space<semaphore_mem>>
        %dma_wait3A_1424 = tpu.memref_squeeze %dma_wait3A_1423 : memref<1x!tpu.dma_semaphore, #tpu.memory_space<semaphore_mem>> -> memref<!tpu.dma_semaphore, #tpu.memory_space<semaphore_mem>>
        %dma_wait3A_1425 = arith.constant 0 : i32
        %dma_wait3A_1426 = arith.constant 0 : i32
        %dma_wait3A_1427 = tpu.memref_slice %arg10[%select_n3A_1399, %dma_wait3A_1425, %dma_wait3A_1426] : memref<4x16x80xf32, #tpu.memory_space<vmem>> -> memref<1x16x80xf32, #tpu.memory_space<vmem>>
        %dma_wait3A_1428 = tpu.memref_squeeze %dma_wait3A_1427 : memref<1x16x80xf32, #tpu.memory_space<vmem>> -> memref<16x80xf32, #tpu.memory_space<vmem>>
        %dma_wait3A_1429 = arith.constant 0 : i32
        %dma_wait3A_1430 = arith.constant 0 : i32
        %dma_wait3A_1431 = tpu.memref_slice %arg4[%dma_wait3A_1429, %dma_wait3A_1430] : memref<16x320000xf32, #tpu.memory_space<hbm>> -> memref<16x80xf32, #tpu.memory_space<hbm>>
        tpu.wait_dma2 semaphore(%dma_wait3A_1424 : memref<!tpu.dma_semaphore, #tpu.memory_space<semaphore_mem>>) src(%dma_wait3A_1431 : memref<16x80xf32, #tpu.memory_space<hbm>>) dst(%dma_wait3A_1428 : memref<16x80xf32, #tpu.memory_space<vmem>>)
        %add3A_1432 = arith.constant 1 : i32
        %add3A_1433 = arith.addi %scan3A_387, %add3A_1432 : i32
        %jit3A_1434 = arith.constant 4 : i32
        %eq3A_1435 = arith.constant 0 : i32
        %eq3A_1436 = arith.cmpi eq, %jit3A_1434, %eq3A_1435 : i32
        %jit3A_1437 = arith.constant 1 : i32
        %select_n3A_1438 = arith.select %eq3A_1436, %jit3A_1437, %jit3A_1434 : i32
        %rem3A_1439 = arith.remsi %add3A_1433, %select_n3A_1438 : i32
        %ne3A_1440 = arith.constant 0 : i32
        %ne3A_1441 = arith.cmpi ne, %rem3A_1439, %ne3A_1440 : i32
        %lt3A_1442 = arith.constant 0 : i32
        %lt3A_1443 = arith.cmpi slt, %rem3A_1439, %lt3A_1442 : i32
        %lt3A_1444 = arith.constant 0 : i32
        %lt3A_1445 = arith.cmpi slt, %select_n3A_1438, %lt3A_1444 : i32
        %ne3A_1446 = arith.xori %lt3A_1443, %lt3A_1445 : i1
        %and3A_1447 = arith.andi %ne3A_1446, %ne3A_1441 : i1
        %add3A_1448 = arith.addi %rem3A_1439, %select_n3A_1438 : i32
        %select_n3A_1449 = arith.select %and3A_1447, %add3A_1448, %rem3A_1439 : i32
        %dma_start3A_1450 = arith.constant 0 : i32
        %dma_start3A_1451 = arith.constant 0 : i32
        %dma_start3A_1452 = arith.constant 0 : i32
        %dma_start3A_1453 = tpu.memref_slice %arg12[%select_n3A_415, %dma_start3A_1451, %dma_start3A_1452] : memref<2x80x128xf32, #tpu.memory_space<vmem>> -> memref<1x80x128xf32, #tpu.memory_space<vmem>>
        %dma_start3A_1454 = tpu.memref_squeeze %dma_start3A_1453 : memref<1x80x128xf32, #tpu.memory_space<vmem>> -> memref<80x128xf32, #tpu.memory_space<vmem>>
        %dma_start3A_1455 = arith.constant 0 : i32
        %dma_start3A_1456 = tpu.memref_slice %arg9[%select_n3A_1449, %dma_start3A_1450, %dma_start3A_1455] : memref<4x2x80xi32, #tpu.memory_space<vmem>> -> memref<1x1x80xi32, #tpu.memory_space<vmem>>
        %dma_start3A_1457 = tpu.memref_squeeze %dma_start3A_1456 : memref<1x1x80xi32, #tpu.memory_space<vmem>> -> memref<80xi32, #tpu.memory_space<vmem>>
        %dma_start3A_1458 = arith.constant 0 : i32
        %dma_start3A_1459 = arith.constant 0 : i32
        %dma_start3A_1460 = tpu.memref_slice %arg2[%dma_start3A_1458, %dma_start3A_1459] : memref<10000x128xf32, #tpu.memory_space<hbm>> -> memref<10000x128xf32, #tpu.memory_space<hbm>>
        %dma_start3A_1461 = tpu.memref_slice %arg14[%select_n3A_415] : memref<2x!tpu.dma_semaphore, #tpu.memory_space<semaphore_mem>> -> memref<1x!tpu.dma_semaphore, #tpu.memory_space<semaphore_mem>>
        %dma_start3A_1462 = tpu.memref_squeeze %dma_start3A_1461 : memref<1x!tpu.dma_semaphore, #tpu.memory_space<semaphore_mem>> -> memref<!tpu.dma_semaphore, #tpu.memory_space<semaphore_mem>>
        tpu.enqueue_indirect_dma source(%dma_start3A_1460 : memref<10000x128xf32, #tpu.memory_space<hbm>>) target(%dma_start3A_1454 : memref<80x128xf32, #tpu.memory_space<vmem>>) offsets(%dma_start3A_1457 : memref<80xi32, #tpu.memory_space<vmem>>) semaphore(%dma_start3A_1462 : memref<!tpu.dma_semaphore, #tpu.memory_space<semaphore_mem>>)
      } else {
      }
      %add3A_441 = arith.constant 0 : i32
      %add3A_442 = vector.broadcast %add3A_441 : i32 to vector<16xi32>
      %add3A_443 = arith.addi %add3A_442, %iota3A : vector<16xi32>
      %get3A = arith.constant 0 : i32
      %get3A_444 = arith.index_cast %select_n3A_431 : i32 to index
      %get3A_445 = arith.index_cast %get3A : i32 to index
      %get3A_446 = arith.constant 0 : index
      %get3A_447 = tpu.vector_load %arg10[%get3A_444, %get3A_445, %get3A_446] {strides = array<i32>} : memref<4x16x80xf32, #tpu.memory_space<vmem>>, vector<16xf32>,
      %broadcast_in_dim3A_448 = arith.constant 0 : i32
      %broadcast_in_dim3A_449 = vector.broadcast %broadcast_in_dim3A_448 : i32 to vector<16xi32>
      %scatter3A_450 = arith.constant 0 : i32
      %scatter3A_451 = arith.constant 0 : i32
      %scatter3A_452 = tpu.memref_slice %arg11[%select_n3A_431, %scatter3A_450, %scatter3A_451] : memref<4x80x24xf32, #tpu.memory_space<vmem>> -> memref<1x80x24xf32, #tpu.memory_space<vmem>>
      %scatter3A_453 = tpu.memref_squeeze %scatter3A_452 : memref<1x80x24xf32, #tpu.memory_space<vmem>> -> memref<80x24xf32, #tpu.memory_space<vmem>>
      tpu.vector_store_idx %scatter3A_453[%add3A_443, %broadcast_in_dim3A_449], %get3A_447 : memref<80x24xf32, #tpu.memory_space<vmem>>[vector<16xi32>, vector<16xi32>], vector<16xf32>,
      %get3A_454 = arith.constant 1 : i32
      %get3A_455 = arith.index_cast %select_n3A_431 : i32 to index
      %get3A_456 = arith.index_cast %get3A_454 : i32 to index
      %get3A_457 = arith.constant 0 : index
      %get3A_458 = tpu.vector_load %arg10[%get3A_455, %get3A_456, %get3A_457] {strides = array<i32>} : memref<4x16x80xf32, #tpu.memory_space<vmem>>, vector<16xf32>,
      %broadcast_in_dim3A_459 = arith.constant 1 : i32
      %broadcast_in_dim3A_460 = vector.broadcast %broadcast_in_dim3A_459 : i32 to vector<16xi32>
      %scatter3A_461 = arith.constant 0 : i32
      %scatter3A_462 = arith.constant 0 : i32
      %scatter3A_463 = tpu.memref_slice %arg11[%select_n3A_431, %scatter3A_461, %scatter3A_462] : memref<4x80x24xf32, #tpu.memory_space<vmem>> -> memref<1x80x24xf32, #tpu.memory_space<vmem>>
      %scatter3A_464 = tpu.memref_squeeze %scatter3A_463 : memref<1x80x24xf32, #tpu.memory_space<vmem>> -> memref<80x24xf32, #tpu.memory_space<vmem>>
      tpu.vector_store_idx %scatter3A_464[%add3A_443, %broadcast_in_dim3A_460], %get3A_458 : memref<80x24xf32, #tpu.memory_space<vmem>>[vector<16xi32>, vector<16xi32>], vector<16xf32>,
      %get3A_465 = arith.constant 2 : i32
      %get3A_466 = arith.index_cast %select_n3A_431 : i32 to index
      %get3A_467 = arith.index_cast %get3A_465 : i32 to index
      %get3A_468 = arith.constant 0 : index
      %get3A_469 = tpu.vector_load %arg10[%get3A_466, %get3A_467, %get3A_468] {strides = array<i32>} : memref<4x16x80xf32, #tpu.memory_space<vmem>>, vector<16xf32>,
      %broadcast_in_dim3A_470 = arith.constant 2 : i32
      %broadcast_in_dim3A_471 = vector.broadcast %broadcast_in_dim3A_470 : i32 to vector<16xi32>
      %scatter3A_472 = arith.constant 0 : i32
      %scatter3A_473 = arith.constant 0 : i32
      %scatter3A_474 = tpu.memref_slice %arg11[%select_n3A_431, %scatter3A_472, %scatter3A_473] : memref<4x80x24xf32, #tpu.memory_space<vmem>> -> memref<1x80x24xf32, #tpu.memory_space<vmem>>
      %scatter3A_475 = tpu.memref_squeeze %scatter3A_474 : memref<1x80x24xf32, #tpu.memory_space<vmem>> -> memref<80x24xf32, #tpu.memory_space<vmem>>
      tpu.vector_store_idx %scatter3A_475[%add3A_443, %broadcast_in_dim3A_471], %get3A_469 : memref<80x24xf32, #tpu.memory_space<vmem>>[vector<16xi32>, vector<16xi32>], vector<16xf32>,
      %get3A_476 = arith.constant 3 : i32
      %get3A_477 = arith.index_cast %select_n3A_431 : i32 to index
      %get3A_478 = arith.index_cast %get3A_476 : i32 to index
      %get3A_479 = arith.constant 0 : index
      %get3A_480 = tpu.vector_load %arg10[%get3A_477, %get3A_478, %get3A_479] {strides = array<i32>} : memref<4x16x80xf32, #tpu.memory_space<vmem>>, vector<16xf32>,
      %broadcast_in_dim3A_481 = arith.constant 3 : i32
      %broadcast_in_dim3A_482 = vector.broadcast %broadcast_in_dim3A_481 : i32 to vector<16xi32>
      %scatter3A_483 = arith.constant 0 : i32
      %scatter3A_484 = arith.constant 0 : i32
      %scatter3A_485 = tpu.memref_slice %arg11[%select_n3A_431, %scatter3A_483, %scatter3A_484] : memref<4x80x24xf32, #tpu.memory_space<vmem>> -> memref<1x80x24xf32, #tpu.memory_space<vmem>>
      %scatter3A_486 = tpu.memref_squeeze %scatter3A_485 : memref<1x80x24xf32, #tpu.memory_space<vmem>> -> memref<80x24xf32, #tpu.memory_space<vmem>>
      tpu.vector_store_idx %scatter3A_486[%add3A_443, %broadcast_in_dim3A_482], %get3A_480 : memref<80x24xf32, #tpu.memory_space<vmem>>[vector<16xi32>, vector<16xi32>], vector<16xf32>,
      %get3A_487 = arith.constant 4 : i32
      %get3A_488 = arith.index_cast %select_n3A_431 : i32 to index
      %get3A_489 = arith.index_cast %get3A_487 : i32 to index
      %get3A_490 = arith.constant 0 : index
      %get3A_491 = tpu.vector_load %arg10[%get3A_488, %get3A_489, %get3A_490] {strides = array<i32>} : memref<4x16x80xf32, #tpu.memory_space<vmem>>, vector<16xf32>,
      %broadcast_in_dim3A_492 = arith.constant 4 : i32
      %broadcast_in_dim3A_493 = vector.broadcast %broadcast_in_dim3A_492 : i32 to vector<16xi32>
      %scatter3A_494 = arith.constant 0 : i32
      %scatter3A_495 = arith.constant 0 : i32
      %scatter3A_496 = tpu.memref_slice %arg11[%select_n3A_431, %scatter3A_494, %scatter3A_495] : memref<4x80x24xf32, #tpu.memory_space<vmem>> -> memref<1x80x24xf32, #tpu.memory_space<vmem>>
      %scatter3A_497 = tpu.memref_squeeze %scatter3A_496 : memref<1x80x24xf32, #tpu.memory_space<vmem>> -> memref<80x24xf32, #tpu.memory_space<vmem>>
      tpu.vector_store_idx %scatter3A_497[%add3A_443, %broadcast_in_dim3A_493], %get3A_491 : memref<80x24xf32, #tpu.memory_space<vmem>>[vector<16xi32>, vector<16xi32>], vector<16xf32>,
      %get3A_498 = arith.constant 5 : i32
      %get3A_499 = arith.index_cast %select_n3A_431 : i32 to index
      %get3A_500 = arith.index_cast %get3A_498 : i32 to index
      %get3A_501 = arith.constant 0 : index
      %get3A_502 = tpu.vector_load %arg10[%get3A_499, %get3A_500, %get3A_501] {strides = array<i32>} : memref<4x16x80xf32, #tpu.memory_space<vmem>>, vector<16xf32>,
      %broadcast_in_dim3A_503 = arith.constant 5 : i32
      %broadcast_in_dim3A_504 = vector.broadcast %broadcast_in_dim3A_503 : i32 to vector<16xi32>
      %scatter3A_505 = arith.constant 0 : i32
      %scatter3A_506 = arith.constant 0 : i32
      %scatter3A_507 = tpu.memref_slice %arg11[%select_n3A_431, %scatter3A_505, %scatter3A_506] : memref<4x80x24xf32, #tpu.memory_space<vmem>> -> memref<1x80x24xf32, #tpu.memory_space<vmem>>
      %scatter3A_508 = tpu.memref_squeeze %scatter3A_507 : memref<1x80x24xf32, #tpu.memory_space<vmem>> -> memref<80x24xf32, #tpu.memory_space<vmem>>
      tpu.vector_store_idx %scatter3A_508[%add3A_443, %broadcast_in_dim3A_504], %get3A_502 : memref<80x24xf32, #tpu.memory_space<vmem>>[vector<16xi32>, vector<16xi32>], vector<16xf32>,
      %get3A_509 = arith.constant 6 : i32
      %get3A_510 = arith.index_cast %select_n3A_431 : i32 to index
      %get3A_511 = arith.index_cast %get3A_509 : i32 to index
      %get3A_512 = arith.constant 0 : index
      %get3A_513 = tpu.vector_load %arg10[%get3A_510, %get3A_511, %get3A_512] {strides = array<i32>} : memref<4x16x80xf32, #tpu.memory_space<vmem>>, vector<16xf32>,
      %broadcast_in_dim3A_514 = arith.constant 6 : i32
      %broadcast_in_dim3A_515 = vector.broadcast %broadcast_in_dim3A_514 : i32 to vector<16xi32>
      %scatter3A_516 = arith.constant 0 : i32
      %scatter3A_517 = arith.constant 0 : i32
      %scatter3A_518 = tpu.memref_slice %arg11[%select_n3A_431, %scatter3A_516, %scatter3A_517] : memref<4x80x24xf32, #tpu.memory_space<vmem>> -> memref<1x80x24xf32, #tpu.memory_space<vmem>>
      %scatter3A_519 = tpu.memref_squeeze %scatter3A_518 : memref<1x80x24xf32, #tpu.memory_space<vmem>> -> memref<80x24xf32, #tpu.memory_space<vmem>>
      tpu.vector_store_idx %scatter3A_519[%add3A_443, %broadcast_in_dim3A_515], %get3A_513 : memref<80x24xf32, #tpu.memory_space<vmem>>[vector<16xi32>, vector<16xi32>], vector<16xf32>,
      %get3A_520 = arith.constant 7 : i32
      %get3A_521 = arith.index_cast %select_n3A_431 : i32 to index
      %get3A_522 = arith.index_cast %get3A_520 : i32 to index
      %get3A_523 = arith.constant 0 : index
      %get3A_524 = tpu.vector_load %arg10[%get3A_521, %get3A_522, %get3A_523] {strides = array<i32>} : memref<4x16x80xf32, #tpu.memory_space<vmem>>, vector<16xf32>,
      %broadcast_in_dim3A_525 = arith.constant 7 : i32
      %broadcast_in_dim3A_526 = vector.broadcast %broadcast_in_dim3A_525 : i32 to vector<16xi32>
      %scatter3A_527 = arith.constant 0 : i32
      %scatter3A_528 = arith.constant 0 : i32
      %scatter3A_529 = tpu.memref_slice %arg11[%select_n3A_431, %scatter3A_527, %scatter3A_528] : memref<4x80x24xf32, #tpu.memory_space<vmem>> -> memref<1x80x24xf32, #tpu.memory_space<vmem>>
      %scatter3A_530 = tpu.memref_squeeze %scatter3A_529 : memref<1x80x24xf32, #tpu.memory_space<vmem>> -> memref<80x24xf32, #tpu.memory_space<vmem>>
      tpu.vector_store_idx %scatter3A_530[%add3A_443, %broadcast_in_dim3A_526], %get3A_524 : memref<80x24xf32, #tpu.memory_space<vmem>>[vector<16xi32>, vector<16xi32>], vector<16xf32>,
      %get3A_531 = arith.constant 8 : i32
      %get3A_532 = arith.index_cast %select_n3A_431 : i32 to index
      %get3A_533 = arith.index_cast %get3A_531 : i32 to index
      %get3A_534 = arith.constant 0 : index
      %get3A_535 = tpu.vector_load %arg10[%get3A_532, %get3A_533, %get3A_534] {strides = array<i32>} : memref<4x16x80xf32, #tpu.memory_space<vmem>>, vector<16xf32>,
      %broadcast_in_dim3A_536 = arith.constant 8 : i32
      %broadcast_in_dim3A_537 = vector.broadcast %broadcast_in_dim3A_536 : i32 to vector<16xi32>
      %scatter3A_538 = arith.constant 0 : i32
      %scatter3A_539 = arith.constant 0 : i32
      %scatter3A_540 = tpu.memref_slice %arg11[%select_n3A_431, %scatter3A_538, %scatter3A_539] : memref<4x80x24xf32, #tpu.memory_space<vmem>> -> memref<1x80x24xf32, #tpu.memory_space<vmem>>
      %scatter3A_541 = tpu.memref_squeeze %scatter3A_540 : memref<1x80x24xf32, #tpu.memory_space<vmem>> -> memref<80x24xf32, #tpu.memory_space<vmem>>
      tpu.vector_store_idx %scatter3A_541[%add3A_443, %broadcast_in_dim3A_537], %get3A_535 : memref<80x24xf32, #tpu.memory_space<vmem>>[vector<16xi32>, vector<16xi32>], vector<16xf32>,
      %get3A_542 = arith.constant 9 : i32
      %get3A_543 = arith.index_cast %select_n3A_431 : i32 to index
      %get3A_544 = arith.index_cast %get3A_542 : i32 to index
      %get3A_545 = arith.constant 0 : index
      %get3A_546 = tpu.vector_load %arg10[%get3A_543, %get3A_544, %get3A_545] {strides = array<i32>} : memref<4x16x80xf32, #tpu.memory_space<vmem>>, vector<16xf32>,
      %broadcast_in_dim3A_547 = arith.constant 9 : i32
      %broadcast_in_dim3A_548 = vector.broadcast %broadcast_in_dim3A_547 : i32 to vector<16xi32>
      %scatter3A_549 = arith.constant 0 : i32
      %scatter3A_550 = arith.constant 0 : i32
      %scatter3A_551 = tpu.memref_slice %arg11[%select_n3A_431, %scatter3A_549, %scatter3A_550] : memref<4x80x24xf32, #tpu.memory_space<vmem>> -> memref<1x80x24xf32, #tpu.memory_space<vmem>>
      %scatter3A_552 = tpu.memref_squeeze %scatter3A_551 : memref<1x80x24xf32, #tpu.memory_space<vmem>> -> memref<80x24xf32, #tpu.memory_space<vmem>>
      tpu.vector_store_idx %scatter3A_552[%add3A_443, %broadcast_in_dim3A_548], %get3A_546 : memref<80x24xf32, #tpu.memory_space<vmem>>[vector<16xi32>, vector<16xi32>], vector<16xf32>,
      %get3A_553 = arith.constant 10 : i32
      %get3A_554 = arith.index_cast %select_n3A_431 : i32 to index
      %get3A_555 = arith.index_cast %get3A_553 : i32 to index
      %get3A_556 = arith.constant 0 : index
      %get3A_557 = tpu.vector_load %arg10[%get3A_554, %get3A_555, %get3A_556] {strides = array<i32>} : memref<4x16x80xf32, #tpu.memory_space<vmem>>, vector<16xf32>,
      %broadcast_in_dim3A_558 = arith.constant 10 : i32
      %broadcast_in_dim3A_559 = vector.broadcast %broadcast_in_dim3A_558 : i32 to vector<16xi32>
      %scatter3A_560 = arith.constant 0 : i32
      %scatter3A_561 = arith.constant 0 : i32
      %scatter3A_562 = tpu.memref_slice %arg11[%select_n3A_431, %scatter3A_560, %scatter3A_561] : memref<4x80x24xf32, #tpu.memory_space<vmem>> -> memref<1x80x24xf32, #tpu.memory_space<vmem>>
      %scatter3A_563 = tpu.memref_squeeze %scatter3A_562 : memref<1x80x24xf32, #tpu.memory_space<vmem>> -> memref<80x24xf32, #tpu.memory_space<vmem>>
      tpu.vector_store_idx %scatter3A_563[%add3A_443, %broadcast_in_dim3A_559], %get3A_557 : memref<80x24xf32, #tpu.memory_space<vmem>>[vector<16xi32>, vector<16xi32>], vector<16xf32>,
      %get3A_564 = arith.constant 11 : i32
      %get3A_565 = arith.index_cast %select_n3A_431 : i32 to index
      %get3A_566 = arith.index_cast %get3A_564 : i32 to index
      %get3A_567 = arith.constant 0 : index
      %get3A_568 = tpu.vector_load %arg10[%get3A_565, %get3A_566, %get3A_567] {strides = array<i32>} : memref<4x16x80xf32, #tpu.memory_space<vmem>>, vector<16xf32>,
      %broadcast_in_dim3A_569 = arith.constant 11 : i32
      %broadcast_in_dim3A_570 = vector.broadcast %broadcast_in_dim3A_569 : i32 to vector<16xi32>
      %scatter3A_571 = arith.constant 0 : i32
      %scatter3A_572 = arith.constant 0 : i32
      %scatter3A_573 = tpu.memref_slice %arg11[%select_n3A_431, %scatter3A_571, %scatter3A_572] : memref<4x80x24xf32, #tpu.memory_space<vmem>> -> memref<1x80x24xf32, #tpu.memory_space<vmem>>
      %scatter3A_574 = tpu.memref_squeeze %scatter3A_573 : memref<1x80x24xf32, #tpu.memory_space<vmem>> -> memref<80x24xf32, #tpu.memory_space<vmem>>
      tpu.vector_store_idx %scatter3A_574[%add3A_443, %broadcast_in_dim3A_570], %get3A_568 : memref<80x24xf32, #tpu.memory_space<vmem>>[vector<16xi32>, vector<16xi32>], vector<16xf32>,
      %get3A_575 = arith.constant 12 : i32
      %get3A_576 = arith.index_cast %select_n3A_431 : i32 to index
      %get3A_577 = arith.index_cast %get3A_575 : i32 to index
      %get3A_578 = arith.constant 0 : index
      %get3A_579 = tpu.vector_load %arg10[%get3A_576, %get3A_577, %get3A_578] {strides = array<i32>} : memref<4x16x80xf32, #tpu.memory_space<vmem>>, vector<16xf32>,
      %broadcast_in_dim3A_580 = arith.constant 12 : i32
      %broadcast_in_dim3A_581 = vector.broadcast %broadcast_in_dim3A_580 : i32 to vector<16xi32>
      %scatter3A_582 = arith.constant 0 : i32
      %scatter3A_583 = arith.constant 0 : i32
      %scatter3A_584 = tpu.memref_slice %arg11[%select_n3A_431, %scatter3A_582, %scatter3A_583] : memref<4x80x24xf32, #tpu.memory_space<vmem>> -> memref<1x80x24xf32, #tpu.memory_space<vmem>>
      %scatter3A_585 = tpu.memref_squeeze %scatter3A_584 : memref<1x80x24xf32, #tpu.memory_space<vmem>> -> memref<80x24xf32, #tpu.memory_space<vmem>>
      tpu.vector_store_idx %scatter3A_585[%add3A_443, %broadcast_in_dim3A_581], %get3A_579 : memref<80x24xf32, #tpu.memory_space<vmem>>[vector<16xi32>, vector<16xi32>], vector<16xf32>,
      %get3A_586 = arith.constant 13 : i32
      %get3A_587 = arith.index_cast %select_n3A_431 : i32 to index
      %get3A_588 = arith.index_cast %get3A_586 : i32 to index
      %get3A_589 = arith.constant 0 : index
      %get3A_590 = tpu.vector_load %arg10[%get3A_587, %get3A_588, %get3A_589] {strides = array<i32>} : memref<4x16x80xf32, #tpu.memory_space<vmem>>, vector<16xf32>,
      %broadcast_in_dim3A_591 = arith.constant 13 : i32
      %broadcast_in_dim3A_592 = vector.broadcast %broadcast_in_dim3A_591 : i32 to vector<16xi32>
      %scatter3A_593 = arith.constant 0 : i32
      %scatter3A_594 = arith.constant 0 : i32
      %scatter3A_595 = tpu.memref_slice %arg11[%select_n3A_431, %scatter3A_593, %scatter3A_594] : memref<4x80x24xf32, #tpu.memory_space<vmem>> -> memref<1x80x24xf32, #tpu.memory_space<vmem>>
      %scatter3A_596 = tpu.memref_squeeze %scatter3A_595 : memref<1x80x24xf32, #tpu.memory_space<vmem>> -> memref<80x24xf32, #tpu.memory_space<vmem>>
      tpu.vector_store_idx %scatter3A_596[%add3A_443, %broadcast_in_dim3A_592], %get3A_590 : memref<80x24xf32, #tpu.memory_space<vmem>>[vector<16xi32>, vector<16xi32>], vector<16xf32>,
      %get3A_597 = arith.constant 14 : i32
      %get3A_598 = arith.index_cast %select_n3A_431 : i32 to index
      %get3A_599 = arith.index_cast %get3A_597 : i32 to index
      %get3A_600 = arith.constant 0 : index
      %get3A_601 = tpu.vector_load %arg10[%get3A_598, %get3A_599, %get3A_600] {strides = array<i32>} : memref<4x16x80xf32, #tpu.memory_space<vmem>>, vector<16xf32>,
      %broadcast_in_dim3A_602 = arith.constant 14 : i32
      %broadcast_in_dim3A_603 = vector.broadcast %broadcast_in_dim3A_602 : i32 to vector<16xi32>
      %scatter3A_604 = arith.constant 0 : i32
      %scatter3A_605 = arith.constant 0 : i32
      %scatter3A_606 = tpu.memref_slice %arg11[%select_n3A_431, %scatter3A_604, %scatter3A_605] : memref<4x80x24xf32, #tpu.memory_space<vmem>> -> memref<1x80x24xf32, #tpu.memory_space<vmem>>
      %scatter3A_607 = tpu.memref_squeeze %scatter3A_606 : memref<1x80x24xf32, #tpu.memory_space<vmem>> -> memref<80x24xf32, #tpu.memory_space<vmem>>
      tpu.vector_store_idx %scatter3A_607[%add3A_443, %broadcast_in_dim3A_603], %get3A_601 : memref<80x24xf32, #tpu.memory_space<vmem>>[vector<16xi32>, vector<16xi32>], vector<16xf32>,
      %get3A_608 = arith.constant 15 : i32
      %get3A_609 = arith.index_cast %select_n3A_431 : i32 to index
      %get3A_610 = arith.index_cast %get3A_608 : i32 to index
      %get3A_611 = arith.constant 0 : index
      %get3A_612 = tpu.vector_load %arg10[%get3A_609, %get3A_610, %get3A_611] {strides = array<i32>} : memref<4x16x80xf32, #tpu.memory_space<vmem>>, vector<16xf32>,
      %broadcast_in_dim3A_613 = arith.constant 15 : i32
      %broadcast_in_dim3A_614 = vector.broadcast %broadcast_in_dim3A_613 : i32 to vector<16xi32>
      %scatter3A_615 = arith.constant 0 : i32
      %scatter3A_616 = arith.constant 0 : i32
      %scatter3A_617 = tpu.memref_slice %arg11[%select_n3A_431, %scatter3A_615, %scatter3A_616] : memref<4x80x24xf32, #tpu.memory_space<vmem>> -> memref<1x80x24xf32, #tpu.memory_space<vmem>>
      %scatter3A_618 = tpu.memref_squeeze %scatter3A_617 : memref<1x80x24xf32, #tpu.memory_space<vmem>> -> memref<80x24xf32, #tpu.memory_space<vmem>>
      tpu.vector_store_idx %scatter3A_618[%add3A_443, %broadcast_in_dim3A_614], %get3A_612 : memref<80x24xf32, #tpu.memory_space<vmem>>[vector<16xi32>, vector<16xi32>], vector<16xf32>,
      %add3A_619 = arith.constant 16 : i32
      %add3A_620 = vector.broadcast %add3A_619 : i32 to vector<16xi32>
      %add3A_621 = arith.addi %add3A_620, %iota3A : vector<16xi32>
      %get3A_622 = arith.constant 0 : i32
      %get3A_623 = arith.index_cast %select_n3A_431 : i32 to index
      %get3A_624 = arith.index_cast %get3A_622 : i32 to index
      %get3A_625 = arith.constant 16 : index
      %get3A_626 = tpu.vector_load %arg10[%get3A_623, %get3A_624, %get3A_625] {strides = array<i32>} : memref<4x16x80xf32, #tpu.memory_space<vmem>>, vector<16xf32>,
      %broadcast_in_dim3A_627 = arith.constant 0 : i32
      %broadcast_in_dim3A_628 = vector.broadcast %broadcast_in_dim3A_627 : i32 to vector<16xi32>
      %scatter3A_629 = arith.constant 0 : i32
      %scatter3A_630 = arith.constant 0 : i32
      %scatter3A_631 = tpu.memref_slice %arg11[%select_n3A_431, %scatter3A_629, %scatter3A_630] : memref<4x80x24xf32, #tpu.memory_space<vmem>> -> memref<1x80x24xf32, #tpu.memory_space<vmem>>
      %scatter3A_632 = tpu.memref_squeeze %scatter3A_631 : memref<1x80x24xf32, #tpu.memory_space<vmem>> -> memref<80x24xf32, #tpu.memory_space<vmem>>
      tpu.vector_store_idx %scatter3A_632[%add3A_621, %broadcast_in_dim3A_628], %get3A_626 : memref<80x24xf32, #tpu.memory_space<vmem>>[vector<16xi32>, vector<16xi32>], vector<16xf32>,
      %get3A_633 = arith.constant 1 : i32
      %get3A_634 = arith.index_cast %select_n3A_431 : i32 to index
      %get3A_635 = arith.index_cast %get3A_633 : i32 to index
      %get3A_636 = arith.constant 16 : index
      %get3A_637 = tpu.vector_load %arg10[%get3A_634, %get3A_635, %get3A_636] {strides = array<i32>} : memref<4x16x80xf32, #tpu.memory_space<vmem>>, vector<16xf32>,
      %broadcast_in_dim3A_638 = arith.constant 1 : i32
      %broadcast_in_dim3A_639 = vector.broadcast %broadcast_in_dim3A_638 : i32 to vector<16xi32>
      %scatter3A_640 = arith.constant 0 : i32
      %scatter3A_641 = arith.constant 0 : i32
      %scatter3A_642 = tpu.memref_slice %arg11[%select_n3A_431, %scatter3A_640, %scatter3A_641] : memref<4x80x24xf32, #tpu.memory_space<vmem>> -> memref<1x80x24xf32, #tpu.memory_space<vmem>>
      %scatter3A_643 = tpu.memref_squeeze %scatter3A_642 : memref<1x80x24xf32, #tpu.memory_space<vmem>> -> memref<80x24xf32, #tpu.memory_space<vmem>>
      tpu.vector_store_idx %scatter3A_643[%add3A_621, %broadcast_in_dim3A_639], %get3A_637 : memref<80x24xf32, #tpu.memory_space<vmem>>[vector<16xi32>, vector<16xi32>], vector<16xf32>,
      %get3A_644 = arith.constant 2 : i32
      %get3A_645 = arith.index_cast %select_n3A_431 : i32 to index
      %get3A_646 = arith.index_cast %get3A_644 : i32 to index
      %get3A_647 = arith.constant 16 : index
      %get3A_648 = tpu.vector_load %arg10[%get3A_645, %get3A_646, %get3A_647] {strides = array<i32>} : memref<4x16x80xf32, #tpu.memory_space<vmem>>, vector<16xf32>,
      %broadcast_in_dim3A_649 = arith.constant 2 : i32
      %broadcast_in_dim3A_650 = vector.broadcast %broadcast_in_dim3A_649 : i32 to vector<16xi32>
      %scatter3A_651 = arith.constant 0 : i32
      %scatter3A_652 = arith.constant 0 : i32
      %scatter3A_653 = tpu.memref_slice %arg11[%select_n3A_431, %scatter3A_651, %scatter3A_652] : memref<4x80x24xf32, #tpu.memory_space<vmem>> -> memref<1x80x24xf32, #tpu.memory_space<vmem>>
      %scatter3A_654 = tpu.memref_squeeze %scatter3A_653 : memref<1x80x24xf32, #tpu.memory_space<vmem>> -> memref<80x24xf32, #tpu.memory_space<vmem>>
      tpu.vector_store_idx %scatter3A_654[%add3A_621, %broadcast_in_dim3A_650], %get3A_648 : memref<80x24xf32, #tpu.memory_space<vmem>>[vector<16xi32>, vector<16xi32>], vector<16xf32>,
      %get3A_655 = arith.constant 3 : i32
      %get3A_656 = arith.index_cast %select_n3A_431 : i32 to index
      %get3A_657 = arith.index_cast %get3A_655 : i32 to index
      %get3A_658 = arith.constant 16 : index
      %get3A_659 = tpu.vector_load %arg10[%get3A_656, %get3A_657, %get3A_658] {strides = array<i32>} : memref<4x16x80xf32, #tpu.memory_space<vmem>>, vector<16xf32>,
      %broadcast_in_dim3A_660 = arith.constant 3 : i32
      %broadcast_in_dim3A_661 = vector.broadcast %broadcast_in_dim3A_660 : i32 to vector<16xi32>
      %scatter3A_662 = arith.constant 0 : i32
      %scatter3A_663 = arith.constant 0 : i32
      %scatter3A_664 = tpu.memref_slice %arg11[%select_n3A_431, %scatter3A_662, %scatter3A_663] : memref<4x80x24xf32, #tpu.memory_space<vmem>> -> memref<1x80x24xf32, #tpu.memory_space<vmem>>
      %scatter3A_665 = tpu.memref_squeeze %scatter3A_664 : memref<1x80x24xf32, #tpu.memory_space<vmem>> -> memref<80x24xf32, #tpu.memory_space<vmem>>
      tpu.vector_store_idx %scatter3A_665[%add3A_621, %broadcast_in_dim3A_661], %get3A_659 : memref<80x24xf32, #tpu.memory_space<vmem>>[vector<16xi32>, vector<16xi32>], vector<16xf32>,
      %get3A_666 = arith.constant 4 : i32
      %get3A_667 = arith.index_cast %select_n3A_431 : i32 to index
      %get3A_668 = arith.index_cast %get3A_666 : i32 to index
      %get3A_669 = arith.constant 16 : index
      %get3A_670 = tpu.vector_load %arg10[%get3A_667, %get3A_668, %get3A_669] {strides = array<i32>} : memref<4x16x80xf32, #tpu.memory_space<vmem>>, vector<16xf32>,
      %broadcast_in_dim3A_671 = arith.constant 4 : i32
      %broadcast_in_dim3A_672 = vector.broadcast %broadcast_in_dim3A_671 : i32 to vector<16xi32>
      %scatter3A_673 = arith.constant 0 : i32
      %scatter3A_674 = arith.constant 0 : i32
      %scatter3A_675 = tpu.memref_slice %arg11[%select_n3A_431, %scatter3A_673, %scatter3A_674] : memref<4x80x24xf32, #tpu.memory_space<vmem>> -> memref<1x80x24xf32, #tpu.memory_space<vmem>>
      %scatter3A_676 = tpu.memref_squeeze %scatter3A_675 : memref<1x80x24xf32, #tpu.memory_space<vmem>> -> memref<80x24xf32, #tpu.memory_space<vmem>>
      tpu.vector_store_idx %scatter3A_676[%add3A_621, %broadcast_in_dim3A_672], %get3A_670 : memref<80x24xf32, #tpu.memory_space<vmem>>[vector<16xi32>, vector<16xi32>], vector<16xf32>,
      %get3A_677 = arith.constant 5 : i32
      %get3A_678 = arith.index_cast %select_n3A_431 : i32 to index
      %get3A_679 = arith.index_cast %get3A_677 : i32 to index
      %get3A_680 = arith.constant 16 : index
      %get3A_681 = tpu.vector_load %arg10[%get3A_678, %get3A_679, %get3A_680] {strides = array<i32>} : memref<4x16x80xf32, #tpu.memory_space<vmem>>, vector<16xf32>,
      %broadcast_in_dim3A_682 = arith.constant 5 : i32
      %broadcast_in_dim3A_683 = vector.broadcast %broadcast_in_dim3A_682 : i32 to vector<16xi32>
      %scatter3A_684 = arith.constant 0 : i32
      %scatter3A_685 = arith.constant 0 : i32
      %scatter3A_686 = tpu.memref_slice %arg11[%select_n3A_431, %scatter3A_684, %scatter3A_685] : memref<4x80x24xf32, #tpu.memory_space<vmem>> -> memref<1x80x24xf32, #tpu.memory_space<vmem>>
      %scatter3A_687 = tpu.memref_squeeze %scatter3A_686 : memref<1x80x24xf32, #tpu.memory_space<vmem>> -> memref<80x24xf32, #tpu.memory_space<vmem>>
      tpu.vector_store_idx %scatter3A_687[%add3A_621, %broadcast_in_dim3A_683], %get3A_681 : memref<80x24xf32, #tpu.memory_space<vmem>>[vector<16xi32>, vector<16xi32>], vector<16xf32>,
      %get3A_688 = arith.constant 6 : i32
      %get3A_689 = arith.index_cast %select_n3A_431 : i32 to index
      %get3A_690 = arith.index_cast %get3A_688 : i32 to index
      %get3A_691 = arith.constant 16 : index
      %get3A_692 = tpu.vector_load %arg10[%get3A_689, %get3A_690, %get3A_691] {strides = array<i32>} : memref<4x16x80xf32, #tpu.memory_space<vmem>>, vector<16xf32>,
      %broadcast_in_dim3A_693 = arith.constant 6 : i32
      %broadcast_in_dim3A_694 = vector.broadcast %broadcast_in_dim3A_693 : i32 to vector<16xi32>
      %scatter3A_695 = arith.constant 0 : i32
      %scatter3A_696 = arith.constant 0 : i32
      %scatter3A_697 = tpu.memref_slice %arg11[%select_n3A_431, %scatter3A_695, %scatter3A_696] : memref<4x80x24xf32, #tpu.memory_space<vmem>> -> memref<1x80x24xf32, #tpu.memory_space<vmem>>
      %scatter3A_698 = tpu.memref_squeeze %scatter3A_697 : memref<1x80x24xf32, #tpu.memory_space<vmem>> -> memref<80x24xf32, #tpu.memory_space<vmem>>
      tpu.vector_store_idx %scatter3A_698[%add3A_621, %broadcast_in_dim3A_694], %get3A_692 : memref<80x24xf32, #tpu.memory_space<vmem>>[vector<16xi32>, vector<16xi32>], vector<16xf32>,
      %get3A_699 = arith.constant 7 : i32
      %get3A_700 = arith.index_cast %select_n3A_431 : i32 to index
      %get3A_701 = arith.index_cast %get3A_699 : i32 to index
      %get3A_702 = arith.constant 16 : index
      %get3A_703 = tpu.vector_load %arg10[%get3A_700, %get3A_701, %get3A_702] {strides = array<i32>} : memref<4x16x80xf32, #tpu.memory_space<vmem>>, vector<16xf32>,
      %broadcast_in_dim3A_704 = arith.constant 7 : i32
      %broadcast_in_dim3A_705 = vector.broadcast %broadcast_in_dim3A_704 : i32 to vector<16xi32>
      %scatter3A_706 = arith.constant 0 : i32
      %scatter3A_707 = arith.constant 0 : i32
      %scatter3A_708 = tpu.memref_slice %arg11[%select_n3A_431, %scatter3A_706, %scatter3A_707] : memref<4x80x24xf32, #tpu.memory_space<vmem>> -> memref<1x80x24xf32, #tpu.memory_space<vmem>>
      %scatter3A_709 = tpu.memref_squeeze %scatter3A_708 : memref<1x80x24xf32, #tpu.memory_space<vmem>> -> memref<80x24xf32, #tpu.memory_space<vmem>>
      tpu.vector_store_idx %scatter3A_709[%add3A_621, %broadcast_in_dim3A_705], %get3A_703 : memref<80x24xf32, #tpu.memory_space<vmem>>[vector<16xi32>, vector<16xi32>], vector<16xf32>,
      %get3A_710 = arith.constant 8 : i32
      %get3A_711 = arith.index_cast %select_n3A_431 : i32 to index
      %get3A_712 = arith.index_cast %get3A_710 : i32 to index
      %get3A_713 = arith.constant 16 : index
      %get3A_714 = tpu.vector_load %arg10[%get3A_711, %get3A_712, %get3A_713] {strides = array<i32>} : memref<4x16x80xf32, #tpu.memory_space<vmem>>, vector<16xf32>,
      %broadcast_in_dim3A_715 = arith.constant 8 : i32
      %broadcast_in_dim3A_716 = vector.broadcast %broadcast_in_dim3A_715 : i32 to vector<16xi32>
      %scatter3A_717 = arith.constant 0 : i32
      %scatter3A_718 = arith.constant 0 : i32
      %scatter3A_719 = tpu.memref_slice %arg11[%select_n3A_431, %scatter3A_717, %scatter3A_718] : memref<4x80x24xf32, #tpu.memory_space<vmem>> -> memref<1x80x24xf32, #tpu.memory_space<vmem>>
      %scatter3A_720 = tpu.memref_squeeze %scatter3A_719 : memref<1x80x24xf32, #tpu.memory_space<vmem>> -> memref<80x24xf32, #tpu.memory_space<vmem>>
      tpu.vector_store_idx %scatter3A_720[%add3A_621, %broadcast_in_dim3A_716], %get3A_714 : memref<80x24xf32, #tpu.memory_space<vmem>>[vector<16xi32>, vector<16xi32>], vector<16xf32>,
      %get3A_721 = arith.constant 9 : i32
      %get3A_722 = arith.index_cast %select_n3A_431 : i32 to index
      %get3A_723 = arith.index_cast %get3A_721 : i32 to index
      %get3A_724 = arith.constant 16 : index
      %get3A_725 = tpu.vector_load %arg10[%get3A_722, %get3A_723, %get3A_724] {strides = array<i32>} : memref<4x16x80xf32, #tpu.memory_space<vmem>>, vector<16xf32>,
      %broadcast_in_dim3A_726 = arith.constant 9 : i32
      %broadcast_in_dim3A_727 = vector.broadcast %broadcast_in_dim3A_726 : i32 to vector<16xi32>
      %scatter3A_728 = arith.constant 0 : i32
      %scatter3A_729 = arith.constant 0 : i32
      %scatter3A_730 = tpu.memref_slice %arg11[%select_n3A_431, %scatter3A_728, %scatter3A_729] : memref<4x80x24xf32, #tpu.memory_space<vmem>> -> memref<1x80x24xf32, #tpu.memory_space<vmem>>
      %scatter3A_731 = tpu.memref_squeeze %scatter3A_730 : memref<1x80x24xf32, #tpu.memory_space<vmem>> -> memref<80x24xf32, #tpu.memory_space<vmem>>
      tpu.vector_store_idx %scatter3A_731[%add3A_621, %broadcast_in_dim3A_727], %get3A_725 : memref<80x24xf32, #tpu.memory_space<vmem>>[vector<16xi32>, vector<16xi32>], vector<16xf32>,
      %get3A_732 = arith.constant 10 : i32
      %get3A_733 = arith.index_cast %select_n3A_431 : i32 to index
      %get3A_734 = arith.index_cast %get3A_732 : i32 to index
      %get3A_735 = arith.constant 16 : index
      %get3A_736 = tpu.vector_load %arg10[%get3A_733, %get3A_734, %get3A_735] {strides = array<i32>} : memref<4x16x80xf32, #tpu.memory_space<vmem>>, vector<16xf32>,
      %broadcast_in_dim3A_737 = arith.constant 10 : i32
      %broadcast_in_dim3A_738 = vector.broadcast %broadcast_in_dim3A_737 : i32 to vector<16xi32>
      %scatter3A_739 = arith.constant 0 : i32
      %scatter3A_740 = arith.constant 0 : i32
      %scatter3A_741 = tpu.memref_slice %arg11[%select_n3A_431, %scatter3A_739, %scatter3A_740] : memref<4x80x24xf32, #tpu.memory_space<vmem>> -> memref<1x80x24xf32, #tpu.memory_space<vmem>>
      %scatter3A_742 = tpu.memref_squeeze %scatter3A_741 : memref<1x80x24xf32, #tpu.memory_space<vmem>> -> memref<80x24xf32, #tpu.memory_space<vmem>>
      tpu.vector_store_idx %scatter3A_742[%add3A_621, %broadcast_in_dim3A_738], %get3A_736 : memref<80x24xf32, #tpu.memory_space<vmem>>[vector<16xi32>, vector<16xi32>], vector<16xf32>,
      %get3A_743 = arith.constant 11 : i32
      %get3A_744 = arith.index_cast %select_n3A_431 : i32 to index
      %get3A_745 = arith.index_cast %get3A_743 : i32 to index
      %get3A_746 = arith.constant 16 : index
      %get3A_747 = tpu.vector_load %arg10[%get3A_744, %get3A_745, %get3A_746] {strides = array<i32>} : memref<4x16x80xf32, #tpu.memory_space<vmem>>, vector<16xf32>,
      %broadcast_in_dim3A_748 = arith.constant 11 : i32
      %broadcast_in_dim3A_749 = vector.broadcast %broadcast_in_dim3A_748 : i32 to vector<16xi32>
      %scatter3A_750 = arith.constant 0 : i32
      %scatter3A_751 = arith.constant 0 : i32
      %scatter3A_752 = tpu.memref_slice %arg11[%select_n3A_431, %scatter3A_750, %scatter3A_751] : memref<4x80x24xf32, #tpu.memory_space<vmem>> -> memref<1x80x24xf32, #tpu.memory_space<vmem>>
      %scatter3A_753 = tpu.memref_squeeze %scatter3A_752 : memref<1x80x24xf32, #tpu.memory_space<vmem>> -> memref<80x24xf32, #tpu.memory_space<vmem>>
      tpu.vector_store_idx %scatter3A_753[%add3A_621, %broadcast_in_dim3A_749], %get3A_747 : memref<80x24xf32, #tpu.memory_space<vmem>>[vector<16xi32>, vector<16xi32>], vector<16xf32>,
      %get3A_754 = arith.constant 12 : i32
      %get3A_755 = arith.index_cast %select_n3A_431 : i32 to index
      %get3A_756 = arith.index_cast %get3A_754 : i32 to index
      %get3A_757 = arith.constant 16 : index
      %get3A_758 = tpu.vector_load %arg10[%get3A_755, %get3A_756, %get3A_757] {strides = array<i32>} : memref<4x16x80xf32, #tpu.memory_space<vmem>>, vector<16xf32>,
      %broadcast_in_dim3A_759 = arith.constant 12 : i32
      %broadcast_in_dim3A_760 = vector.broadcast %broadcast_in_dim3A_759 : i32 to vector<16xi32>
      %scatter3A_761 = arith.constant 0 : i32
      %scatter3A_762 = arith.constant 0 : i32
      %scatter3A_763 = tpu.memref_slice %arg11[%select_n3A_431, %scatter3A_761, %scatter3A_762] : memref<4x80x24xf32, #tpu.memory_space<vmem>> -> memref<1x80x24xf32, #tpu.memory_space<vmem>>
      %scatter3A_764 = tpu.memref_squeeze %scatter3A_763 : memref<1x80x24xf32, #tpu.memory_space<vmem>> -> memref<80x24xf32, #tpu.memory_space<vmem>>
      tpu.vector_store_idx %scatter3A_764[%add3A_621, %broadcast_in_dim3A_760], %get3A_758 : memref<80x24xf32, #tpu.memory_space<vmem>>[vector<16xi32>, vector<16xi32>], vector<16xf32>,
      %get3A_765 = arith.constant 13 : i32
      %get3A_766 = arith.index_cast %select_n3A_431 : i32 to index
      %get3A_767 = arith.index_cast %get3A_765 : i32 to index
      %get3A_768 = arith.constant 16 : index
      %get3A_769 = tpu.vector_load %arg10[%get3A_766, %get3A_767, %get3A_768] {strides = array<i32>} : memref<4x16x80xf32, #tpu.memory_space<vmem>>, vector<16xf32>,
      %broadcast_in_dim3A_770 = arith.constant 13 : i32
      %broadcast_in_dim3A_771 = vector.broadcast %broadcast_in_dim3A_770 : i32 to vector<16xi32>
      %scatter3A_772 = arith.constant 0 : i32
      %scatter3A_773 = arith.constant 0 : i32
      %scatter3A_774 = tpu.memref_slice %arg11[%select_n3A_431, %scatter3A_772, %scatter3A_773] : memref<4x80x24xf32, #tpu.memory_space<vmem>> -> memref<1x80x24xf32, #tpu.memory_space<vmem>>
      %scatter3A_775 = tpu.memref_squeeze %scatter3A_774 : memref<1x80x24xf32, #tpu.memory_space<vmem>> -> memref<80x24xf32, #tpu.memory_space<vmem>>
      tpu.vector_store_idx %scatter3A_775[%add3A_621, %broadcast_in_dim3A_771], %get3A_769 : memref<80x24xf32, #tpu.memory_space<vmem>>[vector<16xi32>, vector<16xi32>], vector<16xf32>,
      %get3A_776 = arith.constant 14 : i32
      %get3A_777 = arith.index_cast %select_n3A_431 : i32 to index
      %get3A_778 = arith.index_cast %get3A_776 : i32 to index
      %get3A_779 = arith.constant 16 : index
      %get3A_780 = tpu.vector_load %arg10[%get3A_777, %get3A_778, %get3A_779] {strides = array<i32>} : memref<4x16x80xf32, #tpu.memory_space<vmem>>, vector<16xf32>,
      %broadcast_in_dim3A_781 = arith.constant 14 : i32
      %broadcast_in_dim3A_782 = vector.broadcast %broadcast_in_dim3A_781 : i32 to vector<16xi32>
      %scatter3A_783 = arith.constant 0 : i32
      %scatter3A_784 = arith.constant 0 : i32
      %scatter3A_785 = tpu.memref_slice %arg11[%select_n3A_431, %scatter3A_783, %scatter3A_784] : memref<4x80x24xf32, #tpu.memory_space<vmem>> -> memref<1x80x24xf32, #tpu.memory_space<vmem>>
      %scatter3A_786 = tpu.memref_squeeze %scatter3A_785 : memref<1x80x24xf32, #tpu.memory_space<vmem>> -> memref<80x24xf32, #tpu.memory_space<vmem>>
      tpu.vector_store_idx %scatter3A_786[%add3A_621, %broadcast_in_dim3A_782], %get3A_780 : memref<80x24xf32, #tpu.memory_space<vmem>>[vector<16xi32>, vector<16xi32>], vector<16xf32>,
      %get3A_787 = arith.constant 15 : i32
      %get3A_788 = arith.index_cast %select_n3A_431 : i32 to index
      %get3A_789 = arith.index_cast %get3A_787 : i32 to index
      %get3A_790 = arith.constant 16 : index
      %get3A_791 = tpu.vector_load %arg10[%get3A_788, %get3A_789, %get3A_790] {strides = array<i32>} : memref<4x16x80xf32, #tpu.memory_space<vmem>>, vector<16xf32>,
      %broadcast_in_dim3A_792 = arith.constant 15 : i32
      %broadcast_in_dim3A_793 = vector.broadcast %broadcast_in_dim3A_792 : i32 to vector<16xi32>
      %scatter3A_794 = arith.constant 0 : i32
      %scatter3A_795 = arith.constant 0 : i32
      %scatter3A_796 = tpu.memref_slice %arg11[%select_n3A_431, %scatter3A_794, %scatter3A_795] : memref<4x80x24xf32, #tpu.memory_space<vmem>> -> memref<1x80x24xf32, #tpu.memory_space<vmem>>
      %scatter3A_797 = tpu.memref_squeeze %scatter3A_796 : memref<1x80x24xf32, #tpu.memory_space<vmem>> -> memref<80x24xf32, #tpu.memory_space<vmem>>
      tpu.vector_store_idx %scatter3A_797[%add3A_621, %broadcast_in_dim3A_793], %get3A_791 : memref<80x24xf32, #tpu.memory_space<vmem>>[vector<16xi32>, vector<16xi32>], vector<16xf32>,
      %add3A_798 = arith.constant 32 : i32
      %add3A_799 = vector.broadcast %add3A_798 : i32 to vector<16xi32>
      %add3A_800 = arith.addi %add3A_799, %iota3A : vector<16xi32>
      %get3A_801 = arith.constant 0 : i32
      %get3A_802 = arith.index_cast %select_n3A_431 : i32 to index
      %get3A_803 = arith.index_cast %get3A_801 : i32 to index
      %get3A_804 = arith.constant 32 : index
      %get3A_805 = tpu.vector_load %arg10[%get3A_802, %get3A_803, %get3A_804] {strides = array<i32>} : memref<4x16x80xf32, #tpu.memory_space<vmem>>, vector<16xf32>,
      %broadcast_in_dim3A_806 = arith.constant 0 : i32
      %broadcast_in_dim3A_807 = vector.broadcast %broadcast_in_dim3A_806 : i32 to vector<16xi32>
      %scatter3A_808 = arith.constant 0 : i32
      %scatter3A_809 = arith.constant 0 : i32
      %scatter3A_810 = tpu.memref_slice %arg11[%select_n3A_431, %scatter3A_808, %scatter3A_809] : memref<4x80x24xf32, #tpu.memory_space<vmem>> -> memref<1x80x24xf32, #tpu.memory_space<vmem>>
      %scatter3A_811 = tpu.memref_squeeze %scatter3A_810 : memref<1x80x24xf32, #tpu.memory_space<vmem>> -> memref<80x24xf32, #tpu.memory_space<vmem>>
      tpu.vector_store_idx %scatter3A_811[%add3A_800, %broadcast_in_dim3A_807], %get3A_805 : memref<80x24xf32, #tpu.memory_space<vmem>>[vector<16xi32>, vector<16xi32>], vector<16xf32>,
      %get3A_812 = arith.constant 1 : i32
      %get3A_813 = arith.index_cast %select_n3A_431 : i32 to index
      %get3A_814 = arith.index_cast %get3A_812 : i32 to index
      %get3A_815 = arith.constant 32 : index
      %get3A_816 = tpu.vector_load %arg10[%get3A_813, %get3A_814, %get3A_815] {strides = array<i32>} : memref<4x16x80xf32, #tpu.memory_space<vmem>>, vector<16xf32>,
      %broadcast_in_dim3A_817 = arith.constant 1 : i32
      %broadcast_in_dim3A_818 = vector.broadcast %broadcast_in_dim3A_817 : i32 to vector<16xi32>
      %scatter3A_819 = arith.constant 0 : i32
      %scatter3A_820 = arith.constant 0 : i32
      %scatter3A_821 = tpu.memref_slice %arg11[%select_n3A_431, %scatter3A_819, %scatter3A_820] : memref<4x80x24xf32, #tpu.memory_space<vmem>> -> memref<1x80x24xf32, #tpu.memory_space<vmem>>
      %scatter3A_822 = tpu.memref_squeeze %scatter3A_821 : memref<1x80x24xf32, #tpu.memory_space<vmem>> -> memref<80x24xf32, #tpu.memory_space<vmem>>
      tpu.vector_store_idx %scatter3A_822[%add3A_800, %broadcast_in_dim3A_818], %get3A_816 : memref<80x24xf32, #tpu.memory_space<vmem>>[vector<16xi32>, vector<16xi32>], vector<16xf32>,
      %get3A_823 = arith.constant 2 : i32
      %get3A_824 = arith.index_cast %select_n3A_431 : i32 to index
      %get3A_825 = arith.index_cast %get3A_823 : i32 to index
      %get3A_826 = arith.constant 32 : index
      %get3A_827 = tpu.vector_load %arg10[%get3A_824, %get3A_825, %get3A_826] {strides = array<i32>} : memref<4x16x80xf32, #tpu.memory_space<vmem>>, vector<16xf32>,
      %broadcast_in_dim3A_828 = arith.constant 2 : i32
      %broadcast_in_dim3A_829 = vector.broadcast %broadcast_in_dim3A_828 : i32 to vector<16xi32>
      %scatter3A_830 = arith.constant 0 : i32
      %scatter3A_831 = arith.constant 0 : i32
      %scatter3A_832 = tpu.memref_slice %arg11[%select_n3A_431, %scatter3A_830, %scatter3A_831] : memref<4x80x24xf32, #tpu.memory_space<vmem>> -> memref<1x80x24xf32, #tpu.memory_space<vmem>>
      %scatter3A_833 = tpu.memref_squeeze %scatter3A_832 : memref<1x80x24xf32, #tpu.memory_space<vmem>> -> memref<80x24xf32, #tpu.memory_space<vmem>>
      tpu.vector_store_idx %scatter3A_833[%add3A_800, %broadcast_in_dim3A_829], %get3A_827 : memref<80x24xf32, #tpu.memory_space<vmem>>[vector<16xi32>, vector<16xi32>], vector<16xf32>,
      %get3A_834 = arith.constant 3 : i32
      %get3A_835 = arith.index_cast %select_n3A_431 : i32 to index
      %get3A_836 = arith.index_cast %get3A_834 : i32 to index
      %get3A_837 = arith.constant 32 : index
      %get3A_838 = tpu.vector_load %arg10[%get3A_835, %get3A_836, %get3A_837] {strides = array<i32>} : memref<4x16x80xf32, #tpu.memory_space<vmem>>, vector<16xf32>,
      %broadcast_in_dim3A_839 = arith.constant 3 : i32
      %broadcast_in_dim3A_840 = vector.broadcast %broadcast_in_dim3A_839 : i32 to vector<16xi32>
      %scatter3A_841 = arith.constant 0 : i32
      %scatter3A_842 = arith.constant 0 : i32
      %scatter3A_843 = tpu.memref_slice %arg11[%select_n3A_431, %scatter3A_841, %scatter3A_842] : memref<4x80x24xf32, #tpu.memory_space<vmem>> -> memref<1x80x24xf32, #tpu.memory_space<vmem>>
      %scatter3A_844 = tpu.memref_squeeze %scatter3A_843 : memref<1x80x24xf32, #tpu.memory_space<vmem>> -> memref<80x24xf32, #tpu.memory_space<vmem>>
      tpu.vector_store_idx %scatter3A_844[%add3A_800, %broadcast_in_dim3A_840], %get3A_838 : memref<80x24xf32, #tpu.memory_space<vmem>>[vector<16xi32>, vector<16xi32>], vector<16xf32>,
      %get3A_845 = arith.constant 4 : i32
      %get3A_846 = arith.index_cast %select_n3A_431 : i32 to index
      %get3A_847 = arith.index_cast %get3A_845 : i32 to index
      %get3A_848 = arith.constant 32 : index
      %get3A_849 = tpu.vector_load %arg10[%get3A_846, %get3A_847, %get3A_848] {strides = array<i32>} : memref<4x16x80xf32, #tpu.memory_space<vmem>>, vector<16xf32>,
      %broadcast_in_dim3A_850 = arith.constant 4 : i32
      %broadcast_in_dim3A_851 = vector.broadcast %broadcast_in_dim3A_850 : i32 to vector<16xi32>
      %scatter3A_852 = arith.constant 0 : i32
      %scatter3A_853 = arith.constant 0 : i32
      %scatter3A_854 = tpu.memref_slice %arg11[%select_n3A_431, %scatter3A_852, %scatter3A_853] : memref<4x80x24xf32, #tpu.memory_space<vmem>> -> memref<1x80x24xf32, #tpu.memory_space<vmem>>
      %scatter3A_855 = tpu.memref_squeeze %scatter3A_854 : memref<1x80x24xf32, #tpu.memory_space<vmem>> -> memref<80x24xf32, #tpu.memory_space<vmem>>
      tpu.vector_store_idx %scatter3A_855[%add3A_800, %broadcast_in_dim3A_851], %get3A_849 : memref<80x24xf32, #tpu.memory_space<vmem>>[vector<16xi32>, vector<16xi32>], vector<16xf32>,
      %get3A_856 = arith.constant 5 : i32
      %get3A_857 = arith.index_cast %select_n3A_431 : i32 to index
      %get3A_858 = arith.index_cast %get3A_856 : i32 to index
      %get3A_859 = arith.constant 32 : index
      %get3A_860 = tpu.vector_load %arg10[%get3A_857, %get3A_858, %get3A_859] {strides = array<i32>} : memref<4x16x80xf32, #tpu.memory_space<vmem>>, vector<16xf32>,
      %broadcast_in_dim3A_861 = arith.constant 5 : i32
      %broadcast_in_dim3A_862 = vector.broadcast %broadcast_in_dim3A_861 : i32 to vector<16xi32>
      %scatter3A_863 = arith.constant 0 : i32
      %scatter3A_864 = arith.constant 0 : i32
      %scatter3A_865 = tpu.memref_slice %arg11[%select_n3A_431, %scatter3A_863, %scatter3A_864] : memref<4x80x24xf32, #tpu.memory_space<vmem>> -> memref<1x80x24xf32, #tpu.memory_space<vmem>>
      %scatter3A_866 = tpu.memref_squeeze %scatter3A_865 : memref<1x80x24xf32, #tpu.memory_space<vmem>> -> memref<80x24xf32, #tpu.memory_space<vmem>>
      tpu.vector_store_idx %scatter3A_866[%add3A_800, %broadcast_in_dim3A_862], %get3A_860 : memref<80x24xf32, #tpu.memory_space<vmem>>[vector<16xi32>, vector<16xi32>], vector<16xf32>,
      %get3A_867 = arith.constant 6 : i32
      %get3A_868 = arith.index_cast %select_n3A_431 : i32 to index
      %get3A_869 = arith.index_cast %get3A_867 : i32 to index
      %get3A_870 = arith.constant 32 : index
      %get3A_871 = tpu.vector_load %arg10[%get3A_868, %get3A_869, %get3A_870] {strides = array<i32>} : memref<4x16x80xf32, #tpu.memory_space<vmem>>, vector<16xf32>,
      %broadcast_in_dim3A_872 = arith.constant 6 : i32
      %broadcast_in_dim3A_873 = vector.broadcast %broadcast_in_dim3A_872 : i32 to vector<16xi32>
      %scatter3A_874 = arith.constant 0 : i32
      %scatter3A_875 = arith.constant 0 : i32
      %scatter3A_876 = tpu.memref_slice %arg11[%select_n3A_431, %scatter3A_874, %scatter3A_875] : memref<4x80x24xf32, #tpu.memory_space<vmem>> -> memref<1x80x24xf32, #tpu.memory_space<vmem>>
      %scatter3A_877 = tpu.memref_squeeze %scatter3A_876 : memref<1x80x24xf32, #tpu.memory_space<vmem>> -> memref<80x24xf32, #tpu.memory_space<vmem>>
      tpu.vector_store_idx %scatter3A_877[%add3A_800, %broadcast_in_dim3A_873], %get3A_871 : memref<80x24xf32, #tpu.memory_space<vmem>>[vector<16xi32>, vector<16xi32>], vector<16xf32>,
      %get3A_878 = arith.constant 7 : i32
      %get3A_879 = arith.index_cast %select_n3A_431 : i32 to index
      %get3A_880 = arith.index_cast %get3A_878 : i32 to index
      %get3A_881 = arith.constant 32 : index
      %get3A_882 = tpu.vector_load %arg10[%get3A_879, %get3A_880, %get3A_881] {strides = array<i32>} : memref<4x16x80xf32, #tpu.memory_space<vmem>>, vector<16xf32>,
      %broadcast_in_dim3A_883 = arith.constant 7 : i32
      %broadcast_in_dim3A_884 = vector.broadcast %broadcast_in_dim3A_883 : i32 to vector<16xi32>
      %scatter3A_885 = arith.constant 0 : i32
      %scatter3A_886 = arith.constant 0 : i32
      %scatter3A_887 = tpu.memref_slice %arg11[%select_n3A_431, %scatter3A_885, %scatter3A_886] : memref<4x80x24xf32, #tpu.memory_space<vmem>> -> memref<1x80x24xf32, #tpu.memory_space<vmem>>
      %scatter3A_888 = tpu.memref_squeeze %scatter3A_887 : memref<1x80x24xf32, #tpu.memory_space<vmem>> -> memref<80x24xf32, #tpu.memory_space<vmem>>
      tpu.vector_store_idx %scatter3A_888[%add3A_800, %broadcast_in_dim3A_884], %get3A_882 : memref<80x24xf32, #tpu.memory_space<vmem>>[vector<16xi32>, vector<16xi32>], vector<16xf32>,
      %get3A_889 = arith.constant 8 : i32
      %get3A_890 = arith.index_cast %select_n3A_431 : i32 to index
      %get3A_891 = arith.index_cast %get3A_889 : i32 to index
      %get3A_892 = arith.constant 32 : index
      %get3A_893 = tpu.vector_load %arg10[%get3A_890, %get3A_891, %get3A_892] {strides = array<i32>} : memref<4x16x80xf32, #tpu.memory_space<vmem>>, vector<16xf32>,
      %broadcast_in_dim3A_894 = arith.constant 8 : i32
      %broadcast_in_dim3A_895 = vector.broadcast %broadcast_in_dim3A_894 : i32 to vector<16xi32>
      %scatter3A_896 = arith.constant 0 : i32
      %scatter3A_897 = arith.constant 0 : i32
      %scatter3A_898 = tpu.memref_slice %arg11[%select_n3A_431, %scatter3A_896, %scatter3A_897] : memref<4x80x24xf32, #tpu.memory_space<vmem>> -> memref<1x80x24xf32, #tpu.memory_space<vmem>>
      %scatter3A_899 = tpu.memref_squeeze %scatter3A_898 : memref<1x80x24xf32, #tpu.memory_space<vmem>> -> memref<80x24xf32, #tpu.memory_space<vmem>>
      tpu.vector_store_idx %scatter3A_899[%add3A_800, %broadcast_in_dim3A_895], %get3A_893 : memref<80x24xf32, #tpu.memory_space<vmem>>[vector<16xi32>, vector<16xi32>], vector<16xf32>,
      %get3A_900 = arith.constant 9 : i32
      %get3A_901 = arith.index_cast %select_n3A_431 : i32 to index
      %get3A_902 = arith.index_cast %get3A_900 : i32 to index
      %get3A_903 = arith.constant 32 : index
      %get3A_904 = tpu.vector_load %arg10[%get3A_901, %get3A_902, %get3A_903] {strides = array<i32>} : memref<4x16x80xf32, #tpu.memory_space<vmem>>, vector<16xf32>,
      %broadcast_in_dim3A_905 = arith.constant 9 : i32
      %broadcast_in_dim3A_906 = vector.broadcast %broadcast_in_dim3A_905 : i32 to vector<16xi32>
      %scatter3A_907 = arith.constant 0 : i32
      %scatter3A_908 = arith.constant 0 : i32
      %scatter3A_909 = tpu.memref_slice %arg11[%select_n3A_431, %scatter3A_907, %scatter3A_908] : memref<4x80x24xf32, #tpu.memory_space<vmem>> -> memref<1x80x24xf32, #tpu.memory_space<vmem>>
      %scatter3A_910 = tpu.memref_squeeze %scatter3A_909 : memref<1x80x24xf32, #tpu.memory_space<vmem>> -> memref<80x24xf32, #tpu.memory_space<vmem>>
      tpu.vector_store_idx %scatter3A_910[%add3A_800, %broadcast_in_dim3A_906], %get3A_904 : memref<80x24xf32, #tpu.memory_space<vmem>>[vector<16xi32>, vector<16xi32>], vector<16xf32>,
      %get3A_911 = arith.constant 10 : i32
      %get3A_912 = arith.index_cast %select_n3A_431 : i32 to index
      %get3A_913 = arith.index_cast %get3A_911 : i32 to index
      %get3A_914 = arith.constant 32 : index
      %get3A_915 = tpu.vector_load %arg10[%get3A_912, %get3A_913, %get3A_914] {strides = array<i32>} : memref<4x16x80xf32, #tpu.memory_space<vmem>>, vector<16xf32>,
      %broadcast_in_dim3A_916 = arith.constant 10 : i32
      %broadcast_in_dim3A_917 = vector.broadcast %broadcast_in_dim3A_916 : i32 to vector<16xi32>
      %scatter3A_918 = arith.constant 0 : i32
      %scatter3A_919 = arith.constant 0 : i32
      %scatter3A_920 = tpu.memref_slice %arg11[%select_n3A_431, %scatter3A_918, %scatter3A_919] : memref<4x80x24xf32, #tpu.memory_space<vmem>> -> memref<1x80x24xf32, #tpu.memory_space<vmem>>
      %scatter3A_921 = tpu.memref_squeeze %scatter3A_920 : memref<1x80x24xf32, #tpu.memory_space<vmem>> -> memref<80x24xf32, #tpu.memory_space<vmem>>
      tpu.vector_store_idx %scatter3A_921[%add3A_800, %broadcast_in_dim3A_917], %get3A_915 : memref<80x24xf32, #tpu.memory_space<vmem>>[vector<16xi32>, vector<16xi32>], vector<16xf32>,
      %get3A_922 = arith.constant 11 : i32
      %get3A_923 = arith.index_cast %select_n3A_431 : i32 to index
      %get3A_924 = arith.index_cast %get3A_922 : i32 to index
      %get3A_925 = arith.constant 32 : index
      %get3A_926 = tpu.vector_load %arg10[%get3A_923, %get3A_924, %get3A_925] {strides = array<i32>} : memref<4x16x80xf32, #tpu.memory_space<vmem>>, vector<16xf32>,
      %broadcast_in_dim3A_927 = arith.constant 11 : i32
      %broadcast_in_dim3A_928 = vector.broadcast %broadcast_in_dim3A_927 : i32 to vector<16xi32>
      %scatter3A_929 = arith.constant 0 : i32
      %scatter3A_930 = arith.constant 0 : i32
      %scatter3A_931 = tpu.memref_slice %arg11[%select_n3A_431, %scatter3A_929, %scatter3A_930] : memref<4x80x24xf32, #tpu.memory_space<vmem>> -> memref<1x80x24xf32, #tpu.memory_space<vmem>>
      %scatter3A_932 = tpu.memref_squeeze %scatter3A_931 : memref<1x80x24xf32, #tpu.memory_space<vmem>> -> memref<80x24xf32, #tpu.memory_space<vmem>>
      tpu.vector_store_idx %scatter3A_932[%add3A_800, %broadcast_in_dim3A_928], %get3A_926 : memref<80x24xf32, #tpu.memory_space<vmem>>[vector<16xi32>, vector<16xi32>], vector<16xf32>,
      %get3A_933 = arith.constant 12 : i32
      %get3A_934 = arith.index_cast %select_n3A_431 : i32 to index
      %get3A_935 = arith.index_cast %get3A_933 : i32 to index
      %get3A_936 = arith.constant 32 : index
      %get3A_937 = tpu.vector_load %arg10[%get3A_934, %get3A_935, %get3A_936] {strides = array<i32>} : memref<4x16x80xf32, #tpu.memory_space<vmem>>, vector<16xf32>,
      %broadcast_in_dim3A_938 = arith.constant 12 : i32
      %broadcast_in_dim3A_939 = vector.broadcast %broadcast_in_dim3A_938 : i32 to vector<16xi32>
      %scatter3A_940 = arith.constant 0 : i32
      %scatter3A_941 = arith.constant 0 : i32
      %scatter3A_942 = tpu.memref_slice %arg11[%select_n3A_431, %scatter3A_940, %scatter3A_941] : memref<4x80x24xf32, #tpu.memory_space<vmem>> -> memref<1x80x24xf32, #tpu.memory_space<vmem>>
      %scatter3A_943 = tpu.memref_squeeze %scatter3A_942 : memref<1x80x24xf32, #tpu.memory_space<vmem>> -> memref<80x24xf32, #tpu.memory_space<vmem>>
      tpu.vector_store_idx %scatter3A_943[%add3A_800, %broadcast_in_dim3A_939], %get3A_937 : memref<80x24xf32, #tpu.memory_space<vmem>>[vector<16xi32>, vector<16xi32>], vector<16xf32>,
      %get3A_944 = arith.constant 13 : i32
      %get3A_945 = arith.index_cast %select_n3A_431 : i32 to index
      %get3A_946 = arith.index_cast %get3A_944 : i32 to index
      %get3A_947 = arith.constant 32 : index
      %get3A_948 = tpu.vector_load %arg10[%get3A_945, %get3A_946, %get3A_947] {strides = array<i32>} : memref<4x16x80xf32, #tpu.memory_space<vmem>>, vector<16xf32>,
      %broadcast_in_dim3A_949 = arith.constant 13 : i32
      %broadcast_in_dim3A_950 = vector.broadcast %broadcast_in_dim3A_949 : i32 to vector<16xi32>
      %scatter3A_951 = arith.constant 0 : i32
      %scatter3A_952 = arith.constant 0 : i32
      %scatter3A_953 = tpu.memref_slice %arg11[%select_n3A_431, %scatter3A_951, %scatter3A_952] : memref<4x80x24xf32, #tpu.memory_space<vmem>> -> memref<1x80x24xf32, #tpu.memory_space<vmem>>
      %scatter3A_954 = tpu.memref_squeeze %scatter3A_953 : memref<1x80x24xf32, #tpu.memory_space<vmem>> -> memref<80x24xf32, #tpu.memory_space<vmem>>
      tpu.vector_store_idx %scatter3A_954[%add3A_800, %broadcast_in_dim3A_950], %get3A_948 : memref<80x24xf32, #tpu.memory_space<vmem>>[vector<16xi32>, vector<16xi32>], vector<16xf32>,
      %get3A_955 = arith.constant 14 : i32
      %get3A_956 = arith.index_cast %select_n3A_431 : i32 to index
      %get3A_957 = arith.index_cast %get3A_955 : i32 to index
      %get3A_958 = arith.constant 32 : index
      %get3A_959 = tpu.vector_load %arg10[%get3A_956, %get3A_957, %get3A_958] {strides = array<i32>} : memref<4x16x80xf32, #tpu.memory_space<vmem>>, vector<16xf32>,
      %broadcast_in_dim3A_960 = arith.constant 14 : i32
      %broadcast_in_dim3A_961 = vector.broadcast %broadcast_in_dim3A_960 : i32 to vector<16xi32>
      %scatter3A_962 = arith.constant 0 : i32
      %scatter3A_963 = arith.constant 0 : i32
      %scatter3A_964 = tpu.memref_slice %arg11[%select_n3A_431, %scatter3A_962, %scatter3A_963] : memref<4x80x24xf32, #tpu.memory_space<vmem>> -> memref<1x80x24xf32, #tpu.memory_space<vmem>>
      %scatter3A_965 = tpu.memref_squeeze %scatter3A_964 : memref<1x80x24xf32, #tpu.memory_space<vmem>> -> memref<80x24xf32, #tpu.memory_space<vmem>>
      tpu.vector_store_idx %scatter3A_965[%add3A_800, %broadcast_in_dim3A_961], %get3A_959 : memref<80x24xf32, #tpu.memory_space<vmem>>[vector<16xi32>, vector<16xi32>], vector<16xf32>,
      %get3A_966 = arith.constant 15 : i32
      %get3A_967 = arith.index_cast %select_n3A_431 : i32 to index
      %get3A_968 = arith.index_cast %get3A_966 : i32 to index
      %get3A_969 = arith.constant 32 : index
      %get3A_970 = tpu.vector_load %arg10[%get3A_967, %get3A_968, %get3A_969] {strides = array<i32>} : memref<4x16x80xf32, #tpu.memory_space<vmem>>, vector<16xf32>,
      %broadcast_in_dim3A_971 = arith.constant 15 : i32
      %broadcast_in_dim3A_972 = vector.broadcast %broadcast_in_dim3A_971 : i32 to vector<16xi32>
      %scatter3A_973 = arith.constant 0 : i32
      %scatter3A_974 = arith.constant 0 : i32
      %scatter3A_975 = tpu.memref_slice %arg11[%select_n3A_431, %scatter3A_973, %scatter3A_974] : memref<4x80x24xf32, #tpu.memory_space<vmem>> -> memref<1x80x24xf32, #tpu.memory_space<vmem>>
      %scatter3A_976 = tpu.memref_squeeze %scatter3A_975 : memref<1x80x24xf32, #tpu.memory_space<vmem>> -> memref<80x24xf32, #tpu.memory_space<vmem>>
      tpu.vector_store_idx %scatter3A_976[%add3A_800, %broadcast_in_dim3A_972], %get3A_970 : memref<80x24xf32, #tpu.memory_space<vmem>>[vector<16xi32>, vector<16xi32>], vector<16xf32>,
      %add3A_977 = arith.constant 48 : i32
      %add3A_978 = vector.broadcast %add3A_977 : i32 to vector<16xi32>
      %add3A_979 = arith.addi %add3A_978, %iota3A : vector<16xi32>
      %get3A_980 = arith.constant 0 : i32
      %get3A_981 = arith.index_cast %select_n3A_431 : i32 to index
      %get3A_982 = arith.index_cast %get3A_980 : i32 to index
      %get3A_983 = arith.constant 48 : index
      %get3A_984 = tpu.vector_load %arg10[%get3A_981, %get3A_982, %get3A_983] {strides = array<i32>} : memref<4x16x80xf32, #tpu.memory_space<vmem>>, vector<16xf32>,
      %broadcast_in_dim3A_985 = arith.constant 0 : i32
      %broadcast_in_dim3A_986 = vector.broadcast %broadcast_in_dim3A_985 : i32 to vector<16xi32>
      %scatter3A_987 = arith.constant 0 : i32
      %scatter3A_988 = arith.constant 0 : i32
      %scatter3A_989 = tpu.memref_slice %arg11[%select_n3A_431, %scatter3A_987, %scatter3A_988] : memref<4x80x24xf32, #tpu.memory_space<vmem>> -> memref<1x80x24xf32, #tpu.memory_space<vmem>>
      %scatter3A_990 = tpu.memref_squeeze %scatter3A_989 : memref<1x80x24xf32, #tpu.memory_space<vmem>> -> memref<80x24xf32, #tpu.memory_space<vmem>>
      tpu.vector_store_idx %scatter3A_990[%add3A_979, %broadcast_in_dim3A_986], %get3A_984 : memref<80x24xf32, #tpu.memory_space<vmem>>[vector<16xi32>, vector<16xi32>], vector<16xf32>,
      %get3A_991 = arith.constant 1 : i32
      %get3A_992 = arith.index_cast %select_n3A_431 : i32 to index
      %get3A_993 = arith.index_cast %get3A_991 : i32 to index
      %get3A_994 = arith.constant 48 : index
      %get3A_995 = tpu.vector_load %arg10[%get3A_992, %get3A_993, %get3A_994] {strides = array<i32>} : memref<4x16x80xf32, #tpu.memory_space<vmem>>, vector<16xf32>,
      %broadcast_in_dim3A_996 = arith.constant 1 : i32
      %broadcast_in_dim3A_997 = vector.broadcast %broadcast_in_dim3A_996 : i32 to vector<16xi32>
      %scatter3A_998 = arith.constant 0 : i32
      %scatter3A_999 = arith.constant 0 : i32
      %scatter3A_1000 = tpu.memref_slice %arg11[%select_n3A_431, %scatter3A_998, %scatter3A_999] : memref<4x80x24xf32, #tpu.memory_space<vmem>> -> memref<1x80x24xf32, #tpu.memory_space<vmem>>
      %scatter3A_1001 = tpu.memref_squeeze %scatter3A_1000 : memref<1x80x24xf32, #tpu.memory_space<vmem>> -> memref<80x24xf32, #tpu.memory_space<vmem>>
      tpu.vector_store_idx %scatter3A_1001[%add3A_979, %broadcast_in_dim3A_997], %get3A_995 : memref<80x24xf32, #tpu.memory_space<vmem>>[vector<16xi32>, vector<16xi32>], vector<16xf32>,
      %get3A_1002 = arith.constant 2 : i32
      %get3A_1003 = arith.index_cast %select_n3A_431 : i32 to index
      %get3A_1004 = arith.index_cast %get3A_1002 : i32 to index
      %get3A_1005 = arith.constant 48 : index
      %get3A_1006 = tpu.vector_load %arg10[%get3A_1003, %get3A_1004, %get3A_1005] {strides = array<i32>} : memref<4x16x80xf32, #tpu.memory_space<vmem>>, vector<16xf32>,
      %broadcast_in_dim3A_1007 = arith.constant 2 : i32
      %broadcast_in_dim3A_1008 = vector.broadcast %broadcast_in_dim3A_1007 : i32 to vector<16xi32>
      %scatter3A_1009 = arith.constant 0 : i32
      %scatter3A_1010 = arith.constant 0 : i32
      %scatter3A_1011 = tpu.memref_slice %arg11[%select_n3A_431, %scatter3A_1009, %scatter3A_1010] : memref<4x80x24xf32, #tpu.memory_space<vmem>> -> memref<1x80x24xf32, #tpu.memory_space<vmem>>
      %scatter3A_1012 = tpu.memref_squeeze %scatter3A_1011 : memref<1x80x24xf32, #tpu.memory_space<vmem>> -> memref<80x24xf32, #tpu.memory_space<vmem>>
      tpu.vector_store_idx %scatter3A_1012[%add3A_979, %broadcast_in_dim3A_1008], %get3A_1006 : memref<80x24xf32, #tpu.memory_space<vmem>>[vector<16xi32>, vector<16xi32>], vector<16xf32>,
      %get3A_1013 = arith.constant 3 : i32
      %get3A_1014 = arith.index_cast %select_n3A_431 : i32 to index
      %get3A_1015 = arith.index_cast %get3A_1013 : i32 to index
      %get3A_1016 = arith.constant 48 : index
      %get3A_1017 = tpu.vector_load %arg10[%get3A_1014, %get3A_1015, %get3A_1016] {strides = array<i32>} : memref<4x16x80xf32, #tpu.memory_space<vmem>>, vector<16xf32>,
      %broadcast_in_dim3A_1018 = arith.constant 3 : i32
      %broadcast_in_dim3A_1019 = vector.broadcast %broadcast_in_dim3A_1018 : i32 to vector<16xi32>
      %scatter3A_1020 = arith.constant 0 : i32
      %scatter3A_1021 = arith.constant 0 : i32
      %scatter3A_1022 = tpu.memref_slice %arg11[%select_n3A_431, %scatter3A_1020, %scatter3A_1021] : memref<4x80x24xf32, #tpu.memory_space<vmem>> -> memref<1x80x24xf32, #tpu.memory_space<vmem>>
      %scatter3A_1023 = tpu.memref_squeeze %scatter3A_1022 : memref<1x80x24xf32, #tpu.memory_space<vmem>> -> memref<80x24xf32, #tpu.memory_space<vmem>>
      tpu.vector_store_idx %scatter3A_1023[%add3A_979, %broadcast_in_dim3A_1019], %get3A_1017 : memref<80x24xf32, #tpu.memory_space<vmem>>[vector<16xi32>, vector<16xi32>], vector<16xf32>,
      %get3A_1024 = arith.constant 4 : i32
      %get3A_1025 = arith.index_cast %select_n3A_431 : i32 to index
      %get3A_1026 = arith.index_cast %get3A_1024 : i32 to index
      %get3A_1027 = arith.constant 48 : index
      %get3A_1028 = tpu.vector_load %arg10[%get3A_1025, %get3A_1026, %get3A_1027] {strides = array<i32>} : memref<4x16x80xf32, #tpu.memory_space<vmem>>, vector<16xf32>,
      %broadcast_in_dim3A_1029 = arith.constant 4 : i32
      %broadcast_in_dim3A_1030 = vector.broadcast %broadcast_in_dim3A_1029 : i32 to vector<16xi32>
      %scatter3A_1031 = arith.constant 0 : i32
      %scatter3A_1032 = arith.constant 0 : i32
      %scatter3A_1033 = tpu.memref_slice %arg11[%select_n3A_431, %scatter3A_1031, %scatter3A_1032] : memref<4x80x24xf32, #tpu.memory_space<vmem>> -> memref<1x80x24xf32, #tpu.memory_space<vmem>>
      %scatter3A_1034 = tpu.memref_squeeze %scatter3A_1033 : memref<1x80x24xf32, #tpu.memory_space<vmem>> -> memref<80x24xf32, #tpu.memory_space<vmem>>
      tpu.vector_store_idx %scatter3A_1034[%add3A_979, %broadcast_in_dim3A_1030], %get3A_1028 : memref<80x24xf32, #tpu.memory_space<vmem>>[vector<16xi32>, vector<16xi32>], vector<16xf32>,
      %get3A_1035 = arith.constant 5 : i32
      %get3A_1036 = arith.index_cast %select_n3A_431 : i32 to index
      %get3A_1037 = arith.index_cast %get3A_1035 : i32 to index
      %get3A_1038 = arith.constant 48 : index
      %get3A_1039 = tpu.vector_load %arg10[%get3A_1036, %get3A_1037, %get3A_1038] {strides = array<i32>} : memref<4x16x80xf32, #tpu.memory_space<vmem>>, vector<16xf32>,
      %broadcast_in_dim3A_1040 = arith.constant 5 : i32
      %broadcast_in_dim3A_1041 = vector.broadcast %broadcast_in_dim3A_1040 : i32 to vector<16xi32>
      %scatter3A_1042 = arith.constant 0 : i32
      %scatter3A_1043 = arith.constant 0 : i32
      %scatter3A_1044 = tpu.memref_slice %arg11[%select_n3A_431, %scatter3A_1042, %scatter3A_1043] : memref<4x80x24xf32, #tpu.memory_space<vmem>> -> memref<1x80x24xf32, #tpu.memory_space<vmem>>
      %scatter3A_1045 = tpu.memref_squeeze %scatter3A_1044 : memref<1x80x24xf32, #tpu.memory_space<vmem>> -> memref<80x24xf32, #tpu.memory_space<vmem>>
      tpu.vector_store_idx %scatter3A_1045[%add3A_979, %broadcast_in_dim3A_1041], %get3A_1039 : memref<80x24xf32, #tpu.memory_space<vmem>>[vector<16xi32>, vector<16xi32>], vector<16xf32>,
      %get3A_1046 = arith.constant 6 : i32
      %get3A_1047 = arith.index_cast %select_n3A_431 : i32 to index
      %get3A_1048 = arith.index_cast %get3A_1046 : i32 to index
      %get3A_1049 = arith.constant 48 : index
      %get3A_1050 = tpu.vector_load %arg10[%get3A_1047, %get3A_1048, %get3A_1049] {strides = array<i32>} : memref<4x16x80xf32, #tpu.memory_space<vmem>>, vector<16xf32>,
      %broadcast_in_dim3A_1051 = arith.constant 6 : i32
      %broadcast_in_dim3A_1052 = vector.broadcast %broadcast_in_dim3A_1051 : i32 to vector<16xi32>
      %scatter3A_1053 = arith.constant 0 : i32
      %scatter3A_1054 = arith.constant 0 : i32
      %scatter3A_1055 = tpu.memref_slice %arg11[%select_n3A_431, %scatter3A_1053, %scatter3A_1054] : memref<4x80x24xf32, #tpu.memory_space<vmem>> -> memref<1x80x24xf32, #tpu.memory_space<vmem>>
      %scatter3A_1056 = tpu.memref_squeeze %scatter3A_1055 : memref<1x80x24xf32, #tpu.memory_space<vmem>> -> memref<80x24xf32, #tpu.memory_space<vmem>>
      tpu.vector_store_idx %scatter3A_1056[%add3A_979, %broadcast_in_dim3A_1052], %get3A_1050 : memref<80x24xf32, #tpu.memory_space<vmem>>[vector<16xi32>, vector<16xi32>], vector<16xf32>,
      %get3A_1057 = arith.constant 7 : i32
      %get3A_1058 = arith.index_cast %select_n3A_431 : i32 to index
      %get3A_1059 = arith.index_cast %get3A_1057 : i32 to index
      %get3A_1060 = arith.constant 48 : index
      %get3A_1061 = tpu.vector_load %arg10[%get3A_1058, %get3A_1059, %get3A_1060] {strides = array<i32>} : memref<4x16x80xf32, #tpu.memory_space<vmem>>, vector<16xf32>,
      %broadcast_in_dim3A_1062 = arith.constant 7 : i32
      %broadcast_in_dim3A_1063 = vector.broadcast %broadcast_in_dim3A_1062 : i32 to vector<16xi32>
      %scatter3A_1064 = arith.constant 0 : i32
      %scatter3A_1065 = arith.constant 0 : i32
      %scatter3A_1066 = tpu.memref_slice %arg11[%select_n3A_431, %scatter3A_1064, %scatter3A_1065] : memref<4x80x24xf32, #tpu.memory_space<vmem>> -> memref<1x80x24xf32, #tpu.memory_space<vmem>>
      %scatter3A_1067 = tpu.memref_squeeze %scatter3A_1066 : memref<1x80x24xf32, #tpu.memory_space<vmem>> -> memref<80x24xf32, #tpu.memory_space<vmem>>
      tpu.vector_store_idx %scatter3A_1067[%add3A_979, %broadcast_in_dim3A_1063], %get3A_1061 : memref<80x24xf32, #tpu.memory_space<vmem>>[vector<16xi32>, vector<16xi32>], vector<16xf32>,
      %get3A_1068 = arith.constant 8 : i32
      %get3A_1069 = arith.index_cast %select_n3A_431 : i32 to index
      %get3A_1070 = arith.index_cast %get3A_1068 : i32 to index
      %get3A_1071 = arith.constant 48 : index
      %get3A_1072 = tpu.vector_load %arg10[%get3A_1069, %get3A_1070, %get3A_1071] {strides = array<i32>} : memref<4x16x80xf32, #tpu.memory_space<vmem>>, vector<16xf32>,
      %broadcast_in_dim3A_1073 = arith.constant 8 : i32
      %broadcast_in_dim3A_1074 = vector.broadcast %broadcast_in_dim3A_1073 : i32 to vector<16xi32>
      %scatter3A_1075 = arith.constant 0 : i32
      %scatter3A_1076 = arith.constant 0 : i32
      %scatter3A_1077 = tpu.memref_slice %arg11[%select_n3A_431, %scatter3A_1075, %scatter3A_1076] : memref<4x80x24xf32, #tpu.memory_space<vmem>> -> memref<1x80x24xf32, #tpu.memory_space<vmem>>
      %scatter3A_1078 = tpu.memref_squeeze %scatter3A_1077 : memref<1x80x24xf32, #tpu.memory_space<vmem>> -> memref<80x24xf32, #tpu.memory_space<vmem>>
      tpu.vector_store_idx %scatter3A_1078[%add3A_979, %broadcast_in_dim3A_1074], %get3A_1072 : memref<80x24xf32, #tpu.memory_space<vmem>>[vector<16xi32>, vector<16xi32>], vector<16xf32>,
      %get3A_1079 = arith.constant 9 : i32
      %get3A_1080 = arith.index_cast %select_n3A_431 : i32 to index
      %get3A_1081 = arith.index_cast %get3A_1079 : i32 to index
      %get3A_1082 = arith.constant 48 : index
      %get3A_1083 = tpu.vector_load %arg10[%get3A_1080, %get3A_1081, %get3A_1082] {strides = array<i32>} : memref<4x16x80xf32, #tpu.memory_space<vmem>>, vector<16xf32>,
      %broadcast_in_dim3A_1084 = arith.constant 9 : i32
      %broadcast_in_dim3A_1085 = vector.broadcast %broadcast_in_dim3A_1084 : i32 to vector<16xi32>
      %scatter3A_1086 = arith.constant 0 : i32
      %scatter3A_1087 = arith.constant 0 : i32
      %scatter3A_1088 = tpu.memref_slice %arg11[%select_n3A_431, %scatter3A_1086, %scatter3A_1087] : memref<4x80x24xf32, #tpu.memory_space<vmem>> -> memref<1x80x24xf32, #tpu.memory_space<vmem>>
      %scatter3A_1089 = tpu.memref_squeeze %scatter3A_1088 : memref<1x80x24xf32, #tpu.memory_space<vmem>> -> memref<80x24xf32, #tpu.memory_space<vmem>>
      tpu.vector_store_idx %scatter3A_1089[%add3A_979, %broadcast_in_dim3A_1085], %get3A_1083 : memref<80x24xf32, #tpu.memory_space<vmem>>[vector<16xi32>, vector<16xi32>], vector<16xf32>,
      %get3A_1090 = arith.constant 10 : i32
      %get3A_1091 = arith.index_cast %select_n3A_431 : i32 to index
      %get3A_1092 = arith.index_cast %get3A_1090 : i32 to index
      %get3A_1093 = arith.constant 48 : index
      %get3A_1094 = tpu.vector_load %arg10[%get3A_1091, %get3A_1092, %get3A_1093] {strides = array<i32>} : memref<4x16x80xf32, #tpu.memory_space<vmem>>, vector<16xf32>,
      %broadcast_in_dim3A_1095 = arith.constant 10 : i32
      %broadcast_in_dim3A_1096 = vector.broadcast %broadcast_in_dim3A_1095 : i32 to vector<16xi32>
      %scatter3A_1097 = arith.constant 0 : i32
      %scatter3A_1098 = arith.constant 0 : i32
      %scatter3A_1099 = tpu.memref_slice %arg11[%select_n3A_431, %scatter3A_1097, %scatter3A_1098] : memref<4x80x24xf32, #tpu.memory_space<vmem>> -> memref<1x80x24xf32, #tpu.memory_space<vmem>>
      %scatter3A_1100 = tpu.memref_squeeze %scatter3A_1099 : memref<1x80x24xf32, #tpu.memory_space<vmem>> -> memref<80x24xf32, #tpu.memory_space<vmem>>
      tpu.vector_store_idx %scatter3A_1100[%add3A_979, %broadcast_in_dim3A_1096], %get3A_1094 : memref<80x24xf32, #tpu.memory_space<vmem>>[vector<16xi32>, vector<16xi32>], vector<16xf32>,
      %get3A_1101 = arith.constant 11 : i32
      %get3A_1102 = arith.index_cast %select_n3A_431 : i32 to index
      %get3A_1103 = arith.index_cast %get3A_1101 : i32 to index
      %get3A_1104 = arith.constant 48 : index
      %get3A_1105 = tpu.vector_load %arg10[%get3A_1102, %get3A_1103, %get3A_1104] {strides = array<i32>} : memref<4x16x80xf32, #tpu.memory_space<vmem>>, vector<16xf32>,
      %broadcast_in_dim3A_1106 = arith.constant 11 : i32
      %broadcast_in_dim3A_1107 = vector.broadcast %broadcast_in_dim3A_1106 : i32 to vector<16xi32>
      %scatter3A_1108 = arith.constant 0 : i32
      %scatter3A_1109 = arith.constant 0 : i32
      %scatter3A_1110 = tpu.memref_slice %arg11[%select_n3A_431, %scatter3A_1108, %scatter3A_1109] : memref<4x80x24xf32, #tpu.memory_space<vmem>> -> memref<1x80x24xf32, #tpu.memory_space<vmem>>
      %scatter3A_1111 = tpu.memref_squeeze %scatter3A_1110 : memref<1x80x24xf32, #tpu.memory_space<vmem>> -> memref<80x24xf32, #tpu.memory_space<vmem>>
      tpu.vector_store_idx %scatter3A_1111[%add3A_979, %broadcast_in_dim3A_1107], %get3A_1105 : memref<80x24xf32, #tpu.memory_space<vmem>>[vector<16xi32>, vector<16xi32>], vector<16xf32>,
      %get3A_1112 = arith.constant 12 : i32
      %get3A_1113 = arith.index_cast %select_n3A_431 : i32 to index
      %get3A_1114 = arith.index_cast %get3A_1112 : i32 to index
      %get3A_1115 = arith.constant 48 : index
      %get3A_1116 = tpu.vector_load %arg10[%get3A_1113, %get3A_1114, %get3A_1115] {strides = array<i32>} : memref<4x16x80xf32, #tpu.memory_space<vmem>>, vector<16xf32>,
      %broadcast_in_dim3A_1117 = arith.constant 12 : i32
      %broadcast_in_dim3A_1118 = vector.broadcast %broadcast_in_dim3A_1117 : i32 to vector<16xi32>
      %scatter3A_1119 = arith.constant 0 : i32
      %scatter3A_1120 = arith.constant 0 : i32
      %scatter3A_1121 = tpu.memref_slice %arg11[%select_n3A_431, %scatter3A_1119, %scatter3A_1120] : memref<4x80x24xf32, #tpu.memory_space<vmem>> -> memref<1x80x24xf32, #tpu.memory_space<vmem>>
      %scatter3A_1122 = tpu.memref_squeeze %scatter3A_1121 : memref<1x80x24xf32, #tpu.memory_space<vmem>> -> memref<80x24xf32, #tpu.memory_space<vmem>>
      tpu.vector_store_idx %scatter3A_1122[%add3A_979, %broadcast_in_dim3A_1118], %get3A_1116 : memref<80x24xf32, #tpu.memory_space<vmem>>[vector<16xi32>, vector<16xi32>], vector<16xf32>,
      %get3A_1123 = arith.constant 13 : i32
      %get3A_1124 = arith.index_cast %select_n3A_431 : i32 to index
      %get3A_1125 = arith.index_cast %get3A_1123 : i32 to index
      %get3A_1126 = arith.constant 48 : index
      %get3A_1127 = tpu.vector_load %arg10[%get3A_1124, %get3A_1125, %get3A_1126] {strides = array<i32>} : memref<4x16x80xf32, #tpu.memory_space<vmem>>, vector<16xf32>,
      %broadcast_in_dim3A_1128 = arith.constant 13 : i32
      %broadcast_in_dim3A_1129 = vector.broadcast %broadcast_in_dim3A_1128 : i32 to vector<16xi32>
      %scatter3A_1130 = arith.constant 0 : i32
      %scatter3A_1131 = arith.constant 0 : i32
      %scatter3A_1132 = tpu.memref_slice %arg11[%select_n3A_431, %scatter3A_1130, %scatter3A_1131] : memref<4x80x24xf32, #tpu.memory_space<vmem>> -> memref<1x80x24xf32, #tpu.memory_space<vmem>>
      %scatter3A_1133 = tpu.memref_squeeze %scatter3A_1132 : memref<1x80x24xf32, #tpu.memory_space<vmem>> -> memref<80x24xf32, #tpu.memory_space<vmem>>
      tpu.vector_store_idx %scatter3A_1133[%add3A_979, %broadcast_in_dim3A_1129], %get3A_1127 : memref<80x24xf32, #tpu.memory_space<vmem>>[vector<16xi32>, vector<16xi32>], vector<16xf32>,
      %get3A_1134 = arith.constant 14 : i32
      %get3A_1135 = arith.index_cast %select_n3A_431 : i32 to index
      %get3A_1136 = arith.index_cast %get3A_1134 : i32 to index
      %get3A_1137 = arith.constant 48 : index
      %get3A_1138 = tpu.vector_load %arg10[%get3A_1135, %get3A_1136, %get3A_1137] {strides = array<i32>} : memref<4x16x80xf32, #tpu.memory_space<vmem>>, vector<16xf32>,
      %broadcast_in_dim3A_1139 = arith.constant 14 : i32
      %broadcast_in_dim3A_1140 = vector.broadcast %broadcast_in_dim3A_1139 : i32 to vector<16xi32>
      %scatter3A_1141 = arith.constant 0 : i32
      %scatter3A_1142 = arith.constant 0 : i32
      %scatter3A_1143 = tpu.memref_slice %arg11[%select_n3A_431, %scatter3A_1141, %scatter3A_1142] : memref<4x80x24xf32, #tpu.memory_space<vmem>> -> memref<1x80x24xf32, #tpu.memory_space<vmem>>
      %scatter3A_1144 = tpu.memref_squeeze %scatter3A_1143 : memref<1x80x24xf32, #tpu.memory_space<vmem>> -> memref<80x24xf32, #tpu.memory_space<vmem>>
      tpu.vector_store_idx %scatter3A_1144[%add3A_979, %broadcast_in_dim3A_1140], %get3A_1138 : memref<80x24xf32, #tpu.memory_space<vmem>>[vector<16xi32>, vector<16xi32>], vector<16xf32>,
      %get3A_1145 = arith.constant 15 : i32
      %get3A_1146 = arith.index_cast %select_n3A_431 : i32 to index
      %get3A_1147 = arith.index_cast %get3A_1145 : i32 to index
      %get3A_1148 = arith.constant 48 : index
      %get3A_1149 = tpu.vector_load %arg10[%get3A_1146, %get3A_1147, %get3A_1148] {strides = array<i32>} : memref<4x16x80xf32, #tpu.memory_space<vmem>>, vector<16xf32>,
      %broadcast_in_dim3A_1150 = arith.constant 15 : i32
      %broadcast_in_dim3A_1151 = vector.broadcast %broadcast_in_dim3A_1150 : i32 to vector<16xi32>
      %scatter3A_1152 = arith.constant 0 : i32
      %scatter3A_1153 = arith.constant 0 : i32
      %scatter3A_1154 = tpu.memref_slice %arg11[%select_n3A_431, %scatter3A_1152, %scatter3A_1153] : memref<4x80x24xf32, #tpu.memory_space<vmem>> -> memref<1x80x24xf32, #tpu.memory_space<vmem>>
      %scatter3A_1155 = tpu.memref_squeeze %scatter3A_1154 : memref<1x80x24xf32, #tpu.memory_space<vmem>> -> memref<80x24xf32, #tpu.memory_space<vmem>>
      tpu.vector_store_idx %scatter3A_1155[%add3A_979, %broadcast_in_dim3A_1151], %get3A_1149 : memref<80x24xf32, #tpu.memory_space<vmem>>[vector<16xi32>, vector<16xi32>], vector<16xf32>,
      %add3A_1156 = arith.constant 64 : i32
      %add3A_1157 = vector.broadcast %add3A_1156 : i32 to vector<16xi32>
      %add3A_1158 = arith.addi %add3A_1157, %iota3A : vector<16xi32>
      %get3A_1159 = arith.constant 0 : i32
      %get3A_1160 = arith.index_cast %select_n3A_431 : i32 to index
      %get3A_1161 = arith.index_cast %get3A_1159 : i32 to index
      %get3A_1162 = arith.constant 64 : index
      %get3A_1163 = tpu.vector_load %arg10[%get3A_1160, %get3A_1161, %get3A_1162] {strides = array<i32>} : memref<4x16x80xf32, #tpu.memory_space<vmem>>, vector<16xf32>,
      %broadcast_in_dim3A_1164 = arith.constant 0 : i32
      %broadcast_in_dim3A_1165 = vector.broadcast %broadcast_in_dim3A_1164 : i32 to vector<16xi32>
      %scatter3A_1166 = arith.constant 0 : i32
      %scatter3A_1167 = arith.constant 0 : i32
      %scatter3A_1168 = tpu.memref_slice %arg11[%select_n3A_431, %scatter3A_1166, %scatter3A_1167] : memref<4x80x24xf32, #tpu.memory_space<vmem>> -> memref<1x80x24xf32, #tpu.memory_space<vmem>>
      %scatter3A_1169 = tpu.memref_squeeze %scatter3A_1168 : memref<1x80x24xf32, #tpu.memory_space<vmem>> -> memref<80x24xf32, #tpu.memory_space<vmem>>
      tpu.vector_store_idx %scatter3A_1169[%add3A_1158, %broadcast_in_dim3A_1165], %get3A_1163 : memref<80x24xf32, #tpu.memory_space<vmem>>[vector<16xi32>, vector<16xi32>], vector<16xf32>,
      %get3A_1170 = arith.constant 1 : i32
      %get3A_1171 = arith.index_cast %select_n3A_431 : i32 to index
      %get3A_1172 = arith.index_cast %get3A_1170 : i32 to index
      %get3A_1173 = arith.constant 64 : index
      %get3A_1174 = tpu.vector_load %arg10[%get3A_1171, %get3A_1172, %get3A_1173] {strides = array<i32>} : memref<4x16x80xf32, #tpu.memory_space<vmem>>, vector<16xf32>,
      %broadcast_in_dim3A_1175 = arith.constant 1 : i32
      %broadcast_in_dim3A_1176 = vector.broadcast %broadcast_in_dim3A_1175 : i32 to vector<16xi32>
      %scatter3A_1177 = arith.constant 0 : i32
      %scatter3A_1178 = arith.constant 0 : i32
      %scatter3A_1179 = tpu.memref_slice %arg11[%select_n3A_431, %scatter3A_1177, %scatter3A_1178] : memref<4x80x24xf32, #tpu.memory_space<vmem>> -> memref<1x80x24xf32, #tpu.memory_space<vmem>>
      %scatter3A_1180 = tpu.memref_squeeze %scatter3A_1179 : memref<1x80x24xf32, #tpu.memory_space<vmem>> -> memref<80x24xf32, #tpu.memory_space<vmem>>
      tpu.vector_store_idx %scatter3A_1180[%add3A_1158, %broadcast_in_dim3A_1176], %get3A_1174 : memref<80x24xf32, #tpu.memory_space<vmem>>[vector<16xi32>, vector<16xi32>], vector<16xf32>,
      %get3A_1181 = arith.constant 2 : i32
      %get3A_1182 = arith.index_cast %select_n3A_431 : i32 to index
      %get3A_1183 = arith.index_cast %get3A_1181 : i32 to index
      %get3A_1184 = arith.constant 64 : index
      %get3A_1185 = tpu.vector_load %arg10[%get3A_1182, %get3A_1183, %get3A_1184] {strides = array<i32>} : memref<4x16x80xf32, #tpu.memory_space<vmem>>, vector<16xf32>,
      %broadcast_in_dim3A_1186 = arith.constant 2 : i32
      %broadcast_in_dim3A_1187 = vector.broadcast %broadcast_in_dim3A_1186 : i32 to vector<16xi32>
      %scatter3A_1188 = arith.constant 0 : i32
      %scatter3A_1189 = arith.constant 0 : i32
      %scatter3A_1190 = tpu.memref_slice %arg11[%select_n3A_431, %scatter3A_1188, %scatter3A_1189] : memref<4x80x24xf32, #tpu.memory_space<vmem>> -> memref<1x80x24xf32, #tpu.memory_space<vmem>>
      %scatter3A_1191 = tpu.memref_squeeze %scatter3A_1190 : memref<1x80x24xf32, #tpu.memory_space<vmem>> -> memref<80x24xf32, #tpu.memory_space<vmem>>
      tpu.vector_store_idx %scatter3A_1191[%add3A_1158, %broadcast_in_dim3A_1187], %get3A_1185 : memref<80x24xf32, #tpu.memory_space<vmem>>[vector<16xi32>, vector<16xi32>], vector<16xf32>,
      %get3A_1192 = arith.constant 3 : i32
      %get3A_1193 = arith.index_cast %select_n3A_431 : i32 to index
      %get3A_1194 = arith.index_cast %get3A_1192 : i32 to index
      %get3A_1195 = arith.constant 64 : index
      %get3A_1196 = tpu.vector_load %arg10[%get3A_1193, %get3A_1194, %get3A_1195] {strides = array<i32>} : memref<4x16x80xf32, #tpu.memory_space<vmem>>, vector<16xf32>,
      %broadcast_in_dim3A_1197 = arith.constant 3 : i32
      %broadcast_in_dim3A_1198 = vector.broadcast %broadcast_in_dim3A_1197 : i32 to vector<16xi32>
      %scatter3A_1199 = arith.constant 0 : i32
      %scatter3A_1200 = arith.constant 0 : i32
      %scatter3A_1201 = tpu.memref_slice %arg11[%select_n3A_431, %scatter3A_1199, %scatter3A_1200] : memref<4x80x24xf32, #tpu.memory_space<vmem>> -> memref<1x80x24xf32, #tpu.memory_space<vmem>>
      %scatter3A_1202 = tpu.memref_squeeze %scatter3A_1201 : memref<1x80x24xf32, #tpu.memory_space<vmem>> -> memref<80x24xf32, #tpu.memory_space<vmem>>
      tpu.vector_store_idx %scatter3A_1202[%add3A_1158, %broadcast_in_dim3A_1198], %get3A_1196 : memref<80x24xf32, #tpu.memory_space<vmem>>[vector<16xi32>, vector<16xi32>], vector<16xf32>,
      %get3A_1203 = arith.constant 4 : i32
      %get3A_1204 = arith.index_cast %select_n3A_431 : i32 to index
      %get3A_1205 = arith.index_cast %get3A_1203 : i32 to index
      %get3A_1206 = arith.constant 64 : index
      %get3A_1207 = tpu.vector_load %arg10[%get3A_1204, %get3A_1205, %get3A_1206] {strides = array<i32>} : memref<4x16x80xf32, #tpu.memory_space<vmem>>, vector<16xf32>,
      %broadcast_in_dim3A_1208 = arith.constant 4 : i32
      %broadcast_in_dim3A_1209 = vector.broadcast %broadcast_in_dim3A_1208 : i32 to vector<16xi32>
      %scatter3A_1210 = arith.constant 0 : i32
      %scatter3A_1211 = arith.constant 0 : i32
      %scatter3A_1212 = tpu.memref_slice %arg11[%select_n3A_431, %scatter3A_1210, %scatter3A_1211] : memref<4x80x24xf32, #tpu.memory_space<vmem>> -> memref<1x80x24xf32, #tpu.memory_space<vmem>>
      %scatter3A_1213 = tpu.memref_squeeze %scatter3A_1212 : memref<1x80x24xf32, #tpu.memory_space<vmem>> -> memref<80x24xf32, #tpu.memory_space<vmem>>
      tpu.vector_store_idx %scatter3A_1213[%add3A_1158, %broadcast_in_dim3A_1209], %get3A_1207 : memref<80x24xf32, #tpu.memory_space<vmem>>[vector<16xi32>, vector<16xi32>], vector<16xf32>,
      %get3A_1214 = arith.constant 5 : i32
      %get3A_1215 = arith.index_cast %select_n3A_431 : i32 to index
      %get3A_1216 = arith.index_cast %get3A_1214 : i32 to index
      %get3A_1217 = arith.constant 64 : index
      %get3A_1218 = tpu.vector_load %arg10[%get3A_1215, %get3A_1216, %get3A_1217] {strides = array<i32>} : memref<4x16x80xf32, #tpu.memory_space<vmem>>, vector<16xf32>,
      %broadcast_in_dim3A_1219 = arith.constant 5 : i32
      %broadcast_in_dim3A_1220 = vector.broadcast %broadcast_in_dim3A_1219 : i32 to vector<16xi32>
      %scatter3A_1221 = arith.constant 0 : i32
      %scatter3A_1222 = arith.constant 0 : i32
      %scatter3A_1223 = tpu.memref_slice %arg11[%select_n3A_431, %scatter3A_1221, %scatter3A_1222] : memref<4x80x24xf32, #tpu.memory_space<vmem>> -> memref<1x80x24xf32, #tpu.memory_space<vmem>>
      %scatter3A_1224 = tpu.memref_squeeze %scatter3A_1223 : memref<1x80x24xf32, #tpu.memory_space<vmem>> -> memref<80x24xf32, #tpu.memory_space<vmem>>
      tpu.vector_store_idx %scatter3A_1224[%add3A_1158, %broadcast_in_dim3A_1220], %get3A_1218 : memref<80x24xf32, #tpu.memory_space<vmem>>[vector<16xi32>, vector<16xi32>], vector<16xf32>,
      %get3A_1225 = arith.constant 6 : i32
      %get3A_1226 = arith.index_cast %select_n3A_431 : i32 to index
      %get3A_1227 = arith.index_cast %get3A_1225 : i32 to index
      %get3A_1228 = arith.constant 64 : index
      %get3A_1229 = tpu.vector_load %arg10[%get3A_1226, %get3A_1227, %get3A_1228] {strides = array<i32>} : memref<4x16x80xf32, #tpu.memory_space<vmem>>, vector<16xf32>,
      %broadcast_in_dim3A_1230 = arith.constant 6 : i32
      %broadcast_in_dim3A_1231 = vector.broadcast %broadcast_in_dim3A_1230 : i32 to vector<16xi32>
      %scatter3A_1232 = arith.constant 0 : i32
      %scatter3A_1233 = arith.constant 0 : i32
      %scatter3A_1234 = tpu.memref_slice %arg11[%select_n3A_431, %scatter3A_1232, %scatter3A_1233] : memref<4x80x24xf32, #tpu.memory_space<vmem>> -> memref<1x80x24xf32, #tpu.memory_space<vmem>>
      %scatter3A_1235 = tpu.memref_squeeze %scatter3A_1234 : memref<1x80x24xf32, #tpu.memory_space<vmem>> -> memref<80x24xf32, #tpu.memory_space<vmem>>
      tpu.vector_store_idx %scatter3A_1235[%add3A_1158, %broadcast_in_dim3A_1231], %get3A_1229 : memref<80x24xf32, #tpu.memory_space<vmem>>[vector<16xi32>, vector<16xi32>], vector<16xf32>,
      %get3A_1236 = arith.constant 7 : i32
      %get3A_1237 = arith.index_cast %select_n3A_431 : i32 to index
      %get3A_1238 = arith.index_cast %get3A_1236 : i32 to index
      %get3A_1239 = arith.constant 64 : index
      %get3A_1240 = tpu.vector_load %arg10[%get3A_1237, %get3A_1238, %get3A_1239] {strides = array<i32>} : memref<4x16x80xf32, #tpu.memory_space<vmem>>, vector<16xf32>,
      %broadcast_in_dim3A_1241 = arith.constant 7 : i32
      %broadcast_in_dim3A_1242 = vector.broadcast %broadcast_in_dim3A_1241 : i32 to vector<16xi32>
      %scatter3A_1243 = arith.constant 0 : i32
      %scatter3A_1244 = arith.constant 0 : i32
      %scatter3A_1245 = tpu.memref_slice %arg11[%select_n3A_431, %scatter3A_1243, %scatter3A_1244] : memref<4x80x24xf32, #tpu.memory_space<vmem>> -> memref<1x80x24xf32, #tpu.memory_space<vmem>>
      %scatter3A_1246 = tpu.memref_squeeze %scatter3A_1245 : memref<1x80x24xf32, #tpu.memory_space<vmem>> -> memref<80x24xf32, #tpu.memory_space<vmem>>
      tpu.vector_store_idx %scatter3A_1246[%add3A_1158, %broadcast_in_dim3A_1242], %get3A_1240 : memref<80x24xf32, #tpu.memory_space<vmem>>[vector<16xi32>, vector<16xi32>], vector<16xf32>,
      %get3A_1247 = arith.constant 8 : i32
      %get3A_1248 = arith.index_cast %select_n3A_431 : i32 to index
      %get3A_1249 = arith.index_cast %get3A_1247 : i32 to index
      %get3A_1250 = arith.constant 64 : index
      %get3A_1251 = tpu.vector_load %arg10[%get3A_1248, %get3A_1249, %get3A_1250] {strides = array<i32>} : memref<4x16x80xf32, #tpu.memory_space<vmem>>, vector<16xf32>,
      %broadcast_in_dim3A_1252 = arith.constant 8 : i32
      %broadcast_in_dim3A_1253 = vector.broadcast %broadcast_in_dim3A_1252 : i32 to vector<16xi32>
      %scatter3A_1254 = arith.constant 0 : i32
      %scatter3A_1255 = arith.constant 0 : i32
      %scatter3A_1256 = tpu.memref_slice %arg11[%select_n3A_431, %scatter3A_1254, %scatter3A_1255] : memref<4x80x24xf32, #tpu.memory_space<vmem>> -> memref<1x80x24xf32, #tpu.memory_space<vmem>>
      %scatter3A_1257 = tpu.memref_squeeze %scatter3A_1256 : memref<1x80x24xf32, #tpu.memory_space<vmem>> -> memref<80x24xf32, #tpu.memory_space<vmem>>
      tpu.vector_store_idx %scatter3A_1257[%add3A_1158, %broadcast_in_dim3A_1253], %get3A_1251 : memref<80x24xf32, #tpu.memory_space<vmem>>[vector<16xi32>, vector<16xi32>], vector<16xf32>,
      %get3A_1258 = arith.constant 9 : i32
      %get3A_1259 = arith.index_cast %select_n3A_431 : i32 to index
      %get3A_1260 = arith.index_cast %get3A_1258 : i32 to index
      %get3A_1261 = arith.constant 64 : index
      %get3A_1262 = tpu.vector_load %arg10[%get3A_1259, %get3A_1260, %get3A_1261] {strides = array<i32>} : memref<4x16x80xf32, #tpu.memory_space<vmem>>, vector<16xf32>,
      %broadcast_in_dim3A_1263 = arith.constant 9 : i32
      %broadcast_in_dim3A_1264 = vector.broadcast %broadcast_in_dim3A_1263 : i32 to vector<16xi32>
      %scatter3A_1265 = arith.constant 0 : i32
      %scatter3A_1266 = arith.constant 0 : i32
      %scatter3A_1267 = tpu.memref_slice %arg11[%select_n3A_431, %scatter3A_1265, %scatter3A_1266] : memref<4x80x24xf32, #tpu.memory_space<vmem>> -> memref<1x80x24xf32, #tpu.memory_space<vmem>>
      %scatter3A_1268 = tpu.memref_squeeze %scatter3A_1267 : memref<1x80x24xf32, #tpu.memory_space<vmem>> -> memref<80x24xf32, #tpu.memory_space<vmem>>
      tpu.vector_store_idx %scatter3A_1268[%add3A_1158, %broadcast_in_dim3A_1264], %get3A_1262 : memref<80x24xf32, #tpu.memory_space<vmem>>[vector<16xi32>, vector<16xi32>], vector<16xf32>,
      %get3A_1269 = arith.constant 10 : i32
      %get3A_1270 = arith.index_cast %select_n3A_431 : i32 to index
      %get3A_1271 = arith.index_cast %get3A_1269 : i32 to index
      %get3A_1272 = arith.constant 64 : index
      %get3A_1273 = tpu.vector_load %arg10[%get3A_1270, %get3A_1271, %get3A_1272] {strides = array<i32>} : memref<4x16x80xf32, #tpu.memory_space<vmem>>, vector<16xf32>,
      %broadcast_in_dim3A_1274 = arith.constant 10 : i32
      %broadcast_in_dim3A_1275 = vector.broadcast %broadcast_in_dim3A_1274 : i32 to vector<16xi32>
      %scatter3A_1276 = arith.constant 0 : i32
      %scatter3A_1277 = arith.constant 0 : i32
      %scatter3A_1278 = tpu.memref_slice %arg11[%select_n3A_431, %scatter3A_1276, %scatter3A_1277] : memref<4x80x24xf32, #tpu.memory_space<vmem>> -> memref<1x80x24xf32, #tpu.memory_space<vmem>>
      %scatter3A_1279 = tpu.memref_squeeze %scatter3A_1278 : memref<1x80x24xf32, #tpu.memory_space<vmem>> -> memref<80x24xf32, #tpu.memory_space<vmem>>
      tpu.vector_store_idx %scatter3A_1279[%add3A_1158, %broadcast_in_dim3A_1275], %get3A_1273 : memref<80x24xf32, #tpu.memory_space<vmem>>[vector<16xi32>, vector<16xi32>], vector<16xf32>,
      %get3A_1280 = arith.constant 11 : i32
      %get3A_1281 = arith.index_cast %select_n3A_431 : i32 to index
      %get3A_1282 = arith.index_cast %get3A_1280 : i32 to index
      %get3A_1283 = arith.constant 64 : index
      %get3A_1284 = tpu.vector_load %arg10[%get3A_1281, %get3A_1282, %get3A_1283] {strides = array<i32>} : memref<4x16x80xf32, #tpu.memory_space<vmem>>, vector<16xf32>,
      %broadcast_in_dim3A_1285 = arith.constant 11 : i32
      %broadcast_in_dim3A_1286 = vector.broadcast %broadcast_in_dim3A_1285 : i32 to vector<16xi32>
      %scatter3A_1287 = arith.constant 0 : i32
      %scatter3A_1288 = arith.constant 0 : i32
      %scatter3A_1289 = tpu.memref_slice %arg11[%select_n3A_431, %scatter3A_1287, %scatter3A_1288] : memref<4x80x24xf32, #tpu.memory_space<vmem>> -> memref<1x80x24xf32, #tpu.memory_space<vmem>>
      %scatter3A_1290 = tpu.memref_squeeze %scatter3A_1289 : memref<1x80x24xf32, #tpu.memory_space<vmem>> -> memref<80x24xf32, #tpu.memory_space<vmem>>
      tpu.vector_store_idx %scatter3A_1290[%add3A_1158, %broadcast_in_dim3A_1286], %get3A_1284 : memref<80x24xf32, #tpu.memory_space<vmem>>[vector<16xi32>, vector<16xi32>], vector<16xf32>,
      %get3A_1291 = arith.constant 12 : i32
      %get3A_1292 = arith.index_cast %select_n3A_431 : i32 to index
      %get3A_1293 = arith.index_cast %get3A_1291 : i32 to index
      %get3A_1294 = arith.constant 64 : index
      %get3A_1295 = tpu.vector_load %arg10[%get3A_1292, %get3A_1293, %get3A_1294] {strides = array<i32>} : memref<4x16x80xf32, #tpu.memory_space<vmem>>, vector<16xf32>,
      %broadcast_in_dim3A_1296 = arith.constant 12 : i32
      %broadcast_in_dim3A_1297 = vector.broadcast %broadcast_in_dim3A_1296 : i32 to vector<16xi32>
      %scatter3A_1298 = arith.constant 0 : i32
      %scatter3A_1299 = arith.constant 0 : i32
      %scatter3A_1300 = tpu.memref_slice %arg11[%select_n3A_431, %scatter3A_1298, %scatter3A_1299] : memref<4x80x24xf32, #tpu.memory_space<vmem>> -> memref<1x80x24xf32, #tpu.memory_space<vmem>>
      %scatter3A_1301 = tpu.memref_squeeze %scatter3A_1300 : memref<1x80x24xf32, #tpu.memory_space<vmem>> -> memref<80x24xf32, #tpu.memory_space<vmem>>
      tpu.vector_store_idx %scatter3A_1301[%add3A_1158, %broadcast_in_dim3A_1297], %get3A_1295 : memref<80x24xf32, #tpu.memory_space<vmem>>[vector<16xi32>, vector<16xi32>], vector<16xf32>,
      %get3A_1302 = arith.constant 13 : i32
      %get3A_1303 = arith.index_cast %select_n3A_431 : i32 to index
      %get3A_1304 = arith.index_cast %get3A_1302 : i32 to index
      %get3A_1305 = arith.constant 64 : index
      %get3A_1306 = tpu.vector_load %arg10[%get3A_1303, %get3A_1304, %get3A_1305] {strides = array<i32>} : memref<4x16x80xf32, #tpu.memory_space<vmem>>, vector<16xf32>,
      %broadcast_in_dim3A_1307 = arith.constant 13 : i32
      %broadcast_in_dim3A_1308 = vector.broadcast %broadcast_in_dim3A_1307 : i32 to vector<16xi32>
      %scatter3A_1309 = arith.constant 0 : i32
      %scatter3A_1310 = arith.constant 0 : i32
      %scatter3A_1311 = tpu.memref_slice %arg11[%select_n3A_431, %scatter3A_1309, %scatter3A_1310] : memref<4x80x24xf32, #tpu.memory_space<vmem>> -> memref<1x80x24xf32, #tpu.memory_space<vmem>>
      %scatter3A_1312 = tpu.memref_squeeze %scatter3A_1311 : memref<1x80x24xf32, #tpu.memory_space<vmem>> -> memref<80x24xf32, #tpu.memory_space<vmem>>
      tpu.vector_store_idx %scatter3A_1312[%add3A_1158, %broadcast_in_dim3A_1308], %get3A_1306 : memref<80x24xf32, #tpu.memory_space<vmem>>[vector<16xi32>, vector<16xi32>], vector<16xf32>,
      %get3A_1313 = arith.constant 14 : i32
      %get3A_1314 = arith.index_cast %select_n3A_431 : i32 to index
      %get3A_1315 = arith.index_cast %get3A_1313 : i32 to index
      %get3A_1316 = arith.constant 64 : index
      %get3A_1317 = tpu.vector_load %arg10[%get3A_1314, %get3A_1315, %get3A_1316] {strides = array<i32>} : memref<4x16x80xf32, #tpu.memory_space<vmem>>, vector<16xf32>,
      %broadcast_in_dim3A_1318 = arith.constant 14 : i32
      %broadcast_in_dim3A_1319 = vector.broadcast %broadcast_in_dim3A_1318 : i32 to vector<16xi32>
      %scatter3A_1320 = arith.constant 0 : i32
      %scatter3A_1321 = arith.constant 0 : i32
      %scatter3A_1322 = tpu.memref_slice %arg11[%select_n3A_431, %scatter3A_1320, %scatter3A_1321] : memref<4x80x24xf32, #tpu.memory_space<vmem>> -> memref<1x80x24xf32, #tpu.memory_space<vmem>>
      %scatter3A_1323 = tpu.memref_squeeze %scatter3A_1322 : memref<1x80x24xf32, #tpu.memory_space<vmem>> -> memref<80x24xf32, #tpu.memory_space<vmem>>
      tpu.vector_store_idx %scatter3A_1323[%add3A_1158, %broadcast_in_dim3A_1319], %get3A_1317 : memref<80x24xf32, #tpu.memory_space<vmem>>[vector<16xi32>, vector<16xi32>], vector<16xf32>,
      %get3A_1324 = arith.constant 15 : i32
      %get3A_1325 = arith.index_cast %select_n3A_431 : i32 to index
      %get3A_1326 = arith.index_cast %get3A_1324 : i32 to index
      %get3A_1327 = arith.constant 64 : index
      %get3A_1328 = tpu.vector_load %arg10[%get3A_1325, %get3A_1326, %get3A_1327] {strides = array<i32>} : memref<4x16x80xf32, #tpu.memory_space<vmem>>, vector<16xf32>,
      %broadcast_in_dim3A_1329 = arith.constant 15 : i32
      %broadcast_in_dim3A_1330 = vector.broadcast %broadcast_in_dim3A_1329 : i32 to vector<16xi32>
      %scatter3A_1331 = arith.constant 0 : i32
      %scatter3A_1332 = arith.constant 0 : i32
      %scatter3A_1333 = tpu.memref_slice %arg11[%select_n3A_431, %scatter3A_1331, %scatter3A_1332] : memref<4x80x24xf32, #tpu.memory_space<vmem>> -> memref<1x80x24xf32, #tpu.memory_space<vmem>>
      %scatter3A_1334 = tpu.memref_squeeze %scatter3A_1333 : memref<1x80x24xf32, #tpu.memory_space<vmem>> -> memref<80x24xf32, #tpu.memory_space<vmem>>
      tpu.vector_store_idx %scatter3A_1334[%add3A_1158, %broadcast_in_dim3A_1330], %get3A_1328 : memref<80x24xf32, #tpu.memory_space<vmem>>[vector<16xi32>, vector<16xi32>], vector<16xf32>,
      %dma_wait3A_1335 = arith.constant 0 : i32
      %dma_wait3A_1336 = arith.constant 0 : i32
      %dma_wait3A_1337 = arith.constant 0 : i32
      %dma_wait3A_1338 = tpu.memref_slice %arg12[%select_n3A_397, %dma_wait3A_1336, %dma_wait3A_1337] : memref<2x80x128xf32, #tpu.memory_space<vmem>> -> memref<1x80x128xf32, #tpu.memory_space<vmem>>
      %dma_wait3A_1339 = tpu.memref_squeeze %dma_wait3A_1338 : memref<1x80x128xf32, #tpu.memory_space<vmem>> -> memref<80x128xf32, #tpu.memory_space<vmem>>
      %dma_wait3A_1340 = arith.constant 0 : i32
      %dma_wait3A_1341 = tpu.memref_slice %arg9[%select_n3A_431, %dma_wait3A_1335, %dma_wait3A_1340] : memref<4x2x80xi32, #tpu.memory_space<vmem>> -> memref<1x1x80xi32, #tpu.memory_space<vmem>>
      %dma_wait3A_1342 = tpu.memref_squeeze %dma_wait3A_1341 : memref<1x1x80xi32, #tpu.memory_space<vmem>> -> memref<80xi32, #tpu.memory_space<vmem>>
      %dma_wait3A_1343 = arith.constant 0 : i32
      %dma_wait3A_1344 = arith.constant 0 : i32
      %dma_wait3A_1345 = tpu.memref_slice %arg2[%dma_wait3A_1343, %dma_wait3A_1344] : memref<10000x128xf32, #tpu.memory_space<hbm>> -> memref<10000x128xf32, #tpu.memory_space<hbm>>
      %dma_wait3A_1346 = tpu.memref_slice %arg14[%select_n3A_397] : memref<2x!tpu.dma_semaphore, #tpu.memory_space<semaphore_mem>> -> memref<1x!tpu.dma_semaphore, #tpu.memory_space<semaphore_mem>>
      %dma_wait3A_1347 = tpu.memref_squeeze %dma_wait3A_1346 : memref<1x!tpu.dma_semaphore, #tpu.memory_space<semaphore_mem>> -> memref<!tpu.dma_semaphore, #tpu.memory_space<semaphore_mem>>
      tpu.wait_indirect_dma semaphore(%dma_wait3A_1347 : memref<!tpu.dma_semaphore, #tpu.memory_space<semaphore_mem>>) src(%dma_wait3A_1345 : memref<10000x128xf32, #tpu.memory_space<hbm>>) dst(%dma_wait3A_1339 : memref<80x128xf32, #tpu.memory_space<vmem>>)
      %dma_start3A_1348 = arith.constant 1 : i32
      %dma_start3A_1349 = arith.constant 0 : i32
      %dma_start3A_1350 = arith.constant 0 : i32
      %dma_start3A_1351 = tpu.memref_slice %arg12[%select_n3A_397, %dma_start3A_1349, %dma_start3A_1350] : memref<2x80x128xf32, #tpu.memory_space<vmem>> -> memref<1x80x128xf32, #tpu.memory_space<vmem>>
      %dma_start3A_1352 = tpu.memref_squeeze %dma_start3A_1351 : memref<1x80x128xf32, #tpu.memory_space<vmem>> -> memref<80x128xf32, #tpu.memory_space<vmem>>
      %dma_start3A_1353 = arith.constant 0 : i32
      %dma_start3A_1354 = tpu.memref_slice %arg9[%select_n3A_431, %dma_start3A_1348, %dma_start3A_1353] : memref<4x2x80xi32, #tpu.memory_space<vmem>> -> memref<1x1x80xi32, #tpu.memory_space<vmem>>
      %dma_start3A_1355 = tpu.memref_squeeze %dma_start3A_1354 : memref<1x1x80xi32, #tpu.memory_space<vmem>> -> memref<80xi32, #tpu.memory_space<vmem>>
      %dma_start3A_1356 = arith.constant 0 : i32
      %dma_start3A_1357 = arith.constant 0 : i32
      %dma_start3A_1358 = tpu.memref_slice %arg7[%dma_start3A_1356, %dma_start3A_1357] : memref<10112x128xf32, #tpu.memory_space<vmem_shared>> -> memref<10112x128xf32, #tpu.memory_space<vmem_shared>>
      %dma_start3A_1359 = tpu.memref_slice %arg15[%select_n3A_431] : memref<4x!tpu.dma_semaphore, #tpu.memory_space<semaphore_mem>> -> memref<1x!tpu.dma_semaphore, #tpu.memory_space<semaphore_mem>>
      %dma_start3A_1360 = tpu.memref_squeeze %dma_start3A_1359 : memref<1x!tpu.dma_semaphore, #tpu.memory_space<semaphore_mem>> -> memref<!tpu.dma_semaphore, #tpu.memory_space<semaphore_mem>>
      tpu.enqueue_indirect_dma source(%dma_start3A_1352 : memref<80x128xf32, #tpu.memory_space<vmem>>) target(%dma_start3A_1358 : memref<10112x128xf32, #tpu.memory_space<vmem_shared>>) offsets(%dma_start3A_1355 : memref<80xi32, #tpu.memory_space<vmem>>) semaphore(%dma_start3A_1360 : memref<!tpu.dma_semaphore, #tpu.memory_space<semaphore_mem>>) {add = true}
      %dma_start3A_1361 = arith.constant 1 : i32
      %dma_start3A_1362 = arith.constant 0 : i32
      %dma_start3A_1363 = arith.constant 0 : i32
      %dma_start3A_1364 = tpu.memref_slice %arg11[%select_n3A_431, %dma_start3A_1362, %dma_start3A_1363] : memref<4x80x24xf32, #tpu.memory_space<vmem>> -> memref<1x80x24xf32, #tpu.memory_space<vmem>>
      %dma_start3A_1365 = tpu.memref_squeeze %dma_start3A_1364 : memref<1x80x24xf32, #tpu.memory_space<vmem>> -> memref<80x24xf32, #tpu.memory_space<vmem>>
      %dma_start3A_1366 = arith.constant 0 : i32
      %dma_start3A_1367 = tpu.memref_slice %arg9[%select_n3A_431, %dma_start3A_1361, %dma_start3A_1366] : memref<4x2x80xi32, #tpu.memory_space<vmem>> -> memref<1x1x80xi32, #tpu.memory_space<vmem>>
      %dma_start3A_1368 = tpu.memref_squeeze %dma_start3A_1367 : memref<1x1x80xi32, #tpu.memory_space<vmem>> -> memref<80xi32, #tpu.memory_space<vmem>>
      %dma_start3A_1369 = arith.constant 0 : i32
      %dma_start3A_1370 = arith.constant 0 : i32
      %dma_start3A_1371 = tpu.memref_slice %arg8[%dma_start3A_1369, %dma_start3A_1370] : memref<10112x24xf32, #tpu.memory_space<vmem_shared>> -> memref<10112x24xf32, #tpu.memory_space<vmem_shared>>
      %dma_start3A_1372 = tpu.memref_slice %arg15[%select_n3A_431] : memref<4x!tpu.dma_semaphore, #tpu.memory_space<semaphore_mem>> -> memref<1x!tpu.dma_semaphore, #tpu.memory_space<semaphore_mem>>
      %dma_start3A_1373 = tpu.memref_squeeze %dma_start3A_1372 : memref<1x!tpu.dma_semaphore, #tpu.memory_space<semaphore_mem>> -> memref<!tpu.dma_semaphore, #tpu.memory_space<semaphore_mem>>
      tpu.enqueue_indirect_dma source(%dma_start3A_1365 : memref<80x24xf32, #tpu.memory_space<vmem>>) target(%dma_start3A_1371 : memref<10112x24xf32, #tpu.memory_space<vmem_shared>>) offsets(%dma_start3A_1368 : memref<80xi32, #tpu.memory_space<vmem>>) semaphore(%dma_start3A_1373 : memref<!tpu.dma_semaphore, #tpu.memory_space<semaphore_mem>>) {add = true}
      %add3A_1374 = arith.constant 2 : i32
      %add3A_1375 = arith.addi %scan3A_387, %add3A_1374 : i32
      %lt3A_1376 = arith.constant 125 : i32
      %lt3A_1377 = arith.cmpi slt, %add3A_1375, %lt3A_1376 : i32
      %convert_element_type3A_1378 = arith.extui %lt3A_1377 : i1 to i32
      %cond3A_1379 = arith.constant 0 : i32
      %cond3A_1380 = arith.cmpi ne, %convert_element_type3A_1378, %cond3A_1379 : i32
      scf.if %cond3A_1380 {
        %add3A_1382 = arith.constant 2 : i32
        %add3A_1383 = arith.addi %scan3A_387, %add3A_1382 : i32
        %add3A_1384 = arith.constant 2 : i32
        %add3A_1385 = arith.addi %scan3A_387, %add3A_1384 : i32
        %jit3A_1386 = arith.constant 4 : i32
        %eq3A_1387 = arith.constant 0 : i32
        %eq3A_1388 = arith.cmpi eq, %jit3A_1386, %eq3A_1387 : i32
        %jit3A_1389 = arith.constant 1 : i32
        %select_n3A_1390 = arith.select %eq3A_1388, %jit3A_1389, %jit3A_1386 : i32
        %rem3A_1391 = arith.remsi %add3A_1385, %select_n3A_1390 : i32
        %ne3A_1392 = arith.constant 0 : i32
        %ne3A_1393 = arith.cmpi ne, %rem3A_1391, %ne3A_1392 : i32
        %lt3A_1394 = arith.constant 0 : i32
        %lt3A_1395 = arith.cmpi slt, %rem3A_1391, %lt3A_1394 : i32
        %lt3A_1396 = arith.constant 0 : i32
        %lt3A_1397 = arith.cmpi slt, %select_n3A_1390, %lt3A_1396 : i32
        %ne3A_1398 = arith.xori %lt3A_1395, %lt3A_1397 : i1
        %and3A_1399 = arith.andi %ne3A_1398, %ne3A_1393 : i1
        %add3A_1400 = arith.addi %rem3A_1391, %select_n3A_1390 : i32
        %select_n3A_1401 = arith.select %and3A_1399, %add3A_1400, %rem3A_1391 : i32
        %mul3A_1402 = arith.constant 80 : i32
        %mul3A_1403 = arith.muli %add3A_1383, %mul3A_1402 : i32
        %add3A_1404 = arith.addi %mul3A_226, %mul3A_1403 : i32
        %dma_start3A_1405 = arith.constant 0 : i32
        %dma_start3A_1406 = arith.constant 0 : i32
        %dma_start3A_1407 = tpu.memref_slice %arg9[%select_n3A_1401, %dma_start3A_1405, %dma_start3A_1406] : memref<4x2x80xi32, #tpu.memory_space<vmem>> -> memref<1x2x80xi32, #tpu.memory_space<vmem>>
        %dma_start3A_1408 = tpu.memref_squeeze %dma_start3A_1407 : memref<1x2x80xi32, #tpu.memory_space<vmem>> -> memref<2x80xi32, #tpu.memory_space<vmem>>
        %dma_start3A_1409 = arith.constant 0 : i32
        %dma_start3A_1410 = tpu.memref_slice %arg3[%dma_start3A_1409, %add3A_1404] : memref<2x320000xi32, #tpu.memory_space<hbm>> -> memref<2x80xi32, #tpu.memory_space<hbm>>
        %dma_start3A_1411 = tpu.memref_slice %arg13[%select_n3A_1401] : memref<4x!tpu.dma_semaphore, #tpu.memory_space<semaphore_mem>> -> memref<1x!tpu.dma_semaphore, #tpu.memory_space<semaphore_mem>>
        %dma_start3A_1412 = tpu.memref_squeeze %dma_start3A_1411 : memref<1x!tpu.dma_semaphore, #tpu.memory_space<semaphore_mem>> -> memref<!tpu.dma_semaphore, #tpu.memory_space<semaphore_mem>>
        %dma_start3A_1413 = arith.constant 0 : i32
        %dma_start3A_1414 = arith.constant 0 : i32
        %dma_start3A_1415 = tpu.memref_slice %arg9[%select_n3A_1401, %dma_start3A_1413, %dma_start3A_1414] : memref<4x2x80xi32, #tpu.memory_space<vmem>> -> memref<1x2x80xi32, #tpu.memory_space<vmem>>
        %dma_start3A_1416 = tpu.memref_squeeze %dma_start3A_1415 : memref<1x2x80xi32, #tpu.memory_space<vmem>> -> memref<2x80xi32, #tpu.memory_space<vmem>>
        %dma_start3A_1417 = arith.constant 0 : i32
        %dma_start3A_1418 = tpu.memref_slice %arg3[%dma_start3A_1417, %add3A_1404] : memref<2x320000xi32, #tpu.memory_space<hbm>> -> memref<2x80xi32, #tpu.memory_space<hbm>>
        tpu.enqueue_dma source(%dma_start3A_1418 : memref<2x80xi32, #tpu.memory_space<hbm>>) target(%dma_start3A_1416 : memref<2x80xi32, #tpu.memory_space<vmem>>) target_semaphore(%dma_start3A_1412 : memref<!tpu.dma_semaphore, #tpu.memory_space<semaphore_mem>>)
        %dma_start3A_1419 = arith.constant 0 : i32
        %dma_start3A_1420 = arith.constant 0 : i32
        %dma_start3A_1421 = tpu.memref_slice %arg10[%select_n3A_1401, %dma_start3A_1419, %dma_start3A_1420] : memref<4x16x80xf32, #tpu.memory_space<vmem>> -> memref<1x16x80xf32, #tpu.memory_space<vmem>>
        %dma_start3A_1422 = tpu.memref_squeeze %dma_start3A_1421 : memref<1x16x80xf32, #tpu.memory_space<vmem>> -> memref<16x80xf32, #tpu.memory_space<vmem>>
        %dma_start3A_1423 = arith.constant 0 : i32
        %dma_start3A_1424 = tpu.memref_slice %arg4[%dma_start3A_1423, %add3A_1404] : memref<16x320000xf32, #tpu.memory_space<hbm>> -> memref<16x80xf32, #tpu.memory_space<hbm>>
        %dma_start3A_1425 = tpu.memref_slice %arg13[%select_n3A_1401] : memref<4x!tpu.dma_semaphore, #tpu.memory_space<semaphore_mem>> -> memref<1x!tpu.dma_semaphore, #tpu.memory_space<semaphore_mem>>
        %dma_start3A_1426 = tpu.memref_squeeze %dma_start3A_1425 : memref<1x!tpu.dma_semaphore, #tpu.memory_space<semaphore_mem>> -> memref<!tpu.dma_semaphore, #tpu.memory_space<semaphore_mem>>
        %dma_start3A_1427 = arith.constant 0 : i32
        %dma_start3A_1428 = arith.constant 0 : i32
        %dma_start3A_1429 = tpu.memref_slice %arg10[%select_n3A_1401, %dma_start3A_1427, %dma_start3A_1428] : memref<4x16x80xf32, #tpu.memory_space<vmem>> -> memref<1x16x80xf32, #tpu.memory_space<vmem>>
        %dma_start3A_1430 = tpu.memref_squeeze %dma_start3A_1429 : memref<1x16x80xf32, #tpu.memory_space<vmem>> -> memref<16x80xf32, #tpu.memory_space<vmem>>
        %dma_start3A_1431 = arith.constant 0 : i32
        %dma_start3A_1432 = tpu.memref_slice %arg4[%dma_start3A_1431, %add3A_1404] : memref<16x320000xf32, #tpu.memory_space<hbm>> -> memref<16x80xf32, #tpu.memory_space<hbm>>
        tpu.enqueue_dma source(%dma_start3A_1432 : memref<16x80xf32, #tpu.memory_space<hbm>>) target(%dma_start3A_1430 : memref<16x80xf32, #tpu.memory_space<vmem>>) target_semaphore(%dma_start3A_1426 : memref<!tpu.dma_semaphore, #tpu.memory_space<semaphore_mem>>)
      } else {
      }
      %scan3A_1381 = arith.constant 0 : i32
      scf.yield %scan3A_1381 : i32
    }
    %scan3A_351 = arith.constant 125 : i32
    %dma_wait3A_352 = arith.constant 0 : i32
    %dma_wait3A_353 = arith.constant 0 : i32
    %dma_wait3A_354 = arith.constant 1 : i32
    %dma_wait3A_355 = arith.constant 0 : i32
    %dma_wait3A_356 = arith.constant 0 : i32
    %dma_wait3A_357 = arith.constant 0 : i32
    %dma_wait3A_358 = tpu.memref_slice %arg12[%dma_wait3A_352, %dma_wait3A_356, %dma_wait3A_357] : memref<2x80x128xf32, #tpu.memory_space<vmem>> -> memref<1x80x128xf32, #tpu.memory_space<vmem>>
    %dma_wait3A_359 = tpu.memref_squeeze %dma_wait3A_358 : memref<1x80x128xf32, #tpu.memory_space<vmem>> -> memref<80x128xf32, #tpu.memory_space<vmem>>
    %dma_wait3A_360 = arith.constant 0 : i32
    %dma_wait3A_361 = tpu.memref_slice %arg9[%dma_wait3A_353, %dma_wait3A_354, %dma_wait3A_360] : memref<4x2x80xi32, #tpu.memory_space<vmem>> -> memref<1x1x80xi32, #tpu.memory_space<vmem>>
    %dma_wait3A_362 = tpu.memref_squeeze %dma_wait3A_361 : memref<1x1x80xi32, #tpu.memory_space<vmem>> -> memref<80xi32, #tpu.memory_space<vmem>>
    %dma_wait3A_363 = arith.constant 0 : i32
    %dma_wait3A_364 = arith.constant 0 : i32
    %dma_wait3A_365 = tpu.memref_slice %arg7[%dma_wait3A_363, %dma_wait3A_364] : memref<10112x128xf32, #tpu.memory_space<vmem_shared>> -> memref<10112x128xf32, #tpu.memory_space<vmem_shared>>
    %dma_wait3A_366 = tpu.memref_slice %arg15[%dma_wait3A_355] : memref<4x!tpu.dma_semaphore, #tpu.memory_space<semaphore_mem>> -> memref<1x!tpu.dma_semaphore, #tpu.memory_space<semaphore_mem>>
    %dma_wait3A_367 = tpu.memref_squeeze %dma_wait3A_366 : memref<1x!tpu.dma_semaphore, #tpu.memory_space<semaphore_mem>> -> memref<!tpu.dma_semaphore, #tpu.memory_space<semaphore_mem>>
    tpu.wait_indirect_dma semaphore(%dma_wait3A_367 : memref<!tpu.dma_semaphore, #tpu.memory_space<semaphore_mem>>) src(%dma_wait3A_359 : memref<80x128xf32, #tpu.memory_space<vmem>>) dst(%dma_wait3A_365 : memref<10112x128xf32, #tpu.memory_space<vmem_shared>>)
    %dma_wait3A_368 = arith.constant 0 : i32
    %dma_wait3A_369 = arith.constant 0 : i32
    %dma_wait3A_370 = arith.constant 1 : i32
    %dma_wait3A_371 = arith.constant 0 : i32
    %dma_wait3A_372 = arith.constant 0 : i32
    %dma_wait3A_373 = arith.constant 0 : i32
    %dma_wait3A_374 = tpu.memref_slice %arg11[%dma_wait3A_368, %dma_wait3A_372, %dma_wait3A_373] : memref<4x80x24xf32, #tpu.memory_space<vmem>> -> memref<1x80x24xf32, #tpu.memory_space<vmem>>
    %dma_wait3A_375 = tpu.memref_squeeze %dma_wait3A_374 : memref<1x80x24xf32, #tpu.memory_space<vmem>> -> memref<80x24xf32, #tpu.memory_space<vmem>>
    %dma_wait3A_376 = arith.constant 0 : i32
    %dma_wait3A_377 = tpu.memref_slice %arg9[%dma_wait3A_369, %dma_wait3A_370, %dma_wait3A_376] : memref<4x2x80xi32, #tpu.memory_space<vmem>> -> memref<1x1x80xi32, #tpu.memory_space<vmem>>
    %dma_wait3A_378 = tpu.memref_squeeze %dma_wait3A_377 : memref<1x1x80xi32, #tpu.memory_space<vmem>> -> memref<80xi32, #tpu.memory_space<vmem>>
    %dma_wait3A_379 = arith.constant 0 : i32
    %dma_wait3A_380 = arith.constant 0 : i32
    %dma_wait3A_381 = tpu.memref_slice %arg8[%dma_wait3A_379, %dma_wait3A_380] : memref<10112x24xf32, #tpu.memory_space<vmem_shared>> -> memref<10112x24xf32, #tpu.memory_space<vmem_shared>>
    %dma_wait3A_382 = tpu.memref_slice %arg15[%dma_wait3A_371] : memref<4x!tpu.dma_semaphore, #tpu.memory_space<semaphore_mem>> -> memref<1x!tpu.dma_semaphore, #tpu.memory_space<semaphore_mem>>
    %dma_wait3A_383 = tpu.memref_squeeze %dma_wait3A_382 : memref<1x!tpu.dma_semaphore, #tpu.memory_space<semaphore_mem>> -> memref<!tpu.dma_semaphore, #tpu.memory_space<semaphore_mem>>
    tpu.wait_indirect_dma semaphore(%dma_wait3A_383 : memref<!tpu.dma_semaphore, #tpu.memory_space<semaphore_mem>>) src(%dma_wait3A_375 : memref<80x24xf32, #tpu.memory_space<vmem>>) dst(%dma_wait3A_381 : memref<10112x24xf32, #tpu.memory_space<vmem_shared>>)
    %barrier3A_384 = arith.constant 0 : index
    tpu.barrier barrier_id(%barrier3A_384)
    %mul3A_385 = arith.constant 632 : i32
    %mul3A_386 = arith.muli %arg1, %mul3A_385 : i32
    "tpu.region"() ({
      %run_scoped3A_387 = tpu.sem_alloc : memref<!tpu.dma_semaphore, #tpu.memory_space<semaphore_mem>>
      %dma_start3A_388 = arith.constant 0 : i32
      %dma_start3A_389 = tpu.memref_slice %arg5[%arg0, %mul3A_386, %dma_start3A_388] : memref<2x10112x128xf32, #tpu.memory_space<hbm>> -> memref<1x632x128xf32, #tpu.memory_space<hbm>>
      %dma_start3A_390 = tpu.memref_squeeze %dma_start3A_389 : memref<1x632x128xf32, #tpu.memory_space<hbm>> -> memref<632x128xf32, #tpu.memory_space<hbm>>
      %dma_start3A_391 = arith.constant 0 : i32
      %dma_start3A_392 = tpu.memref_slice %arg7[%mul3A_386, %dma_start3A_391] : memref<10112x128xf32, #tpu.memory_space<vmem_shared>> -> memref<632x128xf32, #tpu.memory_space<vmem_shared>>
      tpu.enqueue_dma source(%dma_start3A_392 : memref<632x128xf32, #tpu.memory_space<vmem_shared>>) target(%dma_start3A_390 : memref<632x128xf32, #tpu.memory_space<hbm>>) target_semaphore(%run_scoped3A_387 : memref<!tpu.dma_semaphore, #tpu.memory_space<semaphore_mem>>)
      %dma_wait3A_393 = arith.constant 0 : i32
      %dma_wait3A_394 = tpu.memref_slice %arg5[%arg0, %mul3A_386, %dma_wait3A_393] : memref<2x10112x128xf32, #tpu.memory_space<hbm>> -> memref<1x632x128xf32, #tpu.memory_space<hbm>>
      %dma_wait3A_395 = tpu.memref_squeeze %dma_wait3A_394 : memref<1x632x128xf32, #tpu.memory_space<hbm>> -> memref<632x128xf32, #tpu.memory_space<hbm>>
      %dma_wait3A_396 = arith.constant 0 : i32
      %dma_wait3A_397 = tpu.memref_slice %arg7[%mul3A_386, %dma_wait3A_396] : memref<10112x128xf32, #tpu.memory_space<vmem_shared>> -> memref<632x128xf32, #tpu.memory_space<vmem_shared>>
      tpu.wait_dma2 semaphore(%run_scoped3A_387 : memref<!tpu.dma_semaphore, #tpu.memory_space<semaphore_mem>>) src(%dma_wait3A_397 : memref<632x128xf32, #tpu.memory_space<vmem_shared>>) dst(%dma_wait3A_395 : memref<632x128xf32, #tpu.memory_space<hbm>>)
      tpu.yield
    }) : () -> ()
    "tpu.region"() ({
      %run_scoped3A_387 = tpu.sem_alloc : memref<!tpu.dma_semaphore, #tpu.memory_space<semaphore_mem>>
      %dma_start3A_388 = arith.constant 0 : i32
      %dma_start3A_389 = tpu.memref_slice %arg6[%arg0, %mul3A_386, %dma_start3A_388] : memref<2x10112x24xf32, #tpu.memory_space<hbm>> -> memref<1x632x24xf32, #tpu.memory_space<hbm>>
      %dma_start3A_390 = tpu.memref_squeeze %dma_start3A_389 : memref<1x632x24xf32, #tpu.memory_space<hbm>> -> memref<632x24xf32, #tpu.memory_space<hbm>>
      %dma_start3A_391 = arith.constant 0 : i32
      %dma_start3A_392 = tpu.memref_slice %arg8[%mul3A_386, %dma_start3A_391] : memref<10112x24xf32, #tpu.memory_space<vmem_shared>> -> memref<632x24xf32, #tpu.memory_space<vmem_shared>>
      tpu.enqueue_dma source(%dma_start3A_392 : memref<632x24xf32, #tpu.memory_space<vmem_shared>>) target(%dma_start3A_390 : memref<632x24xf32, #tpu.memory_space<hbm>>) target_semaphore(%run_scoped3A_387 : memref<!tpu.dma_semaphore, #tpu.memory_space<semaphore_mem>>)
      %dma_wait3A_393 = arith.constant 0 : i32
      %dma_wait3A_394 = tpu.memref_slice %arg6[%arg0, %mul3A_386, %dma_wait3A_393] : memref<2x10112x24xf32, #tpu.memory_space<hbm>> -> memref<1x632x24xf32, #tpu.memory_space<hbm>>
      %dma_wait3A_395 = tpu.memref_squeeze %dma_wait3A_394 : memref<1x632x24xf32, #tpu.memory_space<hbm>> -> memref<632x24xf32, #tpu.memory_space<hbm>>
      %dma_wait3A_396 = arith.constant 0 : i32
      %dma_wait3A_397 = tpu.memref_slice %arg8[%mul3A_386, %dma_wait3A_396] : memref<10112x24xf32, #tpu.memory_space<vmem_shared>> -> memref<632x24xf32, #tpu.memory_space<vmem_shared>>
      tpu.wait_dma2 semaphore(%run_scoped3A_387 : memref<!tpu.dma_semaphore, #tpu.memory_space<semaphore_mem>>) src(%dma_wait3A_397 : memref<632x24xf32, #tpu.memory_space<vmem_shared>>) dst(%dma_wait3A_395 : memref<632x24xf32, #tpu.memory_space<hbm>>)
      tpu.yield
    }) : () -> ()
    return
  }
}

module attributes {stable_mosaic.version = 14 : i64} {
  func.func @_mlp_body(%arg0: i32, %arg1: memref<1000x128xf32, #tpu.memory_space<vmem>>, %arg2: memref<2x1000x128xf32, #tpu.memory_space<vmem>>, %arg3: memref<2x1000x24xf32, #tpu.memory_space<vmem>>, %arg4: memref<24x128xf32, #tpu.memory_space<vmem>>, %arg5: memref<128x128xf32, #tpu.memory_space<vmem>>, %arg6: memref<1x128xf32, #tpu.memory_space<vmem>>, %arg7: memref<128x128xf32, #tpu.memory_space<vmem>>, %arg8: memref<1x128xf32, #tpu.memory_space<vmem>>, %arg9: memref<1000x128xf32, #tpu.memory_space<vmem>>) attributes {dimension_semantics = [#tpu.dimension_semantics<arbitrary>], iteration_bounds = array<i64: 10>, scalar_prefetch = 0 : i64, scratch_operands = 0 : i64, tpu.core_type = #tpu.core_type<tc>, window_params = [{transform_indices = @transform_0, window_bounds = array<i64: 1000, 128>}, {transform_indices = @transform_1, window_bounds = array<i64: 2, 1000, 128>}, {transform_indices = @transform_2, window_bounds = array<i64: 2, 1000, 24>}, {pipeline_mode = #tpu.pipeline_mode<synchronous>, transform_indices = @transform_3, window_bounds = array<i64: 24, 128>}, {pipeline_mode = #tpu.pipeline_mode<synchronous>, transform_indices = @transform_4, window_bounds = array<i64: 128, 128>}, {pipeline_mode = #tpu.pipeline_mode<synchronous>, transform_indices = @transform_5, window_bounds = array<i64: 1, 128>}, {pipeline_mode = #tpu.pipeline_mode<synchronous>, transform_indices = @transform_6, window_bounds = array<i64: 128, 128>}, {pipeline_mode = #tpu.pipeline_mode<synchronous>, transform_indices = @transform_7, window_bounds = array<i64: 1, 128>}, {transform_indices = @transform_8, window_bounds = array<i64: 1000, 128>}]} {
    %get3A = arith.constant 0 : index
    %get3A_0 = arith.constant 0 : index
    %get3A_1 = vector.load %arg1[%get3A, %get3A_0] : memref<1000x128xf32, #tpu.memory_space<vmem>>, vector<1000x128xf32>
    %get3A_2 = arith.constant 0 : index
    %get3A_3 = arith.constant 0 : index
    %get3A_4 = arith.constant 0 : index
    %get3A_5 = vector.load %arg2[%get3A_2, %get3A_3, %get3A_4] : memref<2x1000x128xf32, #tpu.memory_space<vmem>>, vector<1x1000x128xf32>
    %get3A_6 = vector.shape_cast %get3A_5 : vector<1x1000x128xf32> to vector<1000x128xf32>
    %add3A = arith.addf %get3A_1, %get3A_6 : vector<1000x128xf32>
    %get3A_7 = arith.constant 1 : index
    %get3A_8 = arith.constant 0 : index
    %get3A_9 = arith.constant 0 : index
    %get3A_10 = vector.load %arg2[%get3A_7, %get3A_8, %get3A_9] : memref<2x1000x128xf32, #tpu.memory_space<vmem>>, vector<1x1000x128xf32>
    %get3A_11 = vector.shape_cast %get3A_10 : vector<1x1000x128xf32> to vector<1000x128xf32>
    %add3A_12 = arith.addf %add3A, %get3A_11 : vector<1000x128xf32>
    %get3A_13 = arith.constant 0 : index
    %get3A_14 = arith.constant 0 : index
    %get3A_15 = arith.constant 0 : index
    %get3A_16 = vector.load %arg3[%get3A_13, %get3A_14, %get3A_15] : memref<2x1000x24xf32, #tpu.memory_space<vmem>>, vector<1x1000x24xf32>
    %get3A_17 = vector.shape_cast %get3A_16 : vector<1x1000x24xf32> to vector<1000x24xf32>
    %get3A_18 = arith.constant 1 : index
    %get3A_19 = arith.constant 0 : index
    %get3A_20 = arith.constant 0 : index
    %get3A_21 = vector.load %arg3[%get3A_18, %get3A_19, %get3A_20] : memref<2x1000x24xf32, #tpu.memory_space<vmem>>, vector<1x1000x24xf32>
    %get3A_22 = vector.shape_cast %get3A_21 : vector<1x1000x24xf32> to vector<1000x24xf32>
    %add3A_23 = arith.addf %get3A_17, %get3A_22 : vector<1000x24xf32>
    %get3A_24 = arith.constant 0 : index
    %get3A_25 = arith.constant 0 : index
    %get3A_26 = vector.load %arg4[%get3A_24, %get3A_25] : memref<24x128xf32, #tpu.memory_space<vmem>>, vector<24x128xf32>
    %dot_general3A = arith.constant dense<0.000000e+00> : vector<1000x128xf32>
    %dot_general3A_27 = tpu.matmul %add3A_23, %get3A_26, %dot_general3A {dimension_numbers = #tpu.dot_dimension_numbers<[1], [0], [0], [1], [0, 0, 1, 1], [], []>, transpose_lhs_hint = false} : vector<1000x24xf32>, vector<24x128xf32>, vector<1000x128xf32> -> vector<1000x128xf32>
    %add3A_28 = arith.addf %add3A_12, %dot_general3A_27 : vector<1000x128xf32>
    %get3A_29 = arith.constant 0 : index
    %get3A_30 = arith.constant 0 : index
    %get3A_31 = vector.load %arg5[%get3A_29, %get3A_30] : memref<128x128xf32, #tpu.memory_space<vmem>>, vector<128x128xf32>
    %dot_general3A_32 = arith.constant dense<0.000000e+00> : vector<1000x128xf32>
    %dot_general3A_33 = tpu.matmul %add3A_28, %get3A_31, %dot_general3A_32 {dimension_numbers = #tpu.dot_dimension_numbers<[1], [0], [0], [1], [0, 0, 1, 1], [], []>, transpose_lhs_hint = false} : vector<1000x128xf32>, vector<128x128xf32>, vector<1000x128xf32> -> vector<1000x128xf32>
    %get3A_34 = arith.constant 0 : index
    %get3A_35 = arith.constant 0 : index
    %get3A_36 = vector.load %arg6[%get3A_34, %get3A_35] : memref<1x128xf32, #tpu.memory_space<vmem>>, vector<1x128xf32>
    %add3A_37 = vector.broadcast %get3A_36 : vector<1x128xf32> to vector<1000x128xf32>
    %add3A_38 = arith.addf %dot_general3A_33, %add3A_37 : vector<1000x128xf32>
    %mul3A = arith.constant 5.000000e-01 : f32
    %mul3A_39 = vector.broadcast %mul3A : f32 to vector<1000x128xf32>
    %mul3A_40 = arith.mulf %mul3A_39, %add3A_38 : vector<1000x128xf32>
    %mul3A_41 = arith.constant 0.707106769 : f32
    %mul3A_42 = vector.broadcast %mul3A_41 : f32 to vector<1000x128xf32>
    %mul3A_43 = arith.mulf %add3A_38, %mul3A_42 : vector<1000x128xf32>
    %erf3A = math.erf %mul3A_43 : vector<1000x128xf32>
    %add3A_44 = arith.constant 1.000000e+00 : f32
    %add3A_45 = vector.broadcast %add3A_44 : f32 to vector<1000x128xf32>
    %add3A_46 = arith.addf %add3A_45, %erf3A : vector<1000x128xf32>
    %mul3A_47 = arith.mulf %mul3A_40, %add3A_46 : vector<1000x128xf32>
    %get3A_48 = arith.constant 0 : index
    %get3A_49 = arith.constant 0 : index
    %get3A_50 = vector.load %arg7[%get3A_48, %get3A_49] : memref<128x128xf32, #tpu.memory_space<vmem>>, vector<128x128xf32>
    %dot_general3A_51 = arith.constant dense<0.000000e+00> : vector<1000x128xf32>
    %dot_general3A_52 = tpu.matmul %mul3A_47, %get3A_50, %dot_general3A_51 {dimension_numbers = #tpu.dot_dimension_numbers<[1], [0], [0], [1], [0, 0, 1, 1], [], []>, transpose_lhs_hint = false} : vector<1000x128xf32>, vector<128x128xf32>, vector<1000x128xf32> -> vector<1000x128xf32>
    %get3A_53 = arith.constant 0 : index
    %get3A_54 = arith.constant 0 : index
    %get3A_55 = vector.load %arg8[%get3A_53, %get3A_54] : memref<1x128xf32, #tpu.memory_space<vmem>>, vector<1x128xf32>
    %add3A_56 = vector.broadcast %get3A_55 : vector<1x128xf32> to vector<1000x128xf32>
    %add3A_57 = arith.addf %dot_general3A_52, %add3A_56 : vector<1000x128xf32>
    %swap3A = arith.constant 0 : index
    %swap3A_58 = arith.constant 0 : index
    %swap3A_59 = vector.load %arg9[%swap3A, %swap3A_58] : memref<1000x128xf32, #tpu.memory_space<vmem>>, vector<1000x128xf32>
    tpu.vector_store %arg9[%swap3A, %swap3A_58], %add3A_57 {strides = array<i32>} : memref<1000x128xf32, #tpu.memory_space<vmem>>, vector<1000x128xf32>,
    return
  }
  func.func @transform_0(%arg0: i32) -> (i32, i32) {
    %c0_i32 = arith.constant 0 : i32
    %c0_i32_0 = arith.constant 0 : i32
    return %arg0, %c0_i32 : i32, i32
  }
  func.func @transform_1(%arg0: i32) -> (i32, i32, i32) {
    %c0_i32 = arith.constant 0 : i32
    %c0_i32_0 = arith.constant 0 : i32
    %c0_i32_1 = arith.constant 0 : i32
    return %c0_i32, %arg0, %c0_i32_0 : i32, i32, i32
  }
  func.func @transform_2(%arg0: i32) -> (i32, i32, i32) {
    %c0_i32 = arith.constant 0 : i32
    %c0_i32_0 = arith.constant 0 : i32
    %c0_i32_1 = arith.constant 0 : i32
    return %c0_i32, %arg0, %c0_i32_0 : i32, i32, i32
  }
  func.func @transform_3(%arg0: i32) -> (i32, i32) {
    %c0_i32 = arith.constant 0 : i32
    %c0_i32_0 = arith.constant 0 : i32
    %c0_i32_1 = arith.constant 0 : i32
    return %c0_i32, %c0_i32_0 : i32, i32
  }
  func.func @transform_4(%arg0: i32) -> (i32, i32) {
    %c0_i32 = arith.constant 0 : i32
    %c0_i32_0 = arith.constant 0 : i32
    %c0_i32_1 = arith.constant 0 : i32
    return %c0_i32, %c0_i32_0 : i32, i32
  }
  func.func @transform_5(%arg0: i32) -> (i32, i32) {
    %c0_i32 = arith.constant 0 : i32
    %c0_i32_0 = arith.constant 0 : i32
    %c0_i32_1 = arith.constant 0 : i32
    return %c0_i32, %c0_i32_0 : i32, i32
  }
  func.func @transform_6(%arg0: i32) -> (i32, i32) {
    %c0_i32 = arith.constant 0 : i32
    %c0_i32_0 = arith.constant 0 : i32
    %c0_i32_1 = arith.constant 0 : i32
    return %c0_i32, %c0_i32_0 : i32, i32
  }
  func.func @transform_7(%arg0: i32) -> (i32, i32) {
    %c0_i32 = arith.constant 0 : i32
    %c0_i32_0 = arith.constant 0 : i32
    %c0_i32_1 = arith.constant 0 : i32
    return %c0_i32, %c0_i32_0 : i32, i32
  }
  func.func @transform_8(%arg0: i32) -> (i32, i32) {
    %c0_i32 = arith.constant 0 : i32
    %c0_i32_0 = arith.constant 0 : i32
    return %arg0, %c0_i32 : i32, i32
  }
}

</mosaic_0001>

<sc_bundles>
// kernel: kernel.4.cloned.1.call-start
scs
__scs_entry_jumppad:
0x0: {  	(pc) =	sbr.rel $0x88, $3  }
0x1: {  	(tag) =	ssettag $0x0;
	lr =	simm.s32 $0x1  }
0x2: {  	[smem:$0x3F98] =	sst lr;
	_ =	strace $0xD0000000  }
0x3: {  	_ = 	snop  }
0x4: {  	_ = 	snop  }
0x5: {  	_ = 	snop  }
0x6: {  	_ = 	snop  }
0x7: {  	_ = 	snop  }
__scs_overlays_trampoline_lowered:
0x8: {  	[smem:$0x3FA7] =	sst s0  }
0x9: {  	[smem:$0x3FA8] =	sst s1  }
0xa: {  	[smem:$0x3FA9] =	sst s2  }
0xb: {  	[smem:$0x3FAA] =	sst s3  }
0xc: {  	[smem:$0x3FAB] =	sst s4  }
0xd: {  	[smem:$0x3FAC] =	sst s5  }
0xe: {  	[smem:$0x3FAD] =	sst s6  }
0xf: {  	[smem:$0x3FAE] =	sst s7  }
0x10: {  	[smem:$0x3FAF] =	sst s8  }
0x11: {  	[smem:$0x3FB0] =	sst s9;
	s0 =	simm.s32 @!p0 $0x0  }
0x12: {  	s1 =	sld [smem:$0x3F96];
	s0 =	simm.s32 @p0 $0x1  }
0x13: {  	[smem:$0x3FB1] =	sst s0;
	s0 =	simm.s32 @!p1 $0x0  }
0x14: {  	s2 =	sld [smem:$0x3F95];
	s0 =	simm.s32 @p1 $0x1  }
0x15: {  	[smem:$0x3FB2] =	sst s0;
	s0 =	simm.s32 @!p2 $0x0  }
0x16: {  	s3 =	sld [smem:$0x3FDB];
	s0 =	simm.s32 @p2 $0x1  }
0x17: {  	s4 =	simm.s32 $0x1BF5;
	[smem:$0x3FB4] =	sst s0  }
0x18: {  	s0 =	sld [smem:$0x3F97];
	_ =	swait.ge [sflag:s4], $0x0  }
0x19: {  	s7 =	sld [smem:$0x3F98]  }
0x1a: {  	s8 =	sadd.s32 $0xFFFFE003, lr  }
0x1b: {  	s9 =	sadd.s32 $0xFFFFFEF7, lr;
	s5 =	simm.s32 $0xFFFFFFFF;
	p2 =	slt.u32 s8, $0xFFFFF086  }
0x1c: {  	p1 =	slt.u32 s9, $0xF7A;
	s5 =	simm.s32 @!p2 $0x0  }
0x1d: {  	s5 =	simm.s32 @p1 $0x1;
	p0 =	seq.s32 s7, s2  }
0x1e: {  	s7 =	smul.u32 @!p0 $0xF7A, s2;
	p2 =	seq.s32 @!p0 s5, $0x0  }
0x1f: {  	s9 =	smul.u32 $0xF7A, s1;
	s8 =	simm.s32 @!p0 $0x1BF5;
	p2 =	por !p2, p0  }
0x20: {  	[sflag:s8] =	ssyncset.s32 @!p0 $0xFFFFF086;
	s6 =	sadd.s32 @!p0 s3, s7;
	s7 =	simm.s32 @!p0 $0x108  }
0x21: {  	s3 =	sadd.s32 s3, s9;
	s6 =	sadd.s32 @!p0 $0x88, s6;
	s7 =	simm.s32 @p2 $0x1082  }
0x22: {  	[simem:s7], [sflag:s8] =	dma.local @!p0 [hbm:s6], $0xF7A  }
0x23: {  	s9 =	sor.u32 $0xD0000000, s2;
	s6 =	simm.s32 $0x108;
	_ =	swait.ge @!p0 [sflag:s8], $0x0  }
0x24: {  	s3 =	sadd.s32 $0x88, s3;
	s6 =	simm.s32 @!p1 $0x1082;
	[sflag:s4] =	ssyncset.s32 $0xFFFFF086  }
0x25: {  	[simem:s6], [sflag:s4] =	dma.local [hbm:s3], $0xF7A  }
0x26: {  	[smem:$0x3F98] =	sst s1;
	(tag) =	ssettag s2;
	_ =	strace s9  }
0x27: {  	s1 =	sld [smem:$0x3FA8]  }
0x28: {  	s2 =	sld [smem:$0x3FA9]  }
0x29: {  	s4 =	sld [smem:$0x3FAB]  }
0x2a: {  	p0 =	seq.s32 s5, $0x0;
	s5 =	sld [smem:$0x3FAC]  }
0x2b: {  	s6 =	sld [smem:$0x3FAD]  }
0x2c: {  	s7 =	sld [smem:$0x3FAE]  }
0x2d: {  	s3 =	simm.s32 $0x108;
	s8 =	sld [smem:$0x3FAF]  }
0x2e: {  	s3 =	simm.s32 @!p0 $0x1082;
	s9 =	sld [smem:$0x3FB0]  }
0x2f: {  	lr =	sadd.s32 s0, s3;
	s0 =	sld [smem:$0x3FA7]  }
0x30: {  	s3 =	sld [smem:$0x3FAA]  }
0x31: {  	[smem:$0x3FB3] =	sst s10  }
0x32: {  	s10 =	sld [smem:$0x3FB1];
	_ =	sdelay $0x3  }
0x33: {  	p0 =	seq.s32 s10, $0x1;
	s10 =	sld [smem:$0x3FB3];
	_ =	sdelay $0x3  }
0x34: {  	[smem:$0x3FB3] =	sst s10  }
0x35: {  	s10 =	sld [smem:$0x3FB2];
	_ =	sdelay $0x3  }
0x36: {  	p1 =	seq.s32 s10, $0x1;
	s10 =	sld [smem:$0x3FB3];
	_ =	sdelay $0x3  }
0x37: {  	[smem:$0x3FB3] =	sst s10  }
0x38: {  	s10 =	sld [smem:$0x3FB4]  }
0x39: {  	_ = 	snop;
	(pc) =	sbr.ind lr, $3  }
0x3a: {  	_ = 	snop  }
0x3b: {  	_ = 	snop  }
0x3c: {  	p2 =	seq.s32 s10, $0x1;
	s10 =	sld [smem:$0x3FB3]  }
0x3d: {  	_ =	shalt  }
0x3e: {  	_ =	shalt  }
0x3f: {  	_ =	shalt  }
0x40: {  	_ =	shalt  }
0x41: {  	_ =	shalt  }
0x42: {  	_ =	shalt  }
0x43: {  	_ =	shalt  }
0x44: {  	_ =	shalt  }
0x45: {  	_ =	shalt  }
0x46: {  	_ =	shalt  }
0x47: {  	_ =	shalt  }
0x48: {  	_ =	shalt  }
0x49: {  	_ =	shalt  }
0x4a: {  	_ =	shalt  }
0x4b: {  	_ =	shalt  }
0x4c: {  	_ =	shalt  }
0x4d: {  	_ =	shalt  }
0x4e: {  	_ =	shalt  }
0x4f: {  	_ =	shalt  }
0x50: {  	_ =	shalt  }
0x51: {  	_ =	shalt  }
0x52: {  	_ =	shalt  }
0x53: {  	_ =	shalt  }
0x54: {  	_ =	shalt  }
0x55: {  	_ =	shalt  }
0x56: {  	_ =	shalt  }
0x57: {  	_ =	shalt  }
0x58: {  	_ =	shalt  }
0x59: {  	_ =	shalt  }
0x5a: {  	_ =	shalt  }
0x5b: {  	_ =	shalt  }
0x5c: {  	_ =	shalt  }
0x5d: {  	_ =	shalt  }
0x5e: {  	_ =	shalt  }
0x5f: {  	_ =	shalt  }
0x60: {  	_ =	shalt  }
0x61: {  	_ =	shalt  }
0x62: {  	_ =	shalt  }
0x63: {  	_ =	shalt  }
0x64: {  	_ =	shalt  }
0x65: {  	_ =	shalt  }
0x66: {  	_ =	shalt  }
0x67: {  	_ =	shalt  }
0x68: {  	_ =	shalt  }
0x69: {  	_ =	shalt  }
0x6a: {  	_ =	shalt  }
0x6b: {  	_ =	shalt  }
0x6c: {  	_ =	shalt  }
0x6d: {  	_ =	shalt  }
0x6e: {  	_ =	shalt  }
0x6f: {  	_ =	shalt  }
0x70: {  	_ =	shalt  }
0x71: {  	_ =	shalt  }
0x72: {  	_ =	shalt  }
0x73: {  	_ =	shalt  }
0x74: {  	_ =	shalt  }
0x75: {  	_ =	shalt  }
0x76: {  	_ =	shalt  }
0x77: {  	_ =	shalt  }
0x78: {  	_ =	shalt  }
0x79: {  	_ =	shalt  }
0x7a: {  	_ =	shalt  }
0x7b: {  	_ =	shalt  }
0x7c: {  	_ =	shalt  }
0x7d: {  	_ =	shalt  }
0x7e: {  	_ =	shalt  }
0x7f: {  	_ =	shalt  }
0x80: {  	_ =	shalt  }
0x81: {  	_ =	shalt  }
0x82: {  	_ =	shalt  }
0x83: {  	_ =	shalt  }
0x84: {  	_ =	shalt  }
0x85: {  	_ =	shalt  }
0x86: {  	_ =	shalt  }
0x87: {  	_ =	shalt  }
.Lfunc_end0:
.L_simem_size_0:
called_computation_lowered:
.L_overlay_start_0:
0x88: {  	s2 =	sld [smem:$0x3FD9]  }
0x89: {  	s3 =	sld [smem:$0x3FFE];
	_ =	sdelay $0x1  }
0x8a: {  	s1 =	srdreg.scid  }
0x8b: {  	s0 =	sand.u32 $0x1, s1  }
0x8c: {  	s17 =	sshll.u32 s0, $0xA;
	s2 =	sadd.s32 s3, s2  }
0x8d: {  	s2 =	sadd.s32 s2, s17  }
0x8e: {  	[smem:$0x3FBF] =	sst s2  }
0x8f: {  	_ = 	snop  }
0x90: {  	s2 =	sld [smem:$0x3FC9]  }
0x91: {  	s18 =	sld [smem:$0x3FD0];
	(tm) =	ssettm $0x1  }
0x92: {  	s4 =	sld [smem:$0x3FFB];
	_ =	sdelay $0x3  }
0x93: {  	_ =	strace s4  }
0x94: {  	s4 =	sld [smem:$0x3FFC];
	_ =	sdelay $0x3  }
0x95: {  	_ =	strace s4  }
0x96: {  	s4 =	sld [smem:$0x3FFD];
	_ =	sdelay $0x3  }
0x97: {  	_ =	strace s4  }
0x98: {  	_ =	strace $0x8FFFFFFF  }
0x99: {  	s19 =	sld [smem:$0x3FDB];
	_ =	sdelay $0x1  }
0x9a: {  	s5 =	simm.s32 $_scs_section_size  }
0x9b: {  	s6 =	simm.s32 $_size__tile_overlayer_lowered;
	s7 =	simm.s32 $_tile_overlayer_lowered  }
0x9c: {  	s22 =	simm.s32 $0x1BFF;
	s21 =	sshll.u32 s7, $0x1;
	s4 =	sadd.s32 s5, s19  }
0x9d: {  	s8 =	simm.s32 $0x0;
	s20 =	sshll.u32 s6, $0x1;
	s6 =	sadd.s32 s21, s4  }
0x9e: {  	[timem:s8], [sflag:s22] =	dma.local [hbm:s6], s20  }
0x9f: {  	_ =	swait.ge [sflag:s22], s20  }
0xa0: {  	s5 =	ssub.s32 $0x0, s20;
	[sflag:s22] =	ssyncset.done $0x0  }
0xa1: {  	[sflag:s22] =	ssyncadd.s32 s5;
	_ =	sdelay $0x1  }
0xa2: {  	s23 =	simm.s32 $0x1B8B  }
0xa3: {  	_ =	swait.ge [sflag:s23], $0x1  }
0xa4: {  	[sflag:s23] =	ssyncset.done $0x0  }
0xa5: {  	s25 =	simm.s32 $0x1B8E;
	s24 =	sld [smem:$0x3FFE];
	[sflag:s23] =	ssyncadd.s32 $0xFFFFFFFF  }
0xa6: {  	s26 =	simm.s32 $execute0_lowered;
	[smem:$0x3FD2] =	sst s25  }
0xa7: {  	s6 =	sshll.u32 s26, $0x1;
	_ =	strace $0x80000046;
	[dreg:$0x1] =	wrdreg $0xFFFFFFFF  }
0xa8: {  	s28 =	simm.s32 $_size_execute0_lowered;
	s4 =	sadd.s32 s4, s6;
	[dreg:$0x0] =	wrdreg $0x0  }
0xa9: {  	s6 =	sshll.u32 s28, $0x1;
	[dreg:$0x2] =	wrdreg s4  }
0xaa: {  	[dreg:$0x3] =	wrdreg s6  }
0xab: {  	[dreg:$0x4] =	wrdreg $0xC0  }
0xac: {  	_ =	task [dreg:s8], $0x5FFFF  }
0xad: {  	[dreg:$0x1] =	wrdreg $0xFFFFFFFF  }
0xae: {  	[dreg:$0x0] =	wrdreg $0x60  }
0xaf: {  	[dreg:$0x2] =	wrdreg s2  }
0xb0: {  	[dreg:$0x3] =	wrdreg s18  }
0xb1: {  	[dreg:$0x4] =	wrdreg s24  }
0xb2: {  	[dreg:$0x5] =	wrdreg $0x0  }
0xb3: {  	[dreg:$0x6] =	wrdreg $0x13C000  }
0xb4: {  	[dreg:$0x7] =	wrdreg $0x9  }
0xb5: {  	_ =	task.clear_ibuf [dreg:s8], $0x8FFFF;
	_ =	strace $0x90000046  }
0xb6: {  	s29 =	simm.s32 $0x9;
	_ =	strace $0x80000048  }
0xb7: {  	_ =	swait.ge [sflag:s29], $0x1  }
0xb8: {  	[sflag:s29] =	ssyncadd.s32 $0xFFFFFFFF  }
0xb9: {  	_ =	strace $0x90000048  }
0xba: {  	_ =	sfence  }
0xbb: {  	s30 =	sld [smem:$0x0];
	_ =	sdelay $0x2  }
0xbc: {  	s31 =	sshll.u32 s1, $0xD;
	s1 =	sshrl.u32 s1, $0x2  }
0xbd: {  	s3 =	sand.u32 $0x4000, s31;
	s1 =	sadd.s32 s1, s30  }
0xbe: {  	s0 =	sor.u32 s3, s0;
	s1 =	sshll.u32 s1, $0x11  }
0xbf: {  	s0 =	sor.u32 s1, s0  }
0xc0: {  	s0 =	sadd.s32 $0x8F2B, s0  }
0xc1: {  	[sflag:s0] =	ssyncadd.remote.s32 $0x1  }
0xc2: {  	_ =	sfence.sel $0xFFFF  }
0xc3: {  	[dreg:$0x0] =	wrdreg $0xFFFFFFFF;
	(pc) =	sbr.abs _section_cstart, $3  }
0xc4: {  	[dreg:$0x1] =	wrdreg $0xFFFFFFFF  }
0xc5: {  	_ =	task.clear_ibuf [dreg:s8], $0x2FFFF;
	_ =	strace $0x9FFFFFFF  }
0xc6: {  	(tm) =	ssettm $0x7FFFFFFF  }
0xc7: {  	_ =	shalt  }
tec
execute0_lowered:
.L_overlay_start_1:
0x0: {  	(tag) =	ssettag $0x1  }
0x1: {  	s1 =	rddreg [dreg:$0x0]  }
0x2: {  	s9 =	rddreg [dreg:$0x1]  }
0x3: {  	s0 =	rddreg [dreg:$0x2];
	s17 =	stileid.u32  }
0x4: {  	s2 =	srdreg.scid;
	s6 =	smul.u32 $0x13C00, s17  }
0x5: {  	s3 =	rddreg [dreg:$0x3];
	s7 =	smul.u32 $0x3B40, s17  }
0x6: {  	s4 =	rddreg [dreg:$0x4];
	s14 =	smul.u32 $0x278, s17  }
0x7: {  	s5 =	simm.s32 $0x0;
	s13 =	sand.u32 $0x1, s2;
	s23 =	smul.u32 $0x2710, s17  }
0x8: {  	[smem:$0x7FF] =	sst s5;
	s10 =	sadd.s32 $0x2000, s0;
	s2 =	smul.u32 $0x13C000, s13  }
0x9: {  	s8 =	smul.u32 $0x3B400, s13;
	_ =	strace $0x80000047;
	s11 =	ssub.s32 $0x2, s13  }
0xa: {  	s16 =	sshll.u32 s13, $0x4;
	s13 =	smul.u32 $0x27100, s13;
	s15 =	sshrl.u32 s11, $0x1  }
0xb: {  	s12 =	sadd.s32 $0x50, s14;
	s14 =	sshll.u32 s14, $0x7;
	s2 =	sadd.s32 s6, s2  }
0xc: {  	s8 =	sadd.s32 s7, s8;
	s6 =	sadd.s32 s6, s3;
	s18 =	smul.u32 $0x60, s12  }
0xd: {  	s7 =	sadd.s32 s7, s4;
	s13 =	sadd.s32 s23, s13;
	s2 =	sshrl.u32 s2, $0x3  }
0xe: {  	s8 =	sshrl.u32 s8, $0x3;
	s13 =	sadd.s32 $0xA0, s13;
	s2 =	sadd.s32 s2, s0  }
0xf: {  	s8 =	sadd.s32 s8, s0;
	s0 =	ssub.s32 s11, s15;
	s15 =	sor.u32 s17, s16  }
0x10: {  	v0 =	vlaneseq.u32;
	s16 =	sshll.u32 s12, $0x7;
	s12 =	smul.u32 $0xED00, s17;
	s11 =	sshrl.u32 s18, $0x2  }
0x11: {  	v0 =	vmul.u32 $0x18, v0;
	s13 =	sshrl.u32 s13, $0x3;
	s16 =	sadd.s32 s16, s3;
	s11 =	sadd.s32 s11, s4  }
0x12: {  	s15 =	smul.u32 $0x2710, s15;
	s29 =	sadd.s32 $0xAD200, s2;
	s30 =	sadd.s32 $0x9E400, s8  }
0x13: {  	v1 =	vimm.f32 $0.0e+00;
	v3 =	vimm.f32 $1.000000000e+00;
	v2 =	vadd.s32 $0x10, v0;
	s31 =	smax.u32 s0, $0x1;
	s2 =	simm.s32 $0x1ABC0;
	[dreg:$0x6] =	wrdreg s16  }
0x14: {  	v5 =	vadd.s32 $0x310, v0;
	v6 =	vadd.s32 $0x490, v0;
	v7 =	vadd.s32 $0x610, v0;
	s0 =	simm.s32 $0xB;
	s8 =	simm.s32 $0x18DC0;
	[dreg:$0x7] =	wrdreg s11  }
0x15: {  	v8 =	vor.u32 $0x1, v0;
	v9 =	vor.u32 $0x2, v0;
	v10 =	vor.u32 $0x3, v0;
	s11 =	sadd.s32 s3, s14;
	s19 =	sadd.s32 $0x3C00, s12;
	s20 =	sadd.s32 $0x5A00, s12  }
0x16: {  	v11 =	vor.u32 $0x4, v0;
	v12 =	vor.u32 $0x5, v0;
	v13 =	vor.u32 $0x6, v0;
	s24 =	sadd.s32 $0x9600, s12;
	s14 =	sshrl.u32 s19, $0x2;
	s23 =	sadd.s32 $0x7800, s11  }
0x17: {  	v14 =	vor.u32 $0x7, v0;
	v15 =	vadd.s32 $0x8, v0;
	v16 =	vadd.s32 $0x9, v0;
	s17 =	sshrl.u32 s24, $0x2;
	s24 =	sadd.s32 $0xA000, s11;
	[dreg:$0x14] =	wrdreg s23  }
0x18: {  	v17 =	vadd.s32 $0xA, v0;
	v18 =	vadd.s32 $0xB, v0;
	v19 =	vadd.s32 $0xC, v0;
	s15 =	sshrl.u32 s15, $0x3;
	s14 =	sadd.s32 s14, s4;
	[dreg:$0x15] =	wrdreg s24  }
0x19: {  	v20 =	vadd.s32 $0xD, v0;
	v21 =	vadd.s32 $0xE, v0;
	v22 =	vadd.s32 $0xF, v0;
	s22 =	sadd.s32 $0x7800, s12;
	s18 =	sadd.s32 s9, s15;
	[dreg:$0x8] =	wrdreg s14  }
0x1a: {  	v23 =	vadd.s32 $0x180, v0;
	v24 =	vadd.s32 $0x181, v0;
	v25 =	vadd.s32 $0x182, v0;
	s16 =	simm.s32 $0x7;
	s25 =	sadd.s32 s10, s15;
	[dreg:$0xa] =	wrdreg s18  }
0x1b: {  	v26 =	vadd.s32 $0x183, v0;
	v27 =	vadd.s32 $0x184, v0;
	v28 =	vadd.s32 $0x185, v0;
	s21 =	sshrl.u32 s20, $0x2;
	s20 =	sadd.s32 s17, s4;
	[dreg:$0xb] =	wrdreg s25  }
0x1c: {  	v29 =	vadd.s32 $0x186, v0;
	v30 =	vadd.s32 $0x187, v0;
	v31 =	vadd.s32 $0x188, v0;
	s15 =	sadd.s32 $0xA, s15;
	s14 =	sadd.s32 s21, s4;
	[dreg:$0x11] =	wrdreg s20  }
0x1d: {  	v32 =	vadd.s32 $0x189, v0;
	v33 =	vadd.s32 $0x18A, v0;
	v34 =	vadd.s32 $0x18B, v0;
	s26 =	sadd.s32 s9, s15;
	s15 =	sadd.s32 s10, s15;
	[dreg:$0x9] =	wrdreg s14  }
0x1e: {  	v35 =	vadd.s32 $0x18C, v0;
	v36 =	vadd.s32 $0x18D, v0;
	v37 =	vadd.s32 $0x18E, v0;
	s10 =	sadd.s32 s13, s10;
	s9 =	sadd.s32 s13, s9;
	[dreg:$0xc] =	wrdreg s26  }
0x1f: {  	v38 =	vadd.s32 $0x18F, v0;
	v39 =	vadd.s32 $0x300, v0;
	v40 =	vadd.s32 $0x301, v0;
	s18 =	sadd.s32 $0xB400, s12;
	s21 =	sadd.s32 $0xD200, s12;
	[dreg:$0xd] =	wrdreg s15  }
0x20: {  	v41 =	vadd.s32 $0x302, v0;
	v42 =	vadd.s32 $0x303, v0;
	v43 =	vadd.s32 $0x304, v0;
	s25 =	sadd.s32 $0xC800, s11;
	s12 =	simm.s32 $0x50;
	[dreg:$0xe] =	wrdreg s10  }
0x21: {  	v44 =	vadd.s32 $0x305, v0;
	v45 =	vadd.s32 $0x306, v0;
	v46 =	vadd.s32 $0x307, v0;
	s13 =	simm.s32 $0x4E200;
	s14 =	sshrl.u32 s22, $0x2;
	[dreg:$0xf] =	wrdreg s9  }
0x22: {  	v47 =	vadd.s32 $0x308, v0;
	v48 =	vadd.s32 $0x309, v0;
	v49 =	vadd.s32 $0x30A, v0;
	s9 =	sshrl.u32 s18, $0x2;
	s22 =	sadd.s32 $0x5000, s11;
	[dreg:$0x16] =	wrdreg s25  }
0x23: {  	v50 =	vadd.s32 $0x30B, v0;
	v51 =	vadd.s32 $0x30C, v0;
	v52 =	vadd.s32 $0x30D, v0;
	s26 =	sadd.s32 $0xF000, s11;
	s10 =	simm.s32 $0x19CC0;
	s15 =	simm.s32 $0x1  }
0x24: {  	v53 =	vadd.s32 $0x30E, v0;
	v54 =	vadd.s32 $0x30F, v0;
	v55 =	vadd.s32 $0x480, v0;
	s19 =	sadd.s32 s14, s4;
	s9 =	sadd.s32 s9, s4;
	[dreg:$0x13] =	wrdreg s22  }
0x25: {  	v56 =	vadd.s32 $0x481, v0;
	v57 =	vadd.s32 $0x482, v0;
	v58 =	vadd.s32 $0x483, v0;
	[dreg:$0x17] =	wrdreg s26;
	s26 =	sadd.s32 $0x11800, s11;
	s11 =	simm.s32 $0x1A440  }
0x26: {  	v59 =	vadd.s32 $0x484, v0;
	v60 =	vadd.s32 $0x485, v0;
	[tilespmem:$0x1FFE0] =	vst v2;
	v2 =	vadd.s32 $0x190, v0;
	s14 =	simm.s32 $0x17740;
	[dreg:$0x12] =	wrdreg s9;
	s9 =	sshrl.u32 s21, $0x2  }
0x27: {  	v61 =	vadd.s32 $0x486, v0;
	v62 =	vadd.s32 $0x487, v0;
	v63 =	vadd.s32 $0x488, v0;
	[tilespmem:$0x1FFF0] =	vst v2;
	[dreg:$0x10] =	wrdreg s19;
	s28 =	sadd.s32 s9, s4;
	s9 =	simm.s32 $0x19540  }
.LBB2_1:
0x28: {  	s17 =	simm.s32 $0x0;
	s18 =	simm.s32 $0x0  }
.LBB2_2:
0x29: {  	p0 =	sne.s32 s18, $0x9FC0  }
.Ltmp0:
0x2a: {  	_ = 	snop;
	(pc) =	sbr.rel @p0 .LBB2_2-.Ltmp0, $4  }
0x2b: {  	s19 =	sand.u32 $0xFE00, s18  }
0x2c: {  	s20 =	sand.u32 $0x70, s17;
	s19 =	sshrl.u32 s19, $0x2  }
0x2d: {  	s19 =	sor.u32 s20, s19  }
0x2e: {  	s17 =	sadd.s32 $0x10, s17;
	s18 =	sadd.s32 $0x40, s18;
	[tilespmem:s19+$0x1ABC0] =	vst v1  }
0x2f: {  	s17 =	simm.s32 $0x0  }
0x30: {  	s17 =	smul.u32 $0xCCCD, s17;
	_ =	sdelay $0x1  }
0x31: {  	s18 =	sshrl.u32 s17, $0x16  }
0x32: {  	s17 =	simm.s32 $0x1;
	s19 =	smul.u32 $0x50, s18  }
0x33: {  	s20 =	smul.u32 $0xCCCD, s17  }
0x34: {  	s18 =	smul.u32 $0x780, s18;
	s19 =	ssub.s32 $0x0, s19  }
0x35: {  	s21 =	smul.u32 $0x18, s19;
	_ =	sdelay $0x1  }
0x36: {  	s19 =	sshrl.u32 s20, $0x16;
	s25 =	sadd.s32 s21, s18  }
0x37: {  	s18 =	simm.s32 $0x2;
	s21 =	smul.u32 $0x50, s19;
	s20 =	sand.u32 $0xFFF8, s25  }
.LBB2_4:
0x38: {  	s22 =	smul.u32 $0xCCCD, s18  }
0x39: {  	[tilespmem:s20+$0x18DC0] =	vst v1;
	p0 =	sne.s32 s18, $0x13F;
	s17 =	ssub.s32 s17, s21;
	s21 =	smul.u32 $0x780, s19  }
.Ltmp1:
0x3a: {  	[tilespmem:s20+$0x18DC8] =	vst v1;
	(pc) =	sbr.rel @p0 .LBB2_4-.Ltmp1, $4  }
0x3b: {  	s20 =	smul.u32 $0x18, s17;
	s17 =	smov.u32 s18  }
0x3c: {  	s18 =	sadd.s32 $0x1, s18  }
0x3d: {  	s19 =	sshrl.u32 s22, $0x16;
	s20 =	sadd.s32 s20, s21  }
0x3e: {  	s21 =	smul.u32 $0x50, s19;
	s20 =	sand.u32 $0xFFF8, s20  }
0x3f: {  	_ = 	snop  }
0x40: {  	s18 =	smul.u32 $0x780, s19;
	s17 =	ssub.s32 s17, s21  }
0x41: {  	s17 =	smul.u32 $0x18, s17;
	_ =	sdelay $0x1  }
0x42: {  	[tilespmem:s20+$0x18DC0] =	vst v1;
	s17 =	sadd.s32 s17, s18  }
0x43: {  	[tilespmem:s20+$0x18DC8] =	vst v1;
	s17 =	sand.u32 $0xFFF8, s17  }
0x44: {  	[tilespmem:s17+$0x18DC0] =	vst v1  }
0x45: {  	[tilespmem:s17+$0x18DC8] =	vst v1  }
0x46: {  	[spmem:s6] =	stream.linear.scatter [tilespmem:s2], [sflag:$0xB], $0x2800, $0x38;
	[tilespmem:$0x1FBC0] =	vst v63  }
0x47: {  	_ =	swait.ge [sflag:s0], $0x2800  }
0x48: {  	[sflag:s0] =	ssyncset.done $0x0  }
0x49: {  	[sflag:s0] =	ssyncadd.s32 $0xFFFFD800  }
0x4a: {  	[spmem:s7] =	stream.linear.scatter [tilespmem:s8], [sflag:$0xB], $0x780, $0x38;
	[tilespmem:$0x1FBC0] =	vst v63  }
0x4b: {  	_ =	swait.ge [sflag:s0], $0x780  }
0x4c: {  	[sflag:s0] =	ssyncset.done $0x0  }
0x4d: {  	s23 =	rddreg [dreg:$0x6];
	[sflag:s0] =	ssyncadd.s32 $0xFFFFF880  }
0x4e: {  	[spmem:s23] =	stream.linear.scatter [tilespmem:s2], [sflag:$0xB], $0x2800, $0x38;
	[tilespmem:$0x1FBC0] =	vst v63  }
0x4f: {  	_ =	swait.ge [sflag:s0], $0x2800  }
0x50: {  	[sflag:s0] =	ssyncset.done $0x0  }
0x51: {  	s24 =	rddreg [dreg:$0x7];
	[sflag:s0] =	ssyncadd.s32 $0xFFFFD800  }
0x52: {  	[spmem:s24] =	stream.linear.scatter [tilespmem:s8], [sflag:$0xB], $0x780, $0x38;
	[tilespmem:$0x1FBC0] =	vst v63  }
0x53: {  	_ =	swait.ge [sflag:s0], $0x780  }
0x54: {  	[sflag:s0] =	ssyncset.done $0x0  }
0x55: {  	s25 =	rddreg [dreg:$0x13];
	[sflag:s0] =	ssyncadd.s32 $0xFFFFF880  }
0x56: {  	[spmem:s25] =	stream.linear.scatter [tilespmem:s2], [sflag:$0xB], $0x2800, $0x38;
	[tilespmem:$0x1FBC0] =	vst v63  }
0x57: {  	_ =	swait.ge [sflag:s0], $0x2800  }
0x58: {  	[sflag:s0] =	ssyncset.done $0x0  }
0x59: {  	s18 =	rddreg [dreg:$0x8];
	[sflag:s0] =	ssyncadd.s32 $0xFFFFD800  }
0x5a: {  	[spmem:s18] =	stream.linear.scatter [tilespmem:s8], [sflag:$0xB], $0x780, $0x38;
	[tilespmem:$0x1FBC0] =	vst v63  }
0x5b: {  	_ =	swait.ge [sflag:s0], $0x780  }
0x5c: {  	[sflag:s0] =	ssyncset.done $0x0  }
0x5d: {  	s19 =	rddreg [dreg:$0x14];
	[sflag:s0] =	ssyncadd.s32 $0xFFFFF880  }
0x5e: {  	[spmem:s19] =	stream.linear.scatter [tilespmem:s2], [sflag:$0xB], $0x2800, $0x38;
	[tilespmem:$0x1FBC0] =	vst v63  }
0x5f: {  	_ =	swait.ge [sflag:s0], $0x2800  }
0x60: {  	[sflag:s0] =	ssyncset.done $0x0  }
0x61: {  	s20 =	rddreg [dreg:$0x9];
	[sflag:s0] =	ssyncadd.s32 $0xFFFFD800  }
0x62: {  	[spmem:s20] =	stream.linear.scatter [tilespmem:s8], [sflag:$0xB], $0x780, $0x38;
	[tilespmem:$0x1FBC0] =	vst v63  }
0x63: {  	_ =	swait.ge [sflag:s0], $0x780  }
0x64: {  	[sflag:s0] =	ssyncset.done $0x0  }
0x65: {  	s21 =	rddreg [dreg:$0x15];
	[sflag:s0] =	ssyncadd.s32 $0xFFFFF880  }
0x66: {  	[spmem:s21] =	stream.linear.scatter [tilespmem:s2], [sflag:$0xB], $0x2800, $0x38;
	[tilespmem:$0x1FBC0] =	vst v63  }
0x67: {  	_ =	swait.ge [sflag:s0], $0x2800  }
0x68: {  	[sflag:s0] =	ssyncset.done $0x0  }
0x69: {  	s22 =	rddreg [dreg:$0x10];
	[sflag:s0] =	ssyncadd.s32 $0xFFFFD800  }
0x6a: {  	[spmem:s22] =	stream.linear.scatter [tilespmem:s8], [sflag:$0xB], $0x780, $0x38;
	[tilespmem:$0x1FBC0] =	vst v63  }
0x6b: {  	_ =	swait.ge [sflag:s0], $0x780  }
0x6c: {  	[sflag:s0] =	ssyncset.done $0x0  }
0x6d: {  	s23 =	rddreg [dreg:$0x16];
	[sflag:s0] =	ssyncadd.s32 $0xFFFFF880  }
0x6e: {  	[spmem:s23] =	stream.linear.scatter [tilespmem:s2], [sflag:$0xB], $0x2800, $0x38;
	[tilespmem:$0x1FBC0] =	vst v63  }
0x6f: {  	_ =	swait.ge [sflag:s0], $0x2800  }
0x70: {  	[sflag:s0] =	ssyncset.done $0x0  }
0x71: {  	s24 =	rddreg [dreg:$0x11];
	[sflag:s0] =	ssyncadd.s32 $0xFFFFD800  }
0x72: {  	[spmem:s24] =	stream.linear.scatter [tilespmem:s8], [sflag:$0xB], $0x780, $0x38;
	[tilespmem:$0x1FBC0] =	vst v63  }
0x73: {  	_ =	swait.ge [sflag:s0], $0x780  }
0x74: {  	[sflag:s0] =	ssyncset.done $0x0  }
0x75: {  	s25 =	rddreg [dreg:$0x17];
	[sflag:s0] =	ssyncadd.s32 $0xFFFFF880  }
0x76: {  	[spmem:s25] =	stream.linear.scatter [tilespmem:s2], [sflag:$0xB], $0x2800, $0x38;
	[tilespmem:$0x1FBC0] =	vst v63  }
0x77: {  	_ =	swait.ge [sflag:s0], $0x2800  }
0x78: {  	[sflag:s0] =	ssyncset.done $0x0  }
0x79: {  	s18 =	rddreg [dreg:$0x12];
	[sflag:s0] =	ssyncadd.s32 $0xFFFFD800  }
0x7a: {  	[spmem:s18] =	stream.linear.scatter [tilespmem:s8], [sflag:$0xB], $0x780, $0x38;
	[tilespmem:$0x1FBC0] =	vst v63  }
0x7b: {  	_ =	swait.ge [sflag:s0], $0x780  }
0x7c: {  	[sflag:s0] =	ssyncset.done $0x0  }
0x7d: {  	[sflag:s0] =	ssyncadd.s32 $0xFFFFF880  }
0x7e: {  	[spmem:s26] =	stream.linear.scatter [tilespmem:s2], [sflag:$0xB], $0x2400, $0x38;
	[tilespmem:$0x1FBC0] =	vst v63  }
0x7f: {  	_ =	swait.ge [sflag:s0], $0x2400  }
0x80: {  	[sflag:s0] =	ssyncset.done $0x0  }
0x81: {  	[sflag:s0] =	ssyncadd.s32 $0xFFFFDC00  }
0x82: {  	[spmem:s28] =	stream.linear.scatter [tilespmem:s8], [sflag:$0xB], $0x6C0, $0x38;
	[tilespmem:$0x1FBC0] =	vst v63  }
0x83: {  	_ =	swait.ge [sflag:s0], $0x6C0  }
0x84: {  	v2 =	vld [tilespmem:$0x1FFE0]  }
0x85: {  	v4 =	vld [tilespmem:$0x1FFF0];
	_ =	sdelay $0x4  }
0x86: {  	[sflag:s0] =	ssyncset.done $0x0  }
0x87: {  	[sflag:s0] =	ssyncadd.s32 $0xFFFFF940  }
0x88: {  	[tilespmem:v2+s8+$0x0] =	vst.idx.msk $0xffff, v3  }
0x89: {  	[tilespmem:v4+s8+$0x0] =	vst.idx.msk $0xffff, v3  }
0x8a: {  	[tilespmem:v5+s8+$0x0] =	vst.idx.msk $0xffff, v3  }
0x8b: {  	[tilespmem:v6+s8+$0x0] =	vst.idx.msk $0xffff, v3  }
0x8c: {  	[tilespmem:v7+s8+$0x0] =	vst.idx.msk $0xffff, v3  }
0x8d: {  	[tilespmem:v2+s9+$0x0] =	vst.idx.msk $0xffff, v3  }
0x8e: {  	[tilespmem:v4+s9+$0x0] =	vst.idx.msk $0xffff, v3  }
0x8f: {  	[tilespmem:v5+s9+$0x0] =	vst.idx.msk $0xffff, v3  }
0x90: {  	[tilespmem:v6+s9+$0x0] =	vst.idx.msk $0xffff, v3  }
0x91: {  	[tilespmem:v7+s9+$0x0] =	vst.idx.msk $0xffff, v3  }
0x92: {  	[tilespmem:v2+s10+$0x0] =	vst.idx.msk $0xffff, v3  }
0x93: {  	[tilespmem:v4+s10+$0x0] =	vst.idx.msk $0xffff, v3  }
0x94: {  	[tilespmem:v5+s10+$0x0] =	vst.idx.msk $0xffff, v3  }
0x95: {  	[tilespmem:v6+s10+$0x0] =	vst.idx.msk $0xffff, v3  }
0x96: {  	[tilespmem:v7+s10+$0x0] =	vst.idx.msk $0xffff, v3  }
0x97: {  	[tilespmem:v2+s11+$0x0] =	vst.idx.msk $0xffff, v3  }
0x98: {  	[tilespmem:v4+s11+$0x0] =	vst.idx.msk $0xffff, v3  }
0x99: {  	[tilespmem:v5+s11+$0x0] =	vst.idx.msk $0xffff, v3  }
0x9a: {  	[tilespmem:v6+s11+$0x0] =	vst.idx.msk $0xffff, v3  }
0x9b: {  	[tilespmem:v7+s11+$0x0] =	vst.idx.msk $0xffff, v3  }
0x9c: {  	[bflag:$0x0] =	sbarrier.arrive $0xFFFF  }
0x9d: {  	s19 =	rddreg [dreg:$0xa]  }
0x9e: {  	[tilespmem:s14], [sflag:$0x1] =	stream.strided.gather [hbm4b:s19+s12], $0xA0, s13, s12, $0x38;
	[tilespmem:$0x1FBC0] =	vst v63  }
0x9f: {  	s21 =	simm.s32 $0x179C0;
	s20 =	rddreg [dreg:$0xb]  }
0xa0: {  	[tilespmem:s21], [sflag:$0x1] =	stream.strided.gather [hbm4b:s20+s12], $0x500, s13, s12, $0x38;
	[tilespmem:$0x1FBC0] =	vst v63  }
0xa1: {  	s23 =	simm.s32 $0x177E0;
	s22 =	rddreg [dreg:$0xc]  }
0xa2: {  	[tilespmem:s23], [sflag:$0x2] =	stream.strided.gather [hbm4b:s22+s12], $0xA0, s13, s12, $0x38;
	[tilespmem:$0x1FBC0] =	vst v63  }
0xa3: {  	s25 =	simm.s32 $0x17EC0;
	s24 =	rddreg [dreg:$0xd]  }
0xa4: {  	[tilespmem:s25], [sflag:$0x2] =	stream.strided.gather [hbm4b:s24+s12], $0x500, s13, s12, $0x38;
	[tilespmem:$0x1FBC0] =	vst v63  }
0xa5: {  	_ =	swait.ge [sflag:s15], $0xA0  }
0xa6: {  	[sflag:s15] =	ssyncset.done $0x0  }
0xa7: {  	[sflag:s15] =	ssyncadd.s32 $0xFFFFFF60  }
0xa8: {  	_ =	swait.ge [sflag:s15], $0x500  }
0xa9: {  	[sflag:s15] =	ssyncset.done $0x0;
	s17 =	rddreg [dreg:$0xf]  }
0xaa: {  	s18 =	simm.s32 $0x3;
	s19 =	rddreg [dreg:$0xe];
	[sflag:s15] =	ssyncadd.s32 $0xFFFFFB00  }
0xab: {  	[tilespmem:s2], [sflag:$0x5] =	stream.indirect.gather [hbm4b:s1+s12], $0x80, s14, s12, $0xb8;
	[tilespmem:$0x1FBC0] =	vst v63  }
.LBB2_6:
0xac: {  	p0 =	seq.s32 s18, $0x3  }
0xad: {  	s20 =	sand.u32 @!p0 $0x3, s18  }
0xae: {  	s20 =	sadd.s32 @!p0 $0x7, s20  }
0xaf: {  	_ =	swait.ge @!p0 [sflag:s20], $0x2800  }
0xb0: {  	[sflag:s20] =	ssyncset.done @!p0 $0x0  }
0xb1: {  	[sflag:s20] =	ssyncadd.s32 @!p0 $0xFFFFD800  }
0xb2: {  	p1 =	seq.s32 @!p0 s18, $0x7F;
	_ =	swait.ge @!p0 [sflag:s20], $0x780  }
0xb3: {  	p1 =	por p0, !p1;
	[sflag:s20] =	ssyncset.done @!p0 $0x0  }
0xb4: {  	[sflag:s20] =	ssyncadd.s32 @!p0 $0xFFFFF880;
	s20 =	sadd.s32 @p1 $0xFFFFFFFE, s18  }
0xb5: {  	s21 =	sand.u32 @p1 $0x3, s20  }
0xb6: {  	s22 =	sadd.s32 @p1 $0x1, s21  }
0xb7: {  	_ =	swait.ge @p1 [sflag:s22], $0xA0  }
0xb8: {  	s20 =	sand.u32 @p1 $0x1, s20;
	[sflag:s22] =	ssyncset.done @p1 $0x0  }
0xb9: {  	s23 =	smul.u32 @p1 $0xA000, s20;
	[sflag:s22] =	ssyncadd.s32 @p1 $0xFFFFFF60  }
0xba: {  	s21 =	smul.u32 @p1 $0x280, s21;
	_ =	swait.ge @p1 [sflag:s22], $0x500  }
0xbb: {  	[sflag:s22] =	ssyncset.done @p1 $0x0  }
0xbc: {  	s21 =	sshrl.u32 @p1 s21, $0x2;
	[sflag:s22] =	ssyncadd.s32 @p1 $0xFFFFFB00;
	s22 =	sshrl.u32 @p1 s23, $0x2  }
0xbd: {  	s20 =	sadd.s32 @p1 $0x5, s20;
	s21 =	sadd.s32 @p1 $0x17740, s21;
	s22 =	sadd.s32 @p1 $0x1ABC0, s22  }
0xbe: {  	[tilespmem:s22], [sflag:s20] =	stream.indirect.gather @p1 [hbm4b:s1+s12], $0x80, s21, s12, $0xb8;
	[tilespmem:$0x1FBC0] =	vst v63  }
0xbf: {  	s20 =	sadd.s32 $0xFFFFFFFD, s18  }
0xc0: {  	s21 =	sand.u32 $0x3, s20  }
0xc1: {  	s24 =	smul.u32 $0x1400, s21;
	_ =	sdelay $0x1  }
0xc2: {  	s25 =	sshrl.u32 s24, $0x2  }
0xc3: {  	v2 =	vld [tilespmem:s25+$0x179C0];
	_ =	sdelay $0x1  }
0xc4: {  	s24 =	smul.u32 $0x1E00, s21;
	_ =	sdelay $0x1  }
0xc5: {  	s22 =	sshrl.u32 s24, $0x2  }
0xc6: {  	[tilespmem:v0+s22+$0x18DC0] =	vst.idx.msk $0xffff, v2  }
0xc7: {  	v2 =	vld [tilespmem:s25+$0x17A10];
	_ =	sdelay $0x4  }
0xc8: {  	[tilespmem:v8+s22+$0x18DC0] =	vst.idx.msk $0xffff, v2  }
0xc9: {  	v2 =	vld [tilespmem:s25+$0x17A60];
	_ =	sdelay $0x4  }
0xca: {  	[tilespmem:v9+s22+$0x18DC0] =	vst.idx.msk $0xffff, v2  }
0xcb: {  	v2 =	vld [tilespmem:s25+$0x17AB0];
	_ =	sdelay $0x4  }
0xcc: {  	[tilespmem:v10+s22+$0x18DC0] =	vst.idx.msk $0xffff, v2  }
0xcd: {  	v2 =	vld [tilespmem:s25+$0x17B00];
	_ =	sdelay $0x4  }
0xce: {  	[tilespmem:v11+s22+$0x18DC0] =	vst.idx.msk $0xffff, v2  }
0xcf: {  	v2 =	vld [tilespmem:s25+$0x17B50];
	_ =	sdelay $0x4  }
0xd0: {  	[tilespmem:v12+s22+$0x18DC0] =	vst.idx.msk $0xffff, v2  }
0xd1: {  	v2 =	vld [tilespmem:s25+$0x17BA0];
	_ =	sdelay $0x4  }
0xd2: {  	[tilespmem:v13+s22+$0x18DC0] =	vst.idx.msk $0xffff, v2  }
0xd3: {  	v2 =	vld [tilespmem:s25+$0x17BF0];
	_ =	sdelay $0x4  }
0xd4: {  	[tilespmem:v14+s22+$0x18DC0] =	vst.idx.msk $0xffff, v2  }
0xd5: {  	v2 =	vld [tilespmem:s25+$0x17C40];
	_ =	sdelay $0x4  }
0xd6: {  	[tilespmem:v15+s22+$0x18DC0] =	vst.idx.msk $0xffff, v2  }
0xd7: {  	v2 =	vld [tilespmem:s25+$0x17C90];
	_ =	sdelay $0x4  }
0xd8: {  	[tilespmem:v16+s22+$0x18DC0] =	vst.idx.msk $0xffff, v2  }
0xd9: {  	v2 =	vld [tilespmem:s25+$0x17CE0];
	_ =	sdelay $0x4  }
0xda: {  	[tilespmem:v17+s22+$0x18DC0] =	vst.idx.msk $0xffff, v2  }
0xdb: {  	v2 =	vld [tilespmem:s25+$0x17D30];
	_ =	sdelay $0x4  }
0xdc: {  	[tilespmem:v18+s22+$0x18DC0] =	vst.idx.msk $0xffff, v2  }
0xdd: {  	v2 =	vld [tilespmem:s25+$0x17D80];
	_ =	sdelay $0x4  }
0xde: {  	[tilespmem:v19+s22+$0x18DC0] =	vst.idx.msk $0xffff, v2  }
0xdf: {  	v2 =	vld [tilespmem:s25+$0x17DD0];
	_ =	sdelay $0x4  }
0xe0: {  	[tilespmem:v20+s22+$0x18DC0] =	vst.idx.msk $0xffff, v2  }
0xe1: {  	v2 =	vld [tilespmem:s25+$0x17E20];
	_ =	sdelay $0x4  }
0xe2: {  	[tilespmem:v21+s22+$0x18DC0] =	vst.idx.msk $0xffff, v2  }
0xe3: {  	v2 =	vld [tilespmem:s25+$0x17E70];
	_ =	sdelay $0x4  }
0xe4: {  	[tilespmem:v22+s22+$0x18DC0] =	vst.idx.msk $0xffff, v2  }
0xe5: {  	v2 =	vld [tilespmem:s25+$0x179D0];
	_ =	sdelay $0x4  }
0xe6: {  	[tilespmem:v23+s22+$0x18DC0] =	vst.idx.msk $0xffff, v2  }
0xe7: {  	v2 =	vld [tilespmem:s25+$0x17A20];
	_ =	sdelay $0x4  }
0xe8: {  	[tilespmem:v24+s22+$0x18DC0] =	vst.idx.msk $0xffff, v2  }
0xe9: {  	v2 =	vld [tilespmem:s25+$0x17A70];
	_ =	sdelay $0x4  }
0xea: {  	[tilespmem:v25+s22+$0x18DC0] =	vst.idx.msk $0xffff, v2  }
0xeb: {  	v2 =	vld [tilespmem:s25+$0x17AC0];
	_ =	sdelay $0x4  }
0xec: {  	[tilespmem:v26+s22+$0x18DC0] =	vst.idx.msk $0xffff, v2  }
0xed: {  	v2 =	vld [tilespmem:s25+$0x17B10];
	_ =	sdelay $0x4  }
0xee: {  	[tilespmem:v27+s22+$0x18DC0] =	vst.idx.msk $0xffff, v2  }
0xef: {  	v2 =	vld [tilespmem:s25+$0x17B60];
	_ =	sdelay $0x4  }
0xf0: {  	[tilespmem:v28+s22+$0x18DC0] =	vst.idx.msk $0xffff, v2  }
0xf1: {  	v2 =	vld [tilespmem:s25+$0x17BB0];
	_ =	sdelay $0x4  }
0xf2: {  	[tilespmem:v29+s22+$0x18DC0] =	vst.idx.msk $0xffff, v2  }
0xf3: {  	v2 =	vld [tilespmem:s25+$0x17C00];
	_ =	sdelay $0x4  }
0xf4: {  	[tilespmem:v30+s22+$0x18DC0] =	vst.idx.msk $0xffff, v2  }
0xf5: {  	v2 =	vld [tilespmem:s25+$0x17C50];
	_ =	sdelay $0x4  }
0xf6: {  	[tilespmem:v31+s22+$0x18DC0] =	vst.idx.msk $0xffff, v2  }
0xf7: {  	v2 =	vld [tilespmem:s25+$0x17CA0];
	_ =	sdelay $0x4  }
0xf8: {  	[tilespmem:v32+s22+$0x18DC0] =	vst.idx.msk $0xffff, v2  }
0xf9: {  	v2 =	vld [tilespmem:s25+$0x17CF0];
	_ =	sdelay $0x4  }
0xfa: {  	[tilespmem:v33+s22+$0x18DC0] =	vst.idx.msk $0xffff, v2  }
0xfb: {  	v2 =	vld [tilespmem:s25+$0x17D40];
	_ =	sdelay $0x4  }
0xfc: {  	[tilespmem:v34+s22+$0x18DC0] =	vst.idx.msk $0xffff, v2  }
0xfd: {  	v2 =	vld [tilespmem:s25+$0x17D90];
	_ =	sdelay $0x4  }
0xfe: {  	[tilespmem:v35+s22+$0x18DC0] =	vst.idx.msk $0xffff, v2  }
0xff: {  	v2 =	vld [tilespmem:s25+$0x17DE0];
	_ =	sdelay $0x4  }
0x100: {  	[tilespmem:v36+s22+$0x18DC0] =	vst.idx.msk $0xffff, v2  }
0x101: {  	v2 =	vld [tilespmem:s25+$0x17E30];
	_ =	sdelay $0x4  }
0x102: {  	[tilespmem:v37+s22+$0x18DC0] =	vst.idx.msk $0xffff, v2  }
0x103: {  	v2 =	vld [tilespmem:s25+$0x17E80];
	_ =	sdelay $0x4  }
0x104: {  	[tilespmem:v38+s22+$0x18DC0] =	vst.idx.msk $0xffff, v2  }
0x105: {  	v2 =	vld [tilespmem:s25+$0x179E0];
	_ =	sdelay $0x4  }
0x106: {  	[tilespmem:v39+s22+$0x18DC0] =	vst.idx.msk $0xffff, v2  }
0x107: {  	v2 =	vld [tilespmem:s25+$0x17A30];
	_ =	sdelay $0x4  }
0x108: {  	[tilespmem:v40+s22+$0x18DC0] =	vst.idx.msk $0xffff, v2  }
0x109: {  	v2 =	vld [tilespmem:s25+$0x17A80];
	_ =	sdelay $0x4  }
0x10a: {  	[tilespmem:v41+s22+$0x18DC0] =	vst.idx.msk $0xffff, v2  }
0x10b: {  	v2 =	vld [tilespmem:s25+$0x17AD0];
	_ =	sdelay $0x4  }
0x10c: {  	[tilespmem:v42+s22+$0x18DC0] =	vst.idx.msk $0xffff, v2  }
0x10d: {  	v2 =	vld [tilespmem:s25+$0x17B20];
	_ =	sdelay $0x4  }
0x10e: {  	[tilespmem:v43+s22+$0x18DC0] =	vst.idx.msk $0xffff, v2  }
0x10f: {  	v2 =	vld [tilespmem:s25+$0x17B70];
	_ =	sdelay $0x4  }
0x110: {  	[tilespmem:v44+s22+$0x18DC0] =	vst.idx.msk $0xffff, v2  }
0x111: {  	v2 =	vld [tilespmem:s25+$0x17BC0];
	_ =	sdelay $0x4  }
0x112: {  	[tilespmem:v45+s22+$0x18DC0] =	vst.idx.msk $0xffff, v2  }
0x113: {  	v2 =	vld [tilespmem:s25+$0x17C10];
	_ =	sdelay $0x4  }
0x114: {  	[tilespmem:v46+s22+$0x18DC0] =	vst.idx.msk $0xffff, v2  }
0x115: {  	v2 =	vld [tilespmem:s25+$0x17C60];
	_ =	sdelay $0x4  }
0x116: {  	[tilespmem:v47+s22+$0x18DC0] =	vst.idx.msk $0xffff, v2  }
0x117: {  	v2 =	vld [tilespmem:s25+$0x17CB0];
	_ =	sdelay $0x4  }
0x118: {  	[tilespmem:v48+s22+$0x18DC0] =	vst.idx.msk $0xffff, v2  }
0x119: {  	v2 =	vld [tilespmem:s25+$0x17D00];
	_ =	sdelay $0x4  }
0x11a: {  	[tilespmem:v49+s22+$0x18DC0] =	vst.idx.msk $0xffff, v2  }
0x11b: {  	v2 =	vld [tilespmem:s25+$0x17D50];
	_ =	sdelay $0x4  }
0x11c: {  	[tilespmem:v50+s22+$0x18DC0] =	vst.idx.msk $0xffff, v2  }
0x11d: {  	v2 =	vld [tilespmem:s25+$0x17DA0];
	_ =	sdelay $0x4  }
0x11e: {  	[tilespmem:v51+s22+$0x18DC0] =	vst.idx.msk $0xffff, v2  }
0x11f: {  	v2 =	vld [tilespmem:s25+$0x17DF0];
	_ =	sdelay $0x4  }
0x120: {  	[tilespmem:v52+s22+$0x18DC0] =	vst.idx.msk $0xffff, v2  }
0x121: {  	v2 =	vld [tilespmem:s25+$0x17E40];
	_ =	sdelay $0x4  }
0x122: {  	[tilespmem:v53+s22+$0x18DC0] =	vst.idx.msk $0xffff, v2  }
0x123: {  	v2 =	vld [tilespmem:s25+$0x17E90];
	_ =	sdelay $0x4  }
0x124: {  	[tilespmem:v54+s22+$0x18DC0] =	vst.idx.msk $0xffff, v2  }
0x125: {  	v2 =	vld [tilespmem:s25+$0x179F0];
	_ =	sdelay $0x4  }
0x126: {  	[tilespmem:v55+s22+$0x18DC0] =	vst.idx.msk $0xffff, v2  }
0x127: {  	v2 =	vld [tilespmem:s25+$0x17A40];
	_ =	sdelay $0x4  }
0x128: {  	[tilespmem:v56+s22+$0x18DC0] =	vst.idx.msk $0xffff, v2  }
0x129: {  	v2 =	vld [tilespmem:s25+$0x17A90];
	_ =	sdelay $0x4  }
0x12a: {  	[tilespmem:v57+s22+$0x18DC0] =	vst.idx.msk $0xffff, v2  }
0x12b: {  	v2 =	vld [tilespmem:s25+$0x17AE0];
	_ =	sdelay $0x4  }
0x12c: {  	[tilespmem:v58+s22+$0x18DC0] =	vst.idx.msk $0xffff, v2  }
0x12d: {  	v2 =	vld [tilespmem:s25+$0x17B30];
	_ =	sdelay $0x4  }
0x12e: {  	[tilespmem:v59+s22+$0x18DC0] =	vst.idx.msk $0xffff, v2  }
0x12f: {  	v2 =	vld [tilespmem:s25+$0x17B80];
	_ =	sdelay $0x4  }
0x130: {  	[tilespmem:v60+s22+$0x18DC0] =	vst.idx.msk $0xffff, v2  }
0x131: {  	v2 =	vld [tilespmem:s25+$0x17BD0];
	_ =	sdelay $0x4  }
0x132: {  	[tilespmem:v61+s22+$0x18DC0] =	vst.idx.msk $0xffff, v2  }
0x133: {  	v2 =	vld [tilespmem:s25+$0x17C20];
	_ =	sdelay $0x4  }
0x134: {  	[tilespmem:v62+s22+$0x18DC0] =	vst.idx.msk $0xffff, v2  }
0x135: {  	v2 =	vld [tilespmem:s25+$0x17C70];
	_ =	sdelay $0x4  }
0x136: {  	[tilespmem:v63+s22+$0x18DC0] =	vst.idx.msk $0xffff, v2  }
0x137: {  	v4 =	vadd.s32 $0x489, v0;
	v2 =	vld [tilespmem:s25+$0x17CC0];
	_ =	sdelay $0x4  }
0x138: {  	[tilespmem:v4+s22+$0x18DC0] =	vst.idx.msk $0xffff, v2  }
0x139: {  	v4 =	vadd.s32 $0x48A, v0;
	v2 =	vld [tilespmem:s25+$0x17D10];
	_ =	sdelay $0x4  }
0x13a: {  	[tilespmem:v4+s22+$0x18DC0] =	vst.idx.msk $0xffff, v2  }
0x13b: {  	v4 =	vadd.s32 $0x48B, v0;
	v2 =	vld [tilespmem:s25+$0x17D60];
	_ =	sdelay $0x4  }
0x13c: {  	[tilespmem:v4+s22+$0x18DC0] =	vst.idx.msk $0xffff, v2  }
0x13d: {  	v4 =	vadd.s32 $0x48C, v0;
	v2 =	vld [tilespmem:s25+$0x17DB0];
	_ =	sdelay $0x4  }
0x13e: {  	[tilespmem:v4+s22+$0x18DC0] =	vst.idx.msk $0xffff, v2  }
0x13f: {  	v4 =	vadd.s32 $0x48D, v0;
	v2 =	vld [tilespmem:s25+$0x17E00];
	_ =	sdelay $0x4  }
0x140: {  	[tilespmem:v4+s22+$0x18DC0] =	vst.idx.msk $0xffff, v2  }
0x141: {  	v4 =	vadd.s32 $0x48E, v0;
	v2 =	vld [tilespmem:s25+$0x17E50];
	_ =	sdelay $0x4  }
0x142: {  	[tilespmem:v4+s22+$0x18DC0] =	vst.idx.msk $0xffff, v2  }
0x143: {  	v4 =	vadd.s32 $0x48F, v0;
	v2 =	vld [tilespmem:s25+$0x17EA0];
	_ =	sdelay $0x4  }
0x144: {  	[tilespmem:v4+s22+$0x18DC0] =	vst.idx.msk $0xffff, v2  }
0x145: {  	v4 =	vor.u32 $0x600, v0;
	v2 =	vld [tilespmem:s25+$0x17A00];
	_ =	sdelay $0x4  }
0x146: {  	[tilespmem:v4+s22+$0x18DC0] =	vst.idx.msk $0xffff, v2  }
0x147: {  	v4 =	vor.u32 $0x601, v0;
	v2 =	vld [tilespmem:s25+$0x17A50];
	_ =	sdelay $0x4  }
0x148: {  	[tilespmem:v4+s22+$0x18DC0] =	vst.idx.msk $0xffff, v2  }
0x149: {  	v4 =	vor.u32 $0x602, v0;
	v2 =	vld [tilespmem:s25+$0x17AA0];
	_ =	sdelay $0x4  }
0x14a: {  	[tilespmem:v4+s22+$0x18DC0] =	vst.idx.msk $0xffff, v2  }
0x14b: {  	v4 =	vor.u32 $0x603, v0;
	v2 =	vld [tilespmem:s25+$0x17AF0];
	_ =	sdelay $0x4  }
0x14c: {  	[tilespmem:v4+s22+$0x18DC0] =	vst.idx.msk $0xffff, v2  }
0x14d: {  	v4 =	vor.u32 $0x604, v0;
	v2 =	vld [tilespmem:s25+$0x17B40];
	_ =	sdelay $0x4  }
0x14e: {  	[tilespmem:v4+s22+$0x18DC0] =	vst.idx.msk $0xffff, v2  }
0x14f: {  	v4 =	vor.u32 $0x605, v0;
	v2 =	vld [tilespmem:s25+$0x17B90];
	_ =	sdelay $0x4  }
0x150: {  	[tilespmem:v4+s22+$0x18DC0] =	vst.idx.msk $0xffff, v2  }
0x151: {  	v4 =	vor.u32 $0x606, v0;
	v2 =	vld [tilespmem:s25+$0x17BE0];
	_ =	sdelay $0x4  }
0x152: {  	[tilespmem:v4+s22+$0x18DC0] =	vst.idx.msk $0xffff, v2  }
0x153: {  	v4 =	vor.u32 $0x607, v0;
	v2 =	vld [tilespmem:s25+$0x17C30];
	_ =	sdelay $0x4  }
0x154: {  	[tilespmem:v4+s22+$0x18DC0] =	vst.idx.msk $0xffff, v2  }
0x155: {  	v4 =	vadd.s32 $0x608, v0;
	v2 =	vld [tilespmem:s25+$0x17C80];
	_ =	sdelay $0x4  }
0x156: {  	[tilespmem:v4+s22+$0x18DC0] =	vst.idx.msk $0xffff, v2  }
0x157: {  	v4 =	vadd.s32 $0x609, v0;
	v2 =	vld [tilespmem:s25+$0x17CD0];
	_ =	sdelay $0x4  }
0x158: {  	[tilespmem:v4+s22+$0x18DC0] =	vst.idx.msk $0xffff, v2  }
0x159: {  	v4 =	vadd.s32 $0x60A, v0;
	v2 =	vld [tilespmem:s25+$0x17D20];
	_ =	sdelay $0x4  }
0x15a: {  	[tilespmem:v4+s22+$0x18DC0] =	vst.idx.msk $0xffff, v2  }
0x15b: {  	v4 =	vadd.s32 $0x60B, v0;
	v2 =	vld [tilespmem:s25+$0x17D70];
	_ =	sdelay $0x4  }
0x15c: {  	[tilespmem:v4+s22+$0x18DC0] =	vst.idx.msk $0xffff, v2  }
0x15d: {  	v4 =	vadd.s32 $0x60C, v0;
	v2 =	vld [tilespmem:s25+$0x17DC0];
	_ =	sdelay $0x4  }
0x15e: {  	[tilespmem:v4+s22+$0x18DC0] =	vst.idx.msk $0xffff, v2  }
0x15f: {  	v4 =	vadd.s32 $0x60D, v0;
	v2 =	vld [tilespmem:s25+$0x17E10];
	_ =	sdelay $0x4  }
0x160: {  	[tilespmem:v4+s22+$0x18DC0] =	vst.idx.msk $0xffff, v2  }
0x161: {  	v4 =	vadd.s32 $0x60E, v0;
	v2 =	vld [tilespmem:s25+$0x17E60];
	_ =	sdelay $0x4  }
0x162: {  	[tilespmem:v4+s22+$0x18DC0] =	vst.idx.msk $0xffff, v2  }
0x163: {  	v4 =	vadd.s32 $0x60F, v0;
	v2 =	vld [tilespmem:s25+$0x17EB0];
	_ =	sdelay $0x2  }
0x164: {  	s25 =	sand.u32 $0x1, s20  }
0x165: {  	p0 =	sgt.u32 s20, $0x7A;
	s23 =	smul.u32 $0xA000, s25  }
0x166: {  	s20 =	sadd.s32 @!p0 $0xFFFFFFFF, s18;
	s24 =	sadd.s32 $0x5, s25;
	s25 =	smul.u32 $0x280, s21;
	[tilespmem:v4+s22+$0x18DC0] =	vst.idx.msk $0xffff, v2  }
0x167: {  	s21 =	sadd.s32 $0x7, s21;
	s20 =	sand.u32 @!p0 $0x3, s20;
	_ =	swait.ge [sflag:s24], $0x2800  }
0x168: {  	s23 =	sshrl.u32 s23, $0x2;
	s25 =	sshrl.u32 s25, $0x2;
	[sflag:s24] =	ssyncset.done $0x0  }
0x169: {  	s23 =	sadd.s32 $0x1ABC0, s23;
	[sflag:s24] =	ssyncadd.s32 $0xFFFFD800;
	s24 =	sadd.s32 $0x17790, s25  }
0x16a: {  	[spmem:s3] =	stream.indirect.scatter.add.f32 [tilespmem:s23], [sflag:s21], $0x80, s24, s12, $0xb8;
	[tilespmem:$0x1FBC0] =	vst v63  }
0x16b: {  	s22 =	sadd.s32 $0x18DC0, s22;
	s23 =	smul.u32 @!p0 $0x280, s20  }
0x16c: {  	[spmem:s4] =	stream.indirect.scatter.add.f32 [tilespmem:s22], [sflag:s21], $0x18, s24, s12, $0xb8;
	[tilespmem:$0x1FBC0] =	vst v63  }
0x16d: {  	s21 =	sshrl.u32 @!p0 s23, $0x2;
	s22 =	sadd.s32 @!p0 $0x1, s20;
	s23 =	simm.s32 @!p0 $0x50  }
0x16e: {  	s24 =	simm.s32 @!p0 $0x4E200;
	s20 =	smul.u32 @!p0 $0x1400, s20;
	s21 =	sadd.s32 @!p0 $0x17740, s21  }
0x16f: {  	[tilespmem:s21], [sflag:s22] =	stream.strided.gather @!p0 [hbm4b:s17+s23], $0xA0, s24, s23, $0x38;
	[tilespmem:$0x1FBC0] =	vst v63  }
0x170: {  	s20 =	sshrl.u32 @!p0 s20, $0x2  }
0x171: {  	s18 =	sadd.s32 $0x1, s18;
	s20 =	sadd.s32 @!p0 $0x179C0, s20  }
0x172: {  	[tilespmem:s20], [sflag:s22] =	stream.strided.gather @!p0 [hbm4b:s19+s23], $0x500, s24, s23, $0x38;
	[tilespmem:$0x1FBC0] =	vst v63  }
0x173: {  	p0 =	sne.s32 s18, $0x80  }
.Ltmp2:
0x174: {  	_ = 	snop;
	(pc) =	sbr.rel @p0 .LBB2_6-.Ltmp2, $2  }
0x175: {  	_ =	sdelay $0x2  }
0x176: {  	s17 =	sadd.s32 $0xA, s17;
	s19 =	sadd.s32 $0xA, s19  }
0x177: {  	_ =	swait.ge [sflag:s16], $0x2800  }
0x178: {  	[sflag:s16] =	ssyncset.done $0x0  }
0x179: {  	[sflag:s16] =	ssyncadd.s32 $0xFFFFD800  }
0x17a: {  	_ =	swait.ge [sflag:s16], $0x780  }
0x17b: {  	s17 =	stileid.u32;
	[sflag:s16] =	ssyncset.done $0x0  }
0x17c: {  	s17 =	sshll.u32 s17, $0x6;
	[sflag:s16] =	ssyncadd.s32 $0xFFFFF880  }
0x17d: {  	s18 =	sshrl.u32 s6, $0x3;
	s17 =	sor.u32 $0x1C0B, s17;
	[bflag:$0x0] =	sbarrier.arrive $0xFFFF  }
0x17e: {  	[hbm:s29], [sflag:s17] =	dma.local [spmem:s18], $0x2780  }
0x17f: {  	s5 =	sadd.s32 $0x1, s5;
	_ =	swait.ge [sflag:s0], $0x2780  }
0x180: {  	p0 =	sne.s32 s5, s31;
	[sflag:s0] =	ssyncset.done $0x0  }
.Ltmp3:
0x181: {  	s25 =	sshrl.u32 s7, $0x3;
	[sflag:s0] =	ssyncadd.s32 $0xFFFFD880;
	(pc) =	sbr.rel @p0 .LBB2_1-.Ltmp3, $4  }
0x182: {  	[hbm:s30], [sflag:s17] =	dma.local [spmem:s25], $0x768  }
0x183: {  	_ =	swait.ge [sflag:s0], $0x768  }
0x184: {  	[sflag:s0] =	ssyncset.done $0x0  }
0x185: {  	[sflag:s0] =	ssyncadd.s32 $0xFFFFF898  }
0x186: {  	_ =	sfence.sel $0x180000  }
0x187: {  	[bflag:$0x0] =	sbarrier.arrive $0xFFFF  }
0x188: {  	_ =	strace $0x90000047  }
0x189: {  	s0 =	stileid.u32;
	[bflag:$0x2] =	sbarrier.arrive $0xFFFF  }
0x18a: {  	p0 =	sne.s32 s0, $0x0;
	s0 =	rddreg [dreg:$0x5]  }
0x18b: {  	s0 =	sadd.s32 @!p0 $0x100000, s0  }
0x18c: {  	[sflag:s0] =	ssyncadd.tile.s32 @!p0 $0x1;
	_ =	shalt  }
.Lfunc_end2:
_tile_overlayer_lowered:
.L_overlay_start_2:
0x18d: {  	(tag) =	ssettag $0x2  }
0x18e: {  	s0 =	rddreg [dreg:$0x0];
	s2 =	stileid.u32  }
0x18f: {  	s1 =	rddreg [dreg:$0x1];
	p0 =	sne.s32 s2, $0x0  }
0x190: {  	s3 =	rddreg [dreg:$0x2];
	[bflag:$0x3] =	sbarrier.arrive $0xFFFF;
	s2 =	simm.s32 @!p0 $0x1C0B  }
0x191: {  	[timem:s3], [sflag:s2] =	dma.local @!p0 [hbm:s0], s1  }
0x192: {  	s0 =	simm.s32 @!p0 $0xB  }
0x193: {  	_ =	swait.ge @!p0 [sflag:s0], s1  }
0x194: {  	s1 =	ssub.s32 @!p0 $0x0, s1;
	[sflag:s0] =	ssyncset.done @!p0 $0x0  }
0x195: {  	[sflag:s0] =	ssyncadd.s32 @!p0 s1  }
0x196: {  	[bflag:$0x3] =	sbarrier.arrive $0xFFFF  }
0x197: {  	_ =	shalt  }

</sc_bundles>
